<compile_context>
chip_gen: v7x
topology: tpu7x:2x2x1
jax: 0.10.2.dev20260603
libtpu: 0.0.44.dev20260713+nightly
codegen_flags: <defaults>
</compile_context>

<pallas_src>
import functools

import jax
import jax.numpy as jnp
from jax import lax
from jax.experimental import pallas as pl
from jax.experimental.pallas import tpu as pltpu
from jax.experimental.pallas import tpu_sc as plsc

SEQ = 8192
D = 768
BATCH = 4
TOTAL = BATCH * SEQ
NC, NS = 2, 16
NW = NC * NS
PER_W = TOTAL // NW
W_PER_B = SEQ // PER_W
CH = 32
NCHUNK = PER_W // CH
NBUF = 4


def _build():
    mesh = plsc.VectorSubcoreMesh(core_axis_name="c", subcore_axis_name="s")

    @functools.partial(
        pl.kernel,
        mesh=mesh,
        out_type=jax.ShapeDtypeStruct((BATCH, SEQ, D), jnp.float32),
        scratch_types=[
            pltpu.VMEM((PER_W,), jnp.int32),
        ] + [pltpu.VMEM((CH, D), jnp.float32)] * NBUF
          + [pltpu.SemaphoreType.DMA] * (2 * NBUF),
    )
    def gather_kernel(idx_hbm, table_hbm, out_hbm, idx_v, *rest):
        bufs = rest[:NBUF]
        gsems = rest[NBUF:2 * NBUF]
        wsems = rest[2 * NBUF:]
        wid = lax.axis_index("s") * NC + lax.axis_index("c")
        bb = wid // W_PER_B
        s0 = (wid % W_PER_B) * PER_W
        pltpu.sync_copy(idx_hbm.at[bb, pl.ds(s0, PER_W)], idx_v)

        gcp = [None] * NBUF
        wcp = [None] * NBUF
        for b in range(NBUF):
            gcp[b] = pltpu.async_copy(
                table_hbm.at[idx_v.at[pl.ds(b * CH, CH)]], bufs[b], gsems[b])
        for j in range(NCHUNK):
            b = j % NBUF
            gcp[b].wait()
            wcp[b] = pltpu.async_copy(
                bufs[b], out_hbm.at[bb, pl.ds(s0 + j * CH, CH)], wsems[b])
            if j + NBUF < NCHUNK:
                wcp[b].wait()
                gcp[b] = pltpu.async_copy(
                    table_hbm.at[idx_v.at[pl.ds((j + NBUF) * CH, CH)]],
                    bufs[b], gsems[b])
        for b in range(NBUF):
            wcp[b].wait()

    return gather_kernel


_gather = _build()


@jax.jit
def kernel(t, weight):
    return _gather(t.astype(jnp.int32), weight)

# --- scband reference (transcript-rebuilt; emitter-appended) ---
"""Pipeline reference for scband-learned-positional-encoding-34248069219194 (READ-ONLY COPY).

The authoritative reference and input builder live on the scoring server;
editing this copy changes nothing except your own understanding.
"""

import jax, jax.numpy as jnp
import numpy as np

SEQ_LEN = 8192
D_MODEL = 768
BATCH = 4


def setup_inputs(seed: int = 0) -> dict:
    key = jax.random.key(seed)
    k_t, k_w = jax.random.split(key)
    t = jax.random.randint(k_t, (BATCH, SEQ_LEN), 0, SEQ_LEN, dtype=jnp.int64 if jax.config.read('jax_enable_x64') else jnp.int32)
    weight = jax.random.normal(k_w, (SEQ_LEN, D_MODEL), dtype=jnp.float32) * 0.01
    return {"t": t, "weight": weight}


def reference(t, weight):
    # Faithful translation of: return self.weight[t]
    # gather rows of the positional table by index tensor t -> [B, S, d_model]
    return jnp.take(weight, t, axis=0)

if __name__ == "__main__":
    import jax
    _d = setup_inputs()
    print(jax.jit(kernel)(*tuple(_d.values())))

</pallas_src>

<mosaic_0001>
#map = affine_map<(d0, d1) -> (0, 0)>
#map1 = affine_map<(d0, d1) -> (0, 0, 0)>
module attributes {stable_mosaic.version = 14 : i64} {
  func.func @gather_kernel(%arg0: i32, %arg1: i32, %arg2: memref<4x8192xi32, #tpu.memory_space<hbm>>, %arg3: memref<8192x768xf32, #tpu.memory_space<hbm>>, %arg4: memref<4x8192x768xf32, #tpu.memory_space<hbm>>, %arg5: memref<1024xi32, #tpu.memory_space<vmem>>, %arg6: memref<32x768xf32, #tpu.memory_space<vmem>>, %arg7: memref<32x768xf32, #tpu.memory_space<vmem>>, %arg8: memref<32x768xf32, #tpu.memory_space<vmem>>, %arg9: memref<32x768xf32, #tpu.memory_space<vmem>>, %arg10: memref<!tpu.dma_semaphore, #tpu.memory_space<semaphore_mem>>, %arg11: memref<!tpu.dma_semaphore, #tpu.memory_space<semaphore_mem>>, %arg12: memref<!tpu.dma_semaphore, #tpu.memory_space<semaphore_mem>>, %arg13: memref<!tpu.dma_semaphore, #tpu.memory_space<semaphore_mem>>, %arg14: memref<!tpu.dma_semaphore, #tpu.memory_space<semaphore_mem>>, %arg15: memref<!tpu.dma_semaphore, #tpu.memory_space<semaphore_mem>>, %arg16: memref<!tpu.dma_semaphore, #tpu.memory_space<semaphore_mem>>, %arg17: memref<!tpu.dma_semaphore, #tpu.memory_space<semaphore_mem>>) attributes {dimension_semantics = [#tpu.dimension_semantics<core_parallel>, #tpu.dimension_semantics<subcore_parallel>], iteration_bounds = array<i64: 2, 16>, scalar_prefetch = 0 : i64, scratch_operands = 13 : i64, tpu.core_type = #tpu.core_type<sc_vector_subcore>, window_params = [{transform_indices = #map}, {transform_indices = #map}, {transform_indices = #map1}]} {
    %mul3A = arith.constant 2 : i32
    %mul3A_0 = arith.muli %arg1, %mul3A : i32
    %add3A = arith.addi %mul3A_0, %arg0 : i32
    %jit3A = arith.constant 8 : i32
    %div3A = arith.divsi %add3A, %jit3A : i32
    %sign3A = arith.constant 0 : i32
    %sign3A_1 = arith.cmpi sgt, %add3A, %sign3A : i32
    %sign3A_2 = arith.extui %sign3A_1 : i1 to i32
    %sign3A_3 = arith.constant 0 : i32
    %sign3A_4 = arith.cmpi slt, %add3A, %sign3A_3 : i32
    %sign3A_5 = arith.extui %sign3A_4 : i1 to i32
    %sign3A_6 = arith.subi %sign3A_2, %sign3A_5 : i32
    %sign3A_7 = arith.constant 0 : i32
    %sign3A_8 = arith.cmpi sgt, %jit3A, %sign3A_7 : i32
    %sign3A_9 = arith.extui %sign3A_8 : i1 to i32
    %sign3A_10 = arith.constant 0 : i32
    %sign3A_11 = arith.cmpi slt, %jit3A, %sign3A_10 : i32
    %sign3A_12 = arith.extui %sign3A_11 : i1 to i32
    %sign3A_13 = arith.subi %sign3A_9, %sign3A_12 : i32
    %ne3A = arith.cmpi ne, %sign3A_6, %sign3A_13 : i32
    %rem3A = arith.remsi %add3A, %jit3A : i32
    %ne3A_14 = arith.constant 0 : i32
    %ne3A_15 = arith.cmpi ne, %rem3A, %ne3A_14 : i32
    %and3A = arith.andi %ne3A, %ne3A_15 : i1
    %sub3A = arith.constant 1 : i32
    %sub3A_16 = arith.subi %div3A, %sub3A : i32
    %select_n3A = arith.select %and3A, %sub3A_16, %div3A : i32
    %jit3A_17 = arith.constant 8 : i32
    %eq3A = arith.constant 0 : i32
    %eq3A_18 = arith.cmpi eq, %jit3A_17, %eq3A : i32
    %jit3A_19 = arith.constant 1 : i32
    %select_n3A_20 = arith.select %eq3A_18, %jit3A_19, %jit3A_17 : i32
    %rem3A_21 = arith.remsi %add3A, %select_n3A_20 : i32
    %ne3A_22 = arith.constant 0 : i32
    %ne3A_23 = arith.cmpi ne, %rem3A_21, %ne3A_22 : i32
    %lt3A = arith.constant 0 : i32
    %lt3A_24 = arith.cmpi slt, %rem3A_21, %lt3A : i32
    %lt3A_25 = arith.constant 0 : i32
    %lt3A_26 = arith.cmpi slt, %select_n3A_20, %lt3A_25 : i32
    %ne3A_27 = arith.xori %lt3A_24, %lt3A_26 : i1
    %and3A_28 = arith.andi %ne3A_27, %ne3A_23 : i1
    %add3A_29 = arith.addi %rem3A_21, %select_n3A_20 : i32
    %select_n3A_30 = arith.select %and3A_28, %add3A_29, %rem3A_21 : i32
    %mul3A_31 = arith.constant 1024 : i32
    %mul3A_32 = arith.muli %select_n3A_30, %mul3A_31 : i32
    "tpu.region"() ({
      %run_scoped3A = tpu.sem_alloc : memref<!tpu.dma_semaphore, #tpu.memory_space<semaphore_mem>>
      %dma_start3A_799 = tpu.memref_slice %arg2[%select_n3A, %mul3A_32] : memref<4x8192xi32, #tpu.memory_space<hbm>> -> memref<1x1024xi32, #tpu.memory_space<hbm>>
      %dma_start3A_800 = tpu.memref_squeeze %dma_start3A_799 : memref<1x1024xi32, #tpu.memory_space<hbm>> -> memref<1024xi32, #tpu.memory_space<hbm>>
      %dma_start3A_801 = tpu.memref_slice %arg2[%select_n3A, %mul3A_32] : memref<4x8192xi32, #tpu.memory_space<hbm>> -> memref<1x1024xi32, #tpu.memory_space<hbm>>
      %dma_start3A_802 = tpu.memref_squeeze %dma_start3A_801 : memref<1x1024xi32, #tpu.memory_space<hbm>> -> memref<1024xi32, #tpu.memory_space<hbm>>
      tpu.enqueue_dma source(%dma_start3A_802 : memref<1024xi32, #tpu.memory_space<hbm>>) target(%arg5 : memref<1024xi32, #tpu.memory_space<vmem>>) target_semaphore(%run_scoped3A : memref<!tpu.dma_semaphore, #tpu.memory_space<semaphore_mem>>)
      %dma_wait3A_803 = tpu.memref_slice %arg2[%select_n3A, %mul3A_32] : memref<4x8192xi32, #tpu.memory_space<hbm>> -> memref<1x1024xi32, #tpu.memory_space<hbm>>
      %dma_wait3A_804 = tpu.memref_squeeze %dma_wait3A_803 : memref<1x1024xi32, #tpu.memory_space<hbm>> -> memref<1024xi32, #tpu.memory_space<hbm>>
      %dma_wait3A_805 = tpu.memref_slice %arg2[%select_n3A, %mul3A_32] : memref<4x8192xi32, #tpu.memory_space<hbm>> -> memref<1x1024xi32, #tpu.memory_space<hbm>>
      %dma_wait3A_806 = tpu.memref_squeeze %dma_wait3A_805 : memref<1x1024xi32, #tpu.memory_space<hbm>> -> memref<1024xi32, #tpu.memory_space<hbm>>
      tpu.wait_dma2 semaphore(%run_scoped3A : memref<!tpu.dma_semaphore, #tpu.memory_space<semaphore_mem>>) src(%dma_wait3A_806 : memref<1024xi32, #tpu.memory_space<hbm>>) dst(%arg5 : memref<1024xi32, #tpu.memory_space<vmem>>)
      tpu.yield
    }) : () -> ()
    %dma_start3A = arith.constant 0 : i32
    %dma_start3A_33 = tpu.memref_slice %arg5[%dma_start3A] : memref<1024xi32, #tpu.memory_space<vmem>> -> memref<32xi32, #tpu.memory_space<vmem>>
    %dma_start3A_34 = arith.constant 0 : i32
    %dma_start3A_35 = arith.constant 0 : i32
    %dma_start3A_36 = tpu.memref_slice %arg3[%dma_start3A_34, %dma_start3A_35] : memref<8192x768xf32, #tpu.memory_space<hbm>> -> memref<8192x768xf32, #tpu.memory_space<hbm>>
    tpu.enqueue_indirect_dma source(%dma_start3A_36 : memref<8192x768xf32, #tpu.memory_space<hbm>>) target(%arg6 : memref<32x768xf32, #tpu.memory_space<vmem>>) offsets(%dma_start3A_33 : memref<32xi32, #tpu.memory_space<vmem>>) semaphore(%arg10 : memref<!tpu.dma_semaphore, #tpu.memory_space<semaphore_mem>>)
    %dma_start3A_37 = arith.constant 32 : i32
    %dma_start3A_38 = tpu.memref_slice %arg5[%dma_start3A_37] : memref<1024xi32, #tpu.memory_space<vmem>> -> memref<32xi32, #tpu.memory_space<vmem>>
    %dma_start3A_39 = arith.constant 0 : i32
    %dma_start3A_40 = arith.constant 0 : i32
    %dma_start3A_41 = tpu.memref_slice %arg3[%dma_start3A_39, %dma_start3A_40] : memref<8192x768xf32, #tpu.memory_space<hbm>> -> memref<8192x768xf32, #tpu.memory_space<hbm>>
    tpu.enqueue_indirect_dma source(%dma_start3A_41 : memref<8192x768xf32, #tpu.memory_space<hbm>>) target(%arg7 : memref<32x768xf32, #tpu.memory_space<vmem>>) offsets(%dma_start3A_38 : memref<32xi32, #tpu.memory_space<vmem>>) semaphore(%arg11 : memref<!tpu.dma_semaphore, #tpu.memory_space<semaphore_mem>>)
    %dma_start3A_42 = arith.constant 64 : i32
    %dma_start3A_43 = tpu.memref_slice %arg5[%dma_start3A_42] : memref<1024xi32, #tpu.memory_space<vmem>> -> memref<32xi32, #tpu.memory_space<vmem>>
    %dma_start3A_44 = arith.constant 0 : i32
    %dma_start3A_45 = arith.constant 0 : i32
    %dma_start3A_46 = tpu.memref_slice %arg3[%dma_start3A_44, %dma_start3A_45] : memref<8192x768xf32, #tpu.memory_space<hbm>> -> memref<8192x768xf32, #tpu.memory_space<hbm>>
    tpu.enqueue_indirect_dma source(%dma_start3A_46 : memref<8192x768xf32, #tpu.memory_space<hbm>>) target(%arg8 : memref<32x768xf32, #tpu.memory_space<vmem>>) offsets(%dma_start3A_43 : memref<32xi32, #tpu.memory_space<vmem>>) semaphore(%arg12 : memref<!tpu.dma_semaphore, #tpu.memory_space<semaphore_mem>>)
    %dma_start3A_47 = arith.constant 96 : i32
    %dma_start3A_48 = tpu.memref_slice %arg5[%dma_start3A_47] : memref<1024xi32, #tpu.memory_space<vmem>> -> memref<32xi32, #tpu.memory_space<vmem>>
    %dma_start3A_49 = arith.constant 0 : i32
    %dma_start3A_50 = arith.constant 0 : i32
    %dma_start3A_51 = tpu.memref_slice %arg3[%dma_start3A_49, %dma_start3A_50] : memref<8192x768xf32, #tpu.memory_space<hbm>> -> memref<8192x768xf32, #tpu.memory_space<hbm>>
    tpu.enqueue_indirect_dma source(%dma_start3A_51 : memref<8192x768xf32, #tpu.memory_space<hbm>>) target(%arg9 : memref<32x768xf32, #tpu.memory_space<vmem>>) offsets(%dma_start3A_48 : memref<32xi32, #tpu.memory_space<vmem>>) semaphore(%arg13 : memref<!tpu.dma_semaphore, #tpu.memory_space<semaphore_mem>>)
    %dma_wait3A = arith.constant 0 : i32
    %dma_wait3A_52 = tpu.memref_slice %arg5[%dma_wait3A] : memref<1024xi32, #tpu.memory_space<vmem>> -> memref<32xi32, #tpu.memory_space<vmem>>
    %dma_wait3A_53 = arith.constant 0 : i32
    %dma_wait3A_54 = arith.constant 0 : i32
    %dma_wait3A_55 = tpu.memref_slice %arg3[%dma_wait3A_53, %dma_wait3A_54] : memref<8192x768xf32, #tpu.memory_space<hbm>> -> memref<8192x768xf32, #tpu.memory_space<hbm>>
    tpu.wait_indirect_dma semaphore(%arg10 : memref<!tpu.dma_semaphore, #tpu.memory_space<semaphore_mem>>) src(%dma_wait3A_55 : memref<8192x768xf32, #tpu.memory_space<hbm>>) dst(%arg6 : memref<32x768xf32, #tpu.memory_space<vmem>>)
    %add3A_56 = arith.constant 0 : i32
    %add3A_57 = arith.addi %mul3A_32, %add3A_56 : i32
    %dma_start3A_58 = arith.constant 0 : i32
    %dma_start3A_59 = tpu.memref_slice %arg4[%select_n3A, %add3A_57, %dma_start3A_58] : memref<4x8192x768xf32, #tpu.memory_space<hbm>> -> memref<1x32x768xf32, #tpu.memory_space<hbm>>
    %dma_start3A_60 = tpu.memref_squeeze %dma_start3A_59 : memref<1x32x768xf32, #tpu.memory_space<hbm>> -> memref<32x768xf32, #tpu.memory_space<hbm>>
    %dma_start3A_61 = arith.constant 0 : i32
    %dma_start3A_62 = tpu.memref_slice %arg4[%select_n3A, %add3A_57, %dma_start3A_61] : memref<4x8192x768xf32, #tpu.memory_space<hbm>> -> memref<1x32x768xf32, #tpu.memory_space<hbm>>
    %dma_start3A_63 = tpu.memref_squeeze %dma_start3A_62 : memref<1x32x768xf32, #tpu.memory_space<hbm>> -> memref<32x768xf32, #tpu.memory_space<hbm>>
    tpu.enqueue_dma source(%arg6 : memref<32x768xf32, #tpu.memory_space<vmem>>) target(%dma_start3A_63 : memref<32x768xf32, #tpu.memory_space<hbm>>) target_semaphore(%arg14 : memref<!tpu.dma_semaphore, #tpu.memory_space<semaphore_mem>>)
    %dma_wait3A_64 = arith.constant 0 : i32
    %dma_wait3A_65 = tpu.memref_slice %arg4[%select_n3A, %add3A_57, %dma_wait3A_64] : memref<4x8192x768xf32, #tpu.memory_space<hbm>> -> memref<1x32x768xf32, #tpu.memory_space<hbm>>
    %dma_wait3A_66 = tpu.memref_squeeze %dma_wait3A_65 : memref<1x32x768xf32, #tpu.memory_space<hbm>> -> memref<32x768xf32, #tpu.memory_space<hbm>>
    %dma_wait3A_67 = arith.constant 0 : i32
    %dma_wait3A_68 = tpu.memref_slice %arg4[%select_n3A, %add3A_57, %dma_wait3A_67] : memref<4x8192x768xf32, #tpu.memory_space<hbm>> -> memref<1x32x768xf32, #tpu.memory_space<hbm>>
    %dma_wait3A_69 = tpu.memref_squeeze %dma_wait3A_68 : memref<1x32x768xf32, #tpu.memory_space<hbm>> -> memref<32x768xf32, #tpu.memory_space<hbm>>
    tpu.wait_dma2 semaphore(%arg14 : memref<!tpu.dma_semaphore, #tpu.memory_space<semaphore_mem>>) src(%arg6 : memref<32x768xf32, #tpu.memory_space<vmem>>) dst(%dma_wait3A_69 : memref<32x768xf32, #tpu.memory_space<hbm>>)
    %dma_start3A_70 = arith.constant 128 : i32
    %dma_start3A_71 = tpu.memref_slice %arg5[%dma_start3A_70] : memref<1024xi32, #tpu.memory_space<vmem>> -> memref<32xi32, #tpu.memory_space<vmem>>
    %dma_start3A_72 = arith.constant 0 : i32
    %dma_start3A_73 = arith.constant 0 : i32
    %dma_start3A_74 = tpu.memref_slice %arg3[%dma_start3A_72, %dma_start3A_73] : memref<8192x768xf32, #tpu.memory_space<hbm>> -> memref<8192x768xf32, #tpu.memory_space<hbm>>
    tpu.enqueue_indirect_dma source(%dma_start3A_74 : memref<8192x768xf32, #tpu.memory_space<hbm>>) target(%arg6 : memref<32x768xf32, #tpu.memory_space<vmem>>) offsets(%dma_start3A_71 : memref<32xi32, #tpu.memory_space<vmem>>) semaphore(%arg10 : memref<!tpu.dma_semaphore, #tpu.memory_space<semaphore_mem>>)
    %dma_wait3A_75 = arith.constant 32 : i32
    %dma_wait3A_76 = tpu.memref_slice %arg5[%dma_wait3A_75] : memref<1024xi32, #tpu.memory_space<vmem>> -> memref<32xi32, #tpu.memory_space<vmem>>
    %dma_wait3A_77 = arith.constant 0 : i32
    %dma_wait3A_78 = arith.constant 0 : i32
    %dma_wait3A_79 = tpu.memref_slice %arg3[%dma_wait3A_77, %dma_wait3A_78] : memref<8192x768xf32, #tpu.memory_space<hbm>> -> memref<8192x768xf32, #tpu.memory_space<hbm>>
    tpu.wait_indirect_dma semaphore(%arg11 : memref<!tpu.dma_semaphore, #tpu.memory_space<semaphore_mem>>) src(%dma_wait3A_79 : memref<8192x768xf32, #tpu.memory_space<hbm>>) dst(%arg7 : memref<32x768xf32, #tpu.memory_space<vmem>>)
    %add3A_80 = arith.constant 32 : i32
    %add3A_81 = arith.addi %mul3A_32, %add3A_80 : i32
    %dma_start3A_82 = arith.constant 0 : i32
    %dma_start3A_83 = tpu.memref_slice %arg4[%select_n3A, %add3A_81, %dma_start3A_82] : memref<4x8192x768xf32, #tpu.memory_space<hbm>> -> memref<1x32x768xf32, #tpu.memory_space<hbm>>
    %dma_start3A_84 = tpu.memref_squeeze %dma_start3A_83 : memref<1x32x768xf32, #tpu.memory_space<hbm>> -> memref<32x768xf32, #tpu.memory_space<hbm>>
    %dma_start3A_85 = arith.constant 0 : i32
    %dma_start3A_86 = tpu.memref_slice %arg4[%select_n3A, %add3A_81, %dma_start3A_85] : memref<4x8192x768xf32, #tpu.memory_space<hbm>> -> memref<1x32x768xf32, #tpu.memory_space<hbm>>
    %dma_start3A_87 = tpu.memref_squeeze %dma_start3A_86 : memref<1x32x768xf32, #tpu.memory_space<hbm>> -> memref<32x768xf32, #tpu.memory_space<hbm>>
    tpu.enqueue_dma source(%arg7 : memref<32x768xf32, #tpu.memory_space<vmem>>) target(%dma_start3A_87 : memref<32x768xf32, #tpu.memory_space<hbm>>) target_semaphore(%arg15 : memref<!tpu.dma_semaphore, #tpu.memory_space<semaphore_mem>>)
    %dma_wait3A_88 = arith.constant 0 : i32
    %dma_wait3A_89 = tpu.memref_slice %arg4[%select_n3A, %add3A_81, %dma_wait3A_88] : memref<4x8192x768xf32, #tpu.memory_space<hbm>> -> memref<1x32x768xf32, #tpu.memory_space<hbm>>
    %dma_wait3A_90 = tpu.memref_squeeze %dma_wait3A_89 : memref<1x32x768xf32, #tpu.memory_space<hbm>> -> memref<32x768xf32, #tpu.memory_space<hbm>>
    %dma_wait3A_91 = arith.constant 0 : i32
    %dma_wait3A_92 = tpu.memref_slice %arg4[%select_n3A, %add3A_81, %dma_wait3A_91] : memref<4x8192x768xf32, #tpu.memory_space<hbm>> -> memref<1x32x768xf32, #tpu.memory_space<hbm>>
    %dma_wait3A_93 = tpu.memref_squeeze %dma_wait3A_92 : memref<1x32x768xf32, #tpu.memory_space<hbm>> -> memref<32x768xf32, #tpu.memory_space<hbm>>
    tpu.wait_dma2 semaphore(%arg15 : memref<!tpu.dma_semaphore, #tpu.memory_space<semaphore_mem>>) src(%arg7 : memref<32x768xf32, #tpu.memory_space<vmem>>) dst(%dma_wait3A_93 : memref<32x768xf32, #tpu.memory_space<hbm>>)
    %dma_start3A_94 = arith.constant 160 : i32
    %dma_start3A_95 = tpu.memref_slice %arg5[%dma_start3A_94] : memref<1024xi32, #tpu.memory_space<vmem>> -> memref<32xi32, #tpu.memory_space<vmem>>
    %dma_start3A_96 = arith.constant 0 : i32
    %dma_start3A_97 = arith.constant 0 : i32
    %dma_start3A_98 = tpu.memref_slice %arg3[%dma_start3A_96, %dma_start3A_97] : memref<8192x768xf32, #tpu.memory_space<hbm>> -> memref<8192x768xf32, #tpu.memory_space<hbm>>
    tpu.enqueue_indirect_dma source(%dma_start3A_98 : memref<8192x768xf32, #tpu.memory_space<hbm>>) target(%arg7 : memref<32x768xf32, #tpu.memory_space<vmem>>) offsets(%dma_start3A_95 : memref<32xi32, #tpu.memory_space<vmem>>) semaphore(%arg11 : memref<!tpu.dma_semaphore, #tpu.memory_space<semaphore_mem>>)
    %dma_wait3A_99 = arith.constant 64 : i32
    %dma_wait3A_100 = tpu.memref_slice %arg5[%dma_wait3A_99] : memref<1024xi32, #tpu.memory_space<vmem>> -> memref<32xi32, #tpu.memory_space<vmem>>
    %dma_wait3A_101 = arith.constant 0 : i32
    %dma_wait3A_102 = arith.constant 0 : i32
    %dma_wait3A_103 = tpu.memref_slice %arg3[%dma_wait3A_101, %dma_wait3A_102] : memref<8192x768xf32, #tpu.memory_space<hbm>> -> memref<8192x768xf32, #tpu.memory_space<hbm>>
    tpu.wait_indirect_dma semaphore(%arg12 : memref<!tpu.dma_semaphore, #tpu.memory_space<semaphore_mem>>) src(%dma_wait3A_103 : memref<8192x768xf32, #tpu.memory_space<hbm>>) dst(%arg8 : memref<32x768xf32, #tpu.memory_space<vmem>>)
    %add3A_104 = arith.constant 64 : i32
    %add3A_105 = arith.addi %mul3A_32, %add3A_104 : i32
    %dma_start3A_106 = arith.constant 0 : i32
    %dma_start3A_107 = tpu.memref_slice %arg4[%select_n3A, %add3A_105, %dma_start3A_106] : memref<4x8192x768xf32, #tpu.memory_space<hbm>> -> memref<1x32x768xf32, #tpu.memory_space<hbm>>
    %dma_start3A_108 = tpu.memref_squeeze %dma_start3A_107 : memref<1x32x768xf32, #tpu.memory_space<hbm>> -> memref<32x768xf32, #tpu.memory_space<hbm>>
    %dma_start3A_109 = arith.constant 0 : i32
    %dma_start3A_110 = tpu.memref_slice %arg4[%select_n3A, %add3A_105, %dma_start3A_109] : memref<4x8192x768xf32, #tpu.memory_space<hbm>> -> memref<1x32x768xf32, #tpu.memory_space<hbm>>
    %dma_start3A_111 = tpu.memref_squeeze %dma_start3A_110 : memref<1x32x768xf32, #tpu.memory_space<hbm>> -> memref<32x768xf32, #tpu.memory_space<hbm>>
    tpu.enqueue_dma source(%arg8 : memref<32x768xf32, #tpu.memory_space<vmem>>) target(%dma_start3A_111 : memref<32x768xf32, #tpu.memory_space<hbm>>) target_semaphore(%arg16 : memref<!tpu.dma_semaphore, #tpu.memory_space<semaphore_mem>>)
    %dma_wait3A_112 = arith.constant 0 : i32
    %dma_wait3A_113 = tpu.memref_slice %arg4[%select_n3A, %add3A_105, %dma_wait3A_112] : memref<4x8192x768xf32, #tpu.memory_space<hbm>> -> memref<1x32x768xf32, #tpu.memory_space<hbm>>
    %dma_wait3A_114 = tpu.memref_squeeze %dma_wait3A_113 : memref<1x32x768xf32, #tpu.memory_space<hbm>> -> memref<32x768xf32, #tpu.memory_space<hbm>>
    %dma_wait3A_115 = arith.constant 0 : i32
    %dma_wait3A_116 = tpu.memref_slice %arg4[%select_n3A, %add3A_105, %dma_wait3A_115] : memref<4x8192x768xf32, #tpu.memory_space<hbm>> -> memref<1x32x768xf32, #tpu.memory_space<hbm>>
    %dma_wait3A_117 = tpu.memref_squeeze %dma_wait3A_116 : memref<1x32x768xf32, #tpu.memory_space<hbm>> -> memref<32x768xf32, #tpu.memory_space<hbm>>
    tpu.wait_dma2 semaphore(%arg16 : memref<!tpu.dma_semaphore, #tpu.memory_space<semaphore_mem>>) src(%arg8 : memref<32x768xf32, #tpu.memory_space<vmem>>) dst(%dma_wait3A_117 : memref<32x768xf32, #tpu.memory_space<hbm>>)
    %dma_start3A_118 = arith.constant 192 : i32
    %dma_start3A_119 = tpu.memref_slice %arg5[%dma_start3A_118] : memref<1024xi32, #tpu.memory_space<vmem>> -> memref<32xi32, #tpu.memory_space<vmem>>
    %dma_start3A_120 = arith.constant 0 : i32
    %dma_start3A_121 = arith.constant 0 : i32
    %dma_start3A_122 = tpu.memref_slice %arg3[%dma_start3A_120, %dma_start3A_121] : memref<8192x768xf32, #tpu.memory_space<hbm>> -> memref<8192x768xf32, #tpu.memory_space<hbm>>
    tpu.enqueue_indirect_dma source(%dma_start3A_122 : memref<8192x768xf32, #tpu.memory_space<hbm>>) target(%arg8 : memref<32x768xf32, #tpu.memory_space<vmem>>) offsets(%dma_start3A_119 : memref<32xi32, #tpu.memory_space<vmem>>) semaphore(%arg12 : memref<!tpu.dma_semaphore, #tpu.memory_space<semaphore_mem>>)
    %dma_wait3A_123 = arith.constant 96 : i32
    %dma_wait3A_124 = tpu.memref_slice %arg5[%dma_wait3A_123] : memref<1024xi32, #tpu.memory_space<vmem>> -> memref<32xi32, #tpu.memory_space<vmem>>
    %dma_wait3A_125 = arith.constant 0 : i32
    %dma_wait3A_126 = arith.constant 0 : i32
    %dma_wait3A_127 = tpu.memref_slice %arg3[%dma_wait3A_125, %dma_wait3A_126] : memref<8192x768xf32, #tpu.memory_space<hbm>> -> memref<8192x768xf32, #tpu.memory_space<hbm>>
    tpu.wait_indirect_dma semaphore(%arg13 : memref<!tpu.dma_semaphore, #tpu.memory_space<semaphore_mem>>) src(%dma_wait3A_127 : memref<8192x768xf32, #tpu.memory_space<hbm>>) dst(%arg9 : memref<32x768xf32, #tpu.memory_space<vmem>>)
    %add3A_128 = arith.constant 96 : i32
    %add3A_129 = arith.addi %mul3A_32, %add3A_128 : i32
    %dma_start3A_130 = arith.constant 0 : i32
    %dma_start3A_131 = tpu.memref_slice %arg4[%select_n3A, %add3A_129, %dma_start3A_130] : memref<4x8192x768xf32, #tpu.memory_space<hbm>> -> memref<1x32x768xf32, #tpu.memory_space<hbm>>
    %dma_start3A_132 = tpu.memref_squeeze %dma_start3A_131 : memref<1x32x768xf32, #tpu.memory_space<hbm>> -> memref<32x768xf32, #tpu.memory_space<hbm>>
    %dma_start3A_133 = arith.constant 0 : i32
    %dma_start3A_134 = tpu.memref_slice %arg4[%select_n3A, %add3A_129, %dma_start3A_133] : memref<4x8192x768xf32, #tpu.memory_space<hbm>> -> memref<1x32x768xf32, #tpu.memory_space<hbm>>
    %dma_start3A_135 = tpu.memref_squeeze %dma_start3A_134 : memref<1x32x768xf32, #tpu.memory_space<hbm>> -> memref<32x768xf32, #tpu.memory_space<hbm>>
    tpu.enqueue_dma source(%arg9 : memref<32x768xf32, #tpu.memory_space<vmem>>) target(%dma_start3A_135 : memref<32x768xf32, #tpu.memory_space<hbm>>) target_semaphore(%arg17 : memref<!tpu.dma_semaphore, #tpu.memory_space<semaphore_mem>>)
    %dma_wait3A_136 = arith.constant 0 : i32
    %dma_wait3A_137 = tpu.memref_slice %arg4[%select_n3A, %add3A_129, %dma_wait3A_136] : memref<4x8192x768xf32, #tpu.memory_space<hbm>> -> memref<1x32x768xf32, #tpu.memory_space<hbm>>
    %dma_wait3A_138 = tpu.memref_squeeze %dma_wait3A_137 : memref<1x32x768xf32, #tpu.memory_space<hbm>> -> memref<32x768xf32, #tpu.memory_space<hbm>>
    %dma_wait3A_139 = arith.constant 0 : i32
    %dma_wait3A_140 = tpu.memref_slice %arg4[%select_n3A, %add3A_129, %dma_wait3A_139] : memref<4x8192x768xf32, #tpu.memory_space<hbm>> -> memref<1x32x768xf32, #tpu.memory_space<hbm>>
    %dma_wait3A_141 = tpu.memref_squeeze %dma_wait3A_140 : memref<1x32x768xf32, #tpu.memory_space<hbm>> -> memref<32x768xf32, #tpu.memory_space<hbm>>
    tpu.wait_dma2 semaphore(%arg17 : memref<!tpu.dma_semaphore, #tpu.memory_space<semaphore_mem>>) src(%arg9 : memref<32x768xf32, #tpu.memory_space<vmem>>) dst(%dma_wait3A_141 : memref<32x768xf32, #tpu.memory_space<hbm>>)
    %dma_start3A_142 = arith.constant 224 : i32
    %dma_start3A_143 = tpu.memref_slice %arg5[%dma_start3A_142] : memref<1024xi32, #tpu.memory_space<vmem>> -> memref<32xi32, #tpu.memory_space<vmem>>
    %dma_start3A_144 = arith.constant 0 : i32
    %dma_start3A_145 = arith.constant 0 : i32
    %dma_start3A_146 = tpu.memref_slice %arg3[%dma_start3A_144, %dma_start3A_145] : memref<8192x768xf32, #tpu.memory_space<hbm>> -> memref<8192x768xf32, #tpu.memory_space<hbm>>
    tpu.enqueue_indirect_dma source(%dma_start3A_146 : memref<8192x768xf32, #tpu.memory_space<hbm>>) target(%arg9 : memref<32x768xf32, #tpu.memory_space<vmem>>) offsets(%dma_start3A_143 : memref<32xi32, #tpu.memory_space<vmem>>) semaphore(%arg13 : memref<!tpu.dma_semaphore, #tpu.memory_space<semaphore_mem>>)
    %dma_wait3A_147 = arith.constant 128 : i32
    %dma_wait3A_148 = tpu.memref_slice %arg5[%dma_wait3A_147] : memref<1024xi32, #tpu.memory_space<vmem>> -> memref<32xi32, #tpu.memory_space<vmem>>
    %dma_wait3A_149 = arith.constant 0 : i32
    %dma_wait3A_150 = arith.constant 0 : i32
    %dma_wait3A_151 = tpu.memref_slice %arg3[%dma_wait3A_149, %dma_wait3A_150] : memref<8192x768xf32, #tpu.memory_space<hbm>> -> memref<8192x768xf32, #tpu.memory_space<hbm>>
    tpu.wait_indirect_dma semaphore(%arg10 : memref<!tpu.dma_semaphore, #tpu.memory_space<semaphore_mem>>) src(%dma_wait3A_151 : memref<8192x768xf32, #tpu.memory_space<hbm>>) dst(%arg6 : memref<32x768xf32, #tpu.memory_space<vmem>>)
    %add3A_152 = arith.constant 128 : i32
    %add3A_153 = arith.addi %mul3A_32, %add3A_152 : i32
    %dma_start3A_154 = arith.constant 0 : i32
    %dma_start3A_155 = tpu.memref_slice %arg4[%select_n3A, %add3A_153, %dma_start3A_154] : memref<4x8192x768xf32, #tpu.memory_space<hbm>> -> memref<1x32x768xf32, #tpu.memory_space<hbm>>
    %dma_start3A_156 = tpu.memref_squeeze %dma_start3A_155 : memref<1x32x768xf32, #tpu.memory_space<hbm>> -> memref<32x768xf32, #tpu.memory_space<hbm>>
    %dma_start3A_157 = arith.constant 0 : i32
    %dma_start3A_158 = tpu.memref_slice %arg4[%select_n3A, %add3A_153, %dma_start3A_157] : memref<4x8192x768xf32, #tpu.memory_space<hbm>> -> memref<1x32x768xf32, #tpu.memory_space<hbm>>
    %dma_start3A_159 = tpu.memref_squeeze %dma_start3A_158 : memref<1x32x768xf32, #tpu.memory_space<hbm>> -> memref<32x768xf32, #tpu.memory_space<hbm>>
    tpu.enqueue_dma source(%arg6 : memref<32x768xf32, #tpu.memory_space<vmem>>) target(%dma_start3A_159 : memref<32x768xf32, #tpu.memory_space<hbm>>) target_semaphore(%arg14 : memref<!tpu.dma_semaphore, #tpu.memory_space<semaphore_mem>>)
    %dma_wait3A_160 = arith.constant 0 : i32
    %dma_wait3A_161 = tpu.memref_slice %arg4[%select_n3A, %add3A_153, %dma_wait3A_160] : memref<4x8192x768xf32, #tpu.memory_space<hbm>> -> memref<1x32x768xf32, #tpu.memory_space<hbm>>
    %dma_wait3A_162 = tpu.memref_squeeze %dma_wait3A_161 : memref<1x32x768xf32, #tpu.memory_space<hbm>> -> memref<32x768xf32, #tpu.memory_space<hbm>>
    %dma_wait3A_163 = arith.constant 0 : i32
    %dma_wait3A_164 = tpu.memref_slice %arg4[%select_n3A, %add3A_153, %dma_wait3A_163] : memref<4x8192x768xf32, #tpu.memory_space<hbm>> -> memref<1x32x768xf32, #tpu.memory_space<hbm>>
    %dma_wait3A_165 = tpu.memref_squeeze %dma_wait3A_164 : memref<1x32x768xf32, #tpu.memory_space<hbm>> -> memref<32x768xf32, #tpu.memory_space<hbm>>
    tpu.wait_dma2 semaphore(%arg14 : memref<!tpu.dma_semaphore, #tpu.memory_space<semaphore_mem>>) src(%arg6 : memref<32x768xf32, #tpu.memory_space<vmem>>) dst(%dma_wait3A_165 : memref<32x768xf32, #tpu.memory_space<hbm>>)
    %dma_start3A_166 = arith.constant 256 : i32
    %dma_start3A_167 = tpu.memref_slice %arg5[%dma_start3A_166] : memref<1024xi32, #tpu.memory_space<vmem>> -> memref<32xi32, #tpu.memory_space<vmem>>
    %dma_start3A_168 = arith.constant 0 : i32
    %dma_start3A_169 = arith.constant 0 : i32
    %dma_start3A_170 = tpu.memref_slice %arg3[%dma_start3A_168, %dma_start3A_169] : memref<8192x768xf32, #tpu.memory_space<hbm>> -> memref<8192x768xf32, #tpu.memory_space<hbm>>
    tpu.enqueue_indirect_dma source(%dma_start3A_170 : memref<8192x768xf32, #tpu.memory_space<hbm>>) target(%arg6 : memref<32x768xf32, #tpu.memory_space<vmem>>) offsets(%dma_start3A_167 : memref<32xi32, #tpu.memory_space<vmem>>) semaphore(%arg10 : memref<!tpu.dma_semaphore, #tpu.memory_space<semaphore_mem>>)
    %dma_wait3A_171 = arith.constant 160 : i32
    %dma_wait3A_172 = tpu.memref_slice %arg5[%dma_wait3A_171] : memref<1024xi32, #tpu.memory_space<vmem>> -> memref<32xi32, #tpu.memory_space<vmem>>
    %dma_wait3A_173 = arith.constant 0 : i32
    %dma_wait3A_174 = arith.constant 0 : i32
    %dma_wait3A_175 = tpu.memref_slice %arg3[%dma_wait3A_173, %dma_wait3A_174] : memref<8192x768xf32, #tpu.memory_space<hbm>> -> memref<8192x768xf32, #tpu.memory_space<hbm>>
    tpu.wait_indirect_dma semaphore(%arg11 : memref<!tpu.dma_semaphore, #tpu.memory_space<semaphore_mem>>) src(%dma_wait3A_175 : memref<8192x768xf32, #tpu.memory_space<hbm>>) dst(%arg7 : memref<32x768xf32, #tpu.memory_space<vmem>>)
    %add3A_176 = arith.constant 160 : i32
    %add3A_177 = arith.addi %mul3A_32, %add3A_176 : i32
    %dma_start3A_178 = arith.constant 0 : i32
    %dma_start3A_179 = tpu.memref_slice %arg4[%select_n3A, %add3A_177, %dma_start3A_178] : memref<4x8192x768xf32, #tpu.memory_space<hbm>> -> memref<1x32x768xf32, #tpu.memory_space<hbm>>
    %dma_start3A_180 = tpu.memref_squeeze %dma_start3A_179 : memref<1x32x768xf32, #tpu.memory_space<hbm>> -> memref<32x768xf32, #tpu.memory_space<hbm>>
    %dma_start3A_181 = arith.constant 0 : i32
    %dma_start3A_182 = tpu.memref_slice %arg4[%select_n3A, %add3A_177, %dma_start3A_181] : memref<4x8192x768xf32, #tpu.memory_space<hbm>> -> memref<1x32x768xf32, #tpu.memory_space<hbm>>
    %dma_start3A_183 = tpu.memref_squeeze %dma_start3A_182 : memref<1x32x768xf32, #tpu.memory_space<hbm>> -> memref<32x768xf32, #tpu.memory_space<hbm>>
    tpu.enqueue_dma source(%arg7 : memref<32x768xf32, #tpu.memory_space<vmem>>) target(%dma_start3A_183 : memref<32x768xf32, #tpu.memory_space<hbm>>) target_semaphore(%arg15 : memref<!tpu.dma_semaphore, #tpu.memory_space<semaphore_mem>>)
    %dma_wait3A_184 = arith.constant 0 : i32
    %dma_wait3A_185 = tpu.memref_slice %arg4[%select_n3A, %add3A_177, %dma_wait3A_184] : memref<4x8192x768xf32, #tpu.memory_space<hbm>> -> memref<1x32x768xf32, #tpu.memory_space<hbm>>
    %dma_wait3A_186 = tpu.memref_squeeze %dma_wait3A_185 : memref<1x32x768xf32, #tpu.memory_space<hbm>> -> memref<32x768xf32, #tpu.memory_space<hbm>>
    %dma_wait3A_187 = arith.constant 0 : i32
    %dma_wait3A_188 = tpu.memref_slice %arg4[%select_n3A, %add3A_177, %dma_wait3A_187] : memref<4x8192x768xf32, #tpu.memory_space<hbm>> -> memref<1x32x768xf32, #tpu.memory_space<hbm>>
    %dma_wait3A_189 = tpu.memref_squeeze %dma_wait3A_188 : memref<1x32x768xf32, #tpu.memory_space<hbm>> -> memref<32x768xf32, #tpu.memory_space<hbm>>
    tpu.wait_dma2 semaphore(%arg15 : memref<!tpu.dma_semaphore, #tpu.memory_space<semaphore_mem>>) src(%arg7 : memref<32x768xf32, #tpu.memory_space<vmem>>) dst(%dma_wait3A_189 : memref<32x768xf32, #tpu.memory_space<hbm>>)
    %dma_start3A_190 = arith.constant 288 : i32
    %dma_start3A_191 = tpu.memref_slice %arg5[%dma_start3A_190] : memref<1024xi32, #tpu.memory_space<vmem>> -> memref<32xi32, #tpu.memory_space<vmem>>
    %dma_start3A_192 = arith.constant 0 : i32
    %dma_start3A_193 = arith.constant 0 : i32
    %dma_start3A_194 = tpu.memref_slice %arg3[%dma_start3A_192, %dma_start3A_193] : memref<8192x768xf32, #tpu.memory_space<hbm>> -> memref<8192x768xf32, #tpu.memory_space<hbm>>
    tpu.enqueue_indirect_dma source(%dma_start3A_194 : memref<8192x768xf32, #tpu.memory_space<hbm>>) target(%arg7 : memref<32x768xf32, #tpu.memory_space<vmem>>) offsets(%dma_start3A_191 : memref<32xi32, #tpu.memory_space<vmem>>) semaphore(%arg11 : memref<!tpu.dma_semaphore, #tpu.memory_space<semaphore_mem>>)
    %dma_wait3A_195 = arith.constant 192 : i32
    %dma_wait3A_196 = tpu.memref_slice %arg5[%dma_wait3A_195] : memref<1024xi32, #tpu.memory_space<vmem>> -> memref<32xi32, #tpu.memory_space<vmem>>
    %dma_wait3A_197 = arith.constant 0 : i32
    %dma_wait3A_198 = arith.constant 0 : i32
    %dma_wait3A_199 = tpu.memref_slice %arg3[%dma_wait3A_197, %dma_wait3A_198] : memref<8192x768xf32, #tpu.memory_space<hbm>> -> memref<8192x768xf32, #tpu.memory_space<hbm>>
    tpu.wait_indirect_dma semaphore(%arg12 : memref<!tpu.dma_semaphore, #tpu.memory_space<semaphore_mem>>) src(%dma_wait3A_199 : memref<8192x768xf32, #tpu.memory_space<hbm>>) dst(%arg8 : memref<32x768xf32, #tpu.memory_space<vmem>>)
    %add3A_200 = arith.constant 192 : i32
    %add3A_201 = arith.addi %mul3A_32, %add3A_200 : i32
    %dma_start3A_202 = arith.constant 0 : i32
    %dma_start3A_203 = tpu.memref_slice %arg4[%select_n3A, %add3A_201, %dma_start3A_202] : memref<4x8192x768xf32, #tpu.memory_space<hbm>> -> memref<1x32x768xf32, #tpu.memory_space<hbm>>
    %dma_start3A_204 = tpu.memref_squeeze %dma_start3A_203 : memref<1x32x768xf32, #tpu.memory_space<hbm>> -> memref<32x768xf32, #tpu.memory_space<hbm>>
    %dma_start3A_205 = arith.constant 0 : i32
    %dma_start3A_206 = tpu.memref_slice %arg4[%select_n3A, %add3A_201, %dma_start3A_205] : memref<4x8192x768xf32, #tpu.memory_space<hbm>> -> memref<1x32x768xf32, #tpu.memory_space<hbm>>
    %dma_start3A_207 = tpu.memref_squeeze %dma_start3A_206 : memref<1x32x768xf32, #tpu.memory_space<hbm>> -> memref<32x768xf32, #tpu.memory_space<hbm>>
    tpu.enqueue_dma source(%arg8 : memref<32x768xf32, #tpu.memory_space<vmem>>) target(%dma_start3A_207 : memref<32x768xf32, #tpu.memory_space<hbm>>) target_semaphore(%arg16 : memref<!tpu.dma_semaphore, #tpu.memory_space<semaphore_mem>>)
    %dma_wait3A_208 = arith.constant 0 : i32
    %dma_wait3A_209 = tpu.memref_slice %arg4[%select_n3A, %add3A_201, %dma_wait3A_208] : memref<4x8192x768xf32, #tpu.memory_space<hbm>> -> memref<1x32x768xf32, #tpu.memory_space<hbm>>
    %dma_wait3A_210 = tpu.memref_squeeze %dma_wait3A_209 : memref<1x32x768xf32, #tpu.memory_space<hbm>> -> memref<32x768xf32, #tpu.memory_space<hbm>>
    %dma_wait3A_211 = arith.constant 0 : i32
    %dma_wait3A_212 = tpu.memref_slice %arg4[%select_n3A, %add3A_201, %dma_wait3A_211] : memref<4x8192x768xf32, #tpu.memory_space<hbm>> -> memref<1x32x768xf32, #tpu.memory_space<hbm>>
    %dma_wait3A_213 = tpu.memref_squeeze %dma_wait3A_212 : memref<1x32x768xf32, #tpu.memory_space<hbm>> -> memref<32x768xf32, #tpu.memory_space<hbm>>
    tpu.wait_dma2 semaphore(%arg16 : memref<!tpu.dma_semaphore, #tpu.memory_space<semaphore_mem>>) src(%arg8 : memref<32x768xf32, #tpu.memory_space<vmem>>) dst(%dma_wait3A_213 : memref<32x768xf32, #tpu.memory_space<hbm>>)
    %dma_start3A_214 = arith.constant 320 : i32
    %dma_start3A_215 = tpu.memref_slice %arg5[%dma_start3A_214] : memref<1024xi32, #tpu.memory_space<vmem>> -> memref<32xi32, #tpu.memory_space<vmem>>
    %dma_start3A_216 = arith.constant 0 : i32
    %dma_start3A_217 = arith.constant 0 : i32
    %dma_start3A_218 = tpu.memref_slice %arg3[%dma_start3A_216, %dma_start3A_217] : memref<8192x768xf32, #tpu.memory_space<hbm>> -> memref<8192x768xf32, #tpu.memory_space<hbm>>
    tpu.enqueue_indirect_dma source(%dma_start3A_218 : memref<8192x768xf32, #tpu.memory_space<hbm>>) target(%arg8 : memref<32x768xf32, #tpu.memory_space<vmem>>) offsets(%dma_start3A_215 : memref<32xi32, #tpu.memory_space<vmem>>) semaphore(%arg12 : memref<!tpu.dma_semaphore, #tpu.memory_space<semaphore_mem>>)
    %dma_wait3A_219 = arith.constant 224 : i32
    %dma_wait3A_220 = tpu.memref_slice %arg5[%dma_wait3A_219] : memref<1024xi32, #tpu.memory_space<vmem>> -> memref<32xi32, #tpu.memory_space<vmem>>
    %dma_wait3A_221 = arith.constant 0 : i32
    %dma_wait3A_222 = arith.constant 0 : i32
    %dma_wait3A_223 = tpu.memref_slice %arg3[%dma_wait3A_221, %dma_wait3A_222] : memref<8192x768xf32, #tpu.memory_space<hbm>> -> memref<8192x768xf32, #tpu.memory_space<hbm>>
    tpu.wait_indirect_dma semaphore(%arg13 : memref<!tpu.dma_semaphore, #tpu.memory_space<semaphore_mem>>) src(%dma_wait3A_223 : memref<8192x768xf32, #tpu.memory_space<hbm>>) dst(%arg9 : memref<32x768xf32, #tpu.memory_space<vmem>>)
    %add3A_224 = arith.constant 224 : i32
    %add3A_225 = arith.addi %mul3A_32, %add3A_224 : i32
    %dma_start3A_226 = arith.constant 0 : i32
    %dma_start3A_227 = tpu.memref_slice %arg4[%select_n3A, %add3A_225, %dma_start3A_226] : memref<4x8192x768xf32, #tpu.memory_space<hbm>> -> memref<1x32x768xf32, #tpu.memory_space<hbm>>
    %dma_start3A_228 = tpu.memref_squeeze %dma_start3A_227 : memref<1x32x768xf32, #tpu.memory_space<hbm>> -> memref<32x768xf32, #tpu.memory_space<hbm>>
    %dma_start3A_229 = arith.constant 0 : i32
    %dma_start3A_230 = tpu.memref_slice %arg4[%select_n3A, %add3A_225, %dma_start3A_229] : memref<4x8192x768xf32, #tpu.memory_space<hbm>> -> memref<1x32x768xf32, #tpu.memory_space<hbm>>
    %dma_start3A_231 = tpu.memref_squeeze %dma_start3A_230 : memref<1x32x768xf32, #tpu.memory_space<hbm>> -> memref<32x768xf32, #tpu.memory_space<hbm>>
    tpu.enqueue_dma source(%arg9 : memref<32x768xf32, #tpu.memory_space<vmem>>) target(%dma_start3A_231 : memref<32x768xf32, #tpu.memory_space<hbm>>) target_semaphore(%arg17 : memref<!tpu.dma_semaphore, #tpu.memory_space<semaphore_mem>>)
    %dma_wait3A_232 = arith.constant 0 : i32
    %dma_wait3A_233 = tpu.memref_slice %arg4[%select_n3A, %add3A_225, %dma_wait3A_232] : memref<4x8192x768xf32, #tpu.memory_space<hbm>> -> memref<1x32x768xf32, #tpu.memory_space<hbm>>
    %dma_wait3A_234 = tpu.memref_squeeze %dma_wait3A_233 : memref<1x32x768xf32, #tpu.memory_space<hbm>> -> memref<32x768xf32, #tpu.memory_space<hbm>>
    %dma_wait3A_235 = arith.constant 0 : i32
    %dma_wait3A_236 = tpu.memref_slice %arg4[%select_n3A, %add3A_225, %dma_wait3A_235] : memref<4x8192x768xf32, #tpu.memory_space<hbm>> -> memref<1x32x768xf32, #tpu.memory_space<hbm>>
    %dma_wait3A_237 = tpu.memref_squeeze %dma_wait3A_236 : memref<1x32x768xf32, #tpu.memory_space<hbm>> -> memref<32x768xf32, #tpu.memory_space<hbm>>
    tpu.wait_dma2 semaphore(%arg17 : memref<!tpu.dma_semaphore, #tpu.memory_space<semaphore_mem>>) src(%arg9 : memref<32x768xf32, #tpu.memory_space<vmem>>) dst(%dma_wait3A_237 : memref<32x768xf32, #tpu.memory_space<hbm>>)
    %dma_start3A_238 = arith.constant 352 : i32
    %dma_start3A_239 = tpu.memref_slice %arg5[%dma_start3A_238] : memref<1024xi32, #tpu.memory_space<vmem>> -> memref<32xi32, #tpu.memory_space<vmem>>
    %dma_start3A_240 = arith.constant 0 : i32
    %dma_start3A_241 = arith.constant 0 : i32
    %dma_start3A_242 = tpu.memref_slice %arg3[%dma_start3A_240, %dma_start3A_241] : memref<8192x768xf32, #tpu.memory_space<hbm>> -> memref<8192x768xf32, #tpu.memory_space<hbm>>
    tpu.enqueue_indirect_dma source(%dma_start3A_242 : memref<8192x768xf32, #tpu.memory_space<hbm>>) target(%arg9 : memref<32x768xf32, #tpu.memory_space<vmem>>) offsets(%dma_start3A_239 : memref<32xi32, #tpu.memory_space<vmem>>) semaphore(%arg13 : memref<!tpu.dma_semaphore, #tpu.memory_space<semaphore_mem>>)
    %dma_wait3A_243 = arith.constant 256 : i32
    %dma_wait3A_244 = tpu.memref_slice %arg5[%dma_wait3A_243] : memref<1024xi32, #tpu.memory_space<vmem>> -> memref<32xi32, #tpu.memory_space<vmem>>
    %dma_wait3A_245 = arith.constant 0 : i32
    %dma_wait3A_246 = arith.constant 0 : i32
    %dma_wait3A_247 = tpu.memref_slice %arg3[%dma_wait3A_245, %dma_wait3A_246] : memref<8192x768xf32, #tpu.memory_space<hbm>> -> memref<8192x768xf32, #tpu.memory_space<hbm>>
    tpu.wait_indirect_dma semaphore(%arg10 : memref<!tpu.dma_semaphore, #tpu.memory_space<semaphore_mem>>) src(%dma_wait3A_247 : memref<8192x768xf32, #tpu.memory_space<hbm>>) dst(%arg6 : memref<32x768xf32, #tpu.memory_space<vmem>>)
    %add3A_248 = arith.constant 256 : i32
    %add3A_249 = arith.addi %mul3A_32, %add3A_248 : i32
    %dma_start3A_250 = arith.constant 0 : i32
    %dma_start3A_251 = tpu.memref_slice %arg4[%select_n3A, %add3A_249, %dma_start3A_250] : memref<4x8192x768xf32, #tpu.memory_space<hbm>> -> memref<1x32x768xf32, #tpu.memory_space<hbm>>
    %dma_start3A_252 = tpu.memref_squeeze %dma_start3A_251 : memref<1x32x768xf32, #tpu.memory_space<hbm>> -> memref<32x768xf32, #tpu.memory_space<hbm>>
    %dma_start3A_253 = arith.constant 0 : i32
    %dma_start3A_254 = tpu.memref_slice %arg4[%select_n3A, %add3A_249, %dma_start3A_253] : memref<4x8192x768xf32, #tpu.memory_space<hbm>> -> memref<1x32x768xf32, #tpu.memory_space<hbm>>
    %dma_start3A_255 = tpu.memref_squeeze %dma_start3A_254 : memref<1x32x768xf32, #tpu.memory_space<hbm>> -> memref<32x768xf32, #tpu.memory_space<hbm>>
    tpu.enqueue_dma source(%arg6 : memref<32x768xf32, #tpu.memory_space<vmem>>) target(%dma_start3A_255 : memref<32x768xf32, #tpu.memory_space<hbm>>) target_semaphore(%arg14 : memref<!tpu.dma_semaphore, #tpu.memory_space<semaphore_mem>>)
    %dma_wait3A_256 = arith.constant 0 : i32
    %dma_wait3A_257 = tpu.memref_slice %arg4[%select_n3A, %add3A_249, %dma_wait3A_256] : memref<4x8192x768xf32, #tpu.memory_space<hbm>> -> memref<1x32x768xf32, #tpu.memory_space<hbm>>
    %dma_wait3A_258 = tpu.memref_squeeze %dma_wait3A_257 : memref<1x32x768xf32, #tpu.memory_space<hbm>> -> memref<32x768xf32, #tpu.memory_space<hbm>>
    %dma_wait3A_259 = arith.constant 0 : i32
    %dma_wait3A_260 = tpu.memref_slice %arg4[%select_n3A, %add3A_249, %dma_wait3A_259] : memref<4x8192x768xf32, #tpu.memory_space<hbm>> -> memref<1x32x768xf32, #tpu.memory_space<hbm>>
    %dma_wait3A_261 = tpu.memref_squeeze %dma_wait3A_260 : memref<1x32x768xf32, #tpu.memory_space<hbm>> -> memref<32x768xf32, #tpu.memory_space<hbm>>
    tpu.wait_dma2 semaphore(%arg14 : memref<!tpu.dma_semaphore, #tpu.memory_space<semaphore_mem>>) src(%arg6 : memref<32x768xf32, #tpu.memory_space<vmem>>) dst(%dma_wait3A_261 : memref<32x768xf32, #tpu.memory_space<hbm>>)
    %dma_start3A_262 = arith.constant 384 : i32
    %dma_start3A_263 = tpu.memref_slice %arg5[%dma_start3A_262] : memref<1024xi32, #tpu.memory_space<vmem>> -> memref<32xi32, #tpu.memory_space<vmem>>
    %dma_start3A_264 = arith.constant 0 : i32
    %dma_start3A_265 = arith.constant 0 : i32
    %dma_start3A_266 = tpu.memref_slice %arg3[%dma_start3A_264, %dma_start3A_265] : memref<8192x768xf32, #tpu.memory_space<hbm>> -> memref<8192x768xf32, #tpu.memory_space<hbm>>
    tpu.enqueue_indirect_dma source(%dma_start3A_266 : memref<8192x768xf32, #tpu.memory_space<hbm>>) target(%arg6 : memref<32x768xf32, #tpu.memory_space<vmem>>) offsets(%dma_start3A_263 : memref<32xi32, #tpu.memory_space<vmem>>) semaphore(%arg10 : memref<!tpu.dma_semaphore, #tpu.memory_space<semaphore_mem>>)
    %dma_wait3A_267 = arith.constant 288 : i32
    %dma_wait3A_268 = tpu.memref_slice %arg5[%dma_wait3A_267] : memref<1024xi32, #tpu.memory_space<vmem>> -> memref<32xi32, #tpu.memory_space<vmem>>
    %dma_wait3A_269 = arith.constant 0 : i32
    %dma_wait3A_270 = arith.constant 0 : i32
    %dma_wait3A_271 = tpu.memref_slice %arg3[%dma_wait3A_269, %dma_wait3A_270] : memref<8192x768xf32, #tpu.memory_space<hbm>> -> memref<8192x768xf32, #tpu.memory_space<hbm>>
    tpu.wait_indirect_dma semaphore(%arg11 : memref<!tpu.dma_semaphore, #tpu.memory_space<semaphore_mem>>) src(%dma_wait3A_271 : memref<8192x768xf32, #tpu.memory_space<hbm>>) dst(%arg7 : memref<32x768xf32, #tpu.memory_space<vmem>>)
    %add3A_272 = arith.constant 288 : i32
    %add3A_273 = arith.addi %mul3A_32, %add3A_272 : i32
    %dma_start3A_274 = arith.constant 0 : i32
    %dma_start3A_275 = tpu.memref_slice %arg4[%select_n3A, %add3A_273, %dma_start3A_274] : memref<4x8192x768xf32, #tpu.memory_space<hbm>> -> memref<1x32x768xf32, #tpu.memory_space<hbm>>
    %dma_start3A_276 = tpu.memref_squeeze %dma_start3A_275 : memref<1x32x768xf32, #tpu.memory_space<hbm>> -> memref<32x768xf32, #tpu.memory_space<hbm>>
    %dma_start3A_277 = arith.constant 0 : i32
    %dma_start3A_278 = tpu.memref_slice %arg4[%select_n3A, %add3A_273, %dma_start3A_277] : memref<4x8192x768xf32, #tpu.memory_space<hbm>> -> memref<1x32x768xf32, #tpu.memory_space<hbm>>
    %dma_start3A_279 = tpu.memref_squeeze %dma_start3A_278 : memref<1x32x768xf32, #tpu.memory_space<hbm>> -> memref<32x768xf32, #tpu.memory_space<hbm>>
    tpu.enqueue_dma source(%arg7 : memref<32x768xf32, #tpu.memory_space<vmem>>) target(%dma_start3A_279 : memref<32x768xf32, #tpu.memory_space<hbm>>) target_semaphore(%arg15 : memref<!tpu.dma_semaphore, #tpu.memory_space<semaphore_mem>>)
    %dma_wait3A_280 = arith.constant 0 : i32
    %dma_wait3A_281 = tpu.memref_slice %arg4[%select_n3A, %add3A_273, %dma_wait3A_280] : memref<4x8192x768xf32, #tpu.memory_space<hbm>> -> memref<1x32x768xf32, #tpu.memory_space<hbm>>
    %dma_wait3A_282 = tpu.memref_squeeze %dma_wait3A_281 : memref<1x32x768xf32, #tpu.memory_space<hbm>> -> memref<32x768xf32, #tpu.memory_space<hbm>>
    %dma_wait3A_283 = arith.constant 0 : i32
    %dma_wait3A_284 = tpu.memref_slice %arg4[%select_n3A, %add3A_273, %dma_wait3A_283] : memref<4x8192x768xf32, #tpu.memory_space<hbm>> -> memref<1x32x768xf32, #tpu.memory_space<hbm>>
    %dma_wait3A_285 = tpu.memref_squeeze %dma_wait3A_284 : memref<1x32x768xf32, #tpu.memory_space<hbm>> -> memref<32x768xf32, #tpu.memory_space<hbm>>
    tpu.wait_dma2 semaphore(%arg15 : memref<!tpu.dma_semaphore, #tpu.memory_space<semaphore_mem>>) src(%arg7 : memref<32x768xf32, #tpu.memory_space<vmem>>) dst(%dma_wait3A_285 : memref<32x768xf32, #tpu.memory_space<hbm>>)
    %dma_start3A_286 = arith.constant 416 : i32
    %dma_start3A_287 = tpu.memref_slice %arg5[%dma_start3A_286] : memref<1024xi32, #tpu.memory_space<vmem>> -> memref<32xi32, #tpu.memory_space<vmem>>
    %dma_start3A_288 = arith.constant 0 : i32
    %dma_start3A_289 = arith.constant 0 : i32
    %dma_start3A_290 = tpu.memref_slice %arg3[%dma_start3A_288, %dma_start3A_289] : memref<8192x768xf32, #tpu.memory_space<hbm>> -> memref<8192x768xf32, #tpu.memory_space<hbm>>
    tpu.enqueue_indirect_dma source(%dma_start3A_290 : memref<8192x768xf32, #tpu.memory_space<hbm>>) target(%arg7 : memref<32x768xf32, #tpu.memory_space<vmem>>) offsets(%dma_start3A_287 : memref<32xi32, #tpu.memory_space<vmem>>) semaphore(%arg11 : memref<!tpu.dma_semaphore, #tpu.memory_space<semaphore_mem>>)
    %dma_wait3A_291 = arith.constant 320 : i32
    %dma_wait3A_292 = tpu.memref_slice %arg5[%dma_wait3A_291] : memref<1024xi32, #tpu.memory_space<vmem>> -> memref<32xi32, #tpu.memory_space<vmem>>
    %dma_wait3A_293 = arith.constant 0 : i32
    %dma_wait3A_294 = arith.constant 0 : i32
    %dma_wait3A_295 = tpu.memref_slice %arg3[%dma_wait3A_293, %dma_wait3A_294] : memref<8192x768xf32, #tpu.memory_space<hbm>> -> memref<8192x768xf32, #tpu.memory_space<hbm>>
    tpu.wait_indirect_dma semaphore(%arg12 : memref<!tpu.dma_semaphore, #tpu.memory_space<semaphore_mem>>) src(%dma_wait3A_295 : memref<8192x768xf32, #tpu.memory_space<hbm>>) dst(%arg8 : memref<32x768xf32, #tpu.memory_space<vmem>>)
    %add3A_296 = arith.constant 320 : i32
    %add3A_297 = arith.addi %mul3A_32, %add3A_296 : i32
    %dma_start3A_298 = arith.constant 0 : i32
    %dma_start3A_299 = tpu.memref_slice %arg4[%select_n3A, %add3A_297, %dma_start3A_298] : memref<4x8192x768xf32, #tpu.memory_space<hbm>> -> memref<1x32x768xf32, #tpu.memory_space<hbm>>
    %dma_start3A_300 = tpu.memref_squeeze %dma_start3A_299 : memref<1x32x768xf32, #tpu.memory_space<hbm>> -> memref<32x768xf32, #tpu.memory_space<hbm>>
    %dma_start3A_301 = arith.constant 0 : i32
    %dma_start3A_302 = tpu.memref_slice %arg4[%select_n3A, %add3A_297, %dma_start3A_301] : memref<4x8192x768xf32, #tpu.memory_space<hbm>> -> memref<1x32x768xf32, #tpu.memory_space<hbm>>
    %dma_start3A_303 = tpu.memref_squeeze %dma_start3A_302 : memref<1x32x768xf32, #tpu.memory_space<hbm>> -> memref<32x768xf32, #tpu.memory_space<hbm>>
    tpu.enqueue_dma source(%arg8 : memref<32x768xf32, #tpu.memory_space<vmem>>) target(%dma_start3A_303 : memref<32x768xf32, #tpu.memory_space<hbm>>) target_semaphore(%arg16 : memref<!tpu.dma_semaphore, #tpu.memory_space<semaphore_mem>>)
    %dma_wait3A_304 = arith.constant 0 : i32
    %dma_wait3A_305 = tpu.memref_slice %arg4[%select_n3A, %add3A_297, %dma_wait3A_304] : memref<4x8192x768xf32, #tpu.memory_space<hbm>> -> memref<1x32x768xf32, #tpu.memory_space<hbm>>
    %dma_wait3A_306 = tpu.memref_squeeze %dma_wait3A_305 : memref<1x32x768xf32, #tpu.memory_space<hbm>> -> memref<32x768xf32, #tpu.memory_space<hbm>>
    %dma_wait3A_307 = arith.constant 0 : i32
    %dma_wait3A_308 = tpu.memref_slice %arg4[%select_n3A, %add3A_297, %dma_wait3A_307] : memref<4x8192x768xf32, #tpu.memory_space<hbm>> -> memref<1x32x768xf32, #tpu.memory_space<hbm>>
    %dma_wait3A_309 = tpu.memref_squeeze %dma_wait3A_308 : memref<1x32x768xf32, #tpu.memory_space<hbm>> -> memref<32x768xf32, #tpu.memory_space<hbm>>
    tpu.wait_dma2 semaphore(%arg16 : memref<!tpu.dma_semaphore, #tpu.memory_space<semaphore_mem>>) src(%arg8 : memref<32x768xf32, #tpu.memory_space<vmem>>) dst(%dma_wait3A_309 : memref<32x768xf32, #tpu.memory_space<hbm>>)
    %dma_start3A_310 = arith.constant 448 : i32
    %dma_start3A_311 = tpu.memref_slice %arg5[%dma_start3A_310] : memref<1024xi32, #tpu.memory_space<vmem>> -> memref<32xi32, #tpu.memory_space<vmem>>
    %dma_start3A_312 = arith.constant 0 : i32
    %dma_start3A_313 = arith.constant 0 : i32
    %dma_start3A_314 = tpu.memref_slice %arg3[%dma_start3A_312, %dma_start3A_313] : memref<8192x768xf32, #tpu.memory_space<hbm>> -> memref<8192x768xf32, #tpu.memory_space<hbm>>
    tpu.enqueue_indirect_dma source(%dma_start3A_314 : memref<8192x768xf32, #tpu.memory_space<hbm>>) target(%arg8 : memref<32x768xf32, #tpu.memory_space<vmem>>) offsets(%dma_start3A_311 : memref<32xi32, #tpu.memory_space<vmem>>) semaphore(%arg12 : memref<!tpu.dma_semaphore, #tpu.memory_space<semaphore_mem>>)
    %dma_wait3A_315 = arith.constant 352 : i32
    %dma_wait3A_316 = tpu.memref_slice %arg5[%dma_wait3A_315] : memref<1024xi32, #tpu.memory_space<vmem>> -> memref<32xi32, #tpu.memory_space<vmem>>
    %dma_wait3A_317 = arith.constant 0 : i32
    %dma_wait3A_318 = arith.constant 0 : i32
    %dma_wait3A_319 = tpu.memref_slice %arg3[%dma_wait3A_317, %dma_wait3A_318] : memref<8192x768xf32, #tpu.memory_space<hbm>> -> memref<8192x768xf32, #tpu.memory_space<hbm>>
    tpu.wait_indirect_dma semaphore(%arg13 : memref<!tpu.dma_semaphore, #tpu.memory_space<semaphore_mem>>) src(%dma_wait3A_319 : memref<8192x768xf32, #tpu.memory_space<hbm>>) dst(%arg9 : memref<32x768xf32, #tpu.memory_space<vmem>>)
    %add3A_320 = arith.constant 352 : i32
    %add3A_321 = arith.addi %mul3A_32, %add3A_320 : i32
    %dma_start3A_322 = arith.constant 0 : i32
    %dma_start3A_323 = tpu.memref_slice %arg4[%select_n3A, %add3A_321, %dma_start3A_322] : memref<4x8192x768xf32, #tpu.memory_space<hbm>> -> memref<1x32x768xf32, #tpu.memory_space<hbm>>
    %dma_start3A_324 = tpu.memref_squeeze %dma_start3A_323 : memref<1x32x768xf32, #tpu.memory_space<hbm>> -> memref<32x768xf32, #tpu.memory_space<hbm>>
    %dma_start3A_325 = arith.constant 0 : i32
    %dma_start3A_326 = tpu.memref_slice %arg4[%select_n3A, %add3A_321, %dma_start3A_325] : memref<4x8192x768xf32, #tpu.memory_space<hbm>> -> memref<1x32x768xf32, #tpu.memory_space<hbm>>
    %dma_start3A_327 = tpu.memref_squeeze %dma_start3A_326 : memref<1x32x768xf32, #tpu.memory_space<hbm>> -> memref<32x768xf32, #tpu.memory_space<hbm>>
    tpu.enqueue_dma source(%arg9 : memref<32x768xf32, #tpu.memory_space<vmem>>) target(%dma_start3A_327 : memref<32x768xf32, #tpu.memory_space<hbm>>) target_semaphore(%arg17 : memref<!tpu.dma_semaphore, #tpu.memory_space<semaphore_mem>>)
    %dma_wait3A_328 = arith.constant 0 : i32
    %dma_wait3A_329 = tpu.memref_slice %arg4[%select_n3A, %add3A_321, %dma_wait3A_328] : memref<4x8192x768xf32, #tpu.memory_space<hbm>> -> memref<1x32x768xf32, #tpu.memory_space<hbm>>
    %dma_wait3A_330 = tpu.memref_squeeze %dma_wait3A_329 : memref<1x32x768xf32, #tpu.memory_space<hbm>> -> memref<32x768xf32, #tpu.memory_space<hbm>>
    %dma_wait3A_331 = arith.constant 0 : i32
    %dma_wait3A_332 = tpu.memref_slice %arg4[%select_n3A, %add3A_321, %dma_wait3A_331] : memref<4x8192x768xf32, #tpu.memory_space<hbm>> -> memref<1x32x768xf32, #tpu.memory_space<hbm>>
    %dma_wait3A_333 = tpu.memref_squeeze %dma_wait3A_332 : memref<1x32x768xf32, #tpu.memory_space<hbm>> -> memref<32x768xf32, #tpu.memory_space<hbm>>
    tpu.wait_dma2 semaphore(%arg17 : memref<!tpu.dma_semaphore, #tpu.memory_space<semaphore_mem>>) src(%arg9 : memref<32x768xf32, #tpu.memory_space<vmem>>) dst(%dma_wait3A_333 : memref<32x768xf32, #tpu.memory_space<hbm>>)
    %dma_start3A_334 = arith.constant 480 : i32
    %dma_start3A_335 = tpu.memref_slice %arg5[%dma_start3A_334] : memref<1024xi32, #tpu.memory_space<vmem>> -> memref<32xi32, #tpu.memory_space<vmem>>
    %dma_start3A_336 = arith.constant 0 : i32
    %dma_start3A_337 = arith.constant 0 : i32
    %dma_start3A_338 = tpu.memref_slice %arg3[%dma_start3A_336, %dma_start3A_337] : memref<8192x768xf32, #tpu.memory_space<hbm>> -> memref<8192x768xf32, #tpu.memory_space<hbm>>
    tpu.enqueue_indirect_dma source(%dma_start3A_338 : memref<8192x768xf32, #tpu.memory_space<hbm>>) target(%arg9 : memref<32x768xf32, #tpu.memory_space<vmem>>) offsets(%dma_start3A_335 : memref<32xi32, #tpu.memory_space<vmem>>) semaphore(%arg13 : memref<!tpu.dma_semaphore, #tpu.memory_space<semaphore_mem>>)
    %dma_wait3A_339 = arith.constant 384 : i32
    %dma_wait3A_340 = tpu.memref_slice %arg5[%dma_wait3A_339] : memref<1024xi32, #tpu.memory_space<vmem>> -> memref<32xi32, #tpu.memory_space<vmem>>
    %dma_wait3A_341 = arith.constant 0 : i32
    %dma_wait3A_342 = arith.constant 0 : i32
    %dma_wait3A_343 = tpu.memref_slice %arg3[%dma_wait3A_341, %dma_wait3A_342] : memref<8192x768xf32, #tpu.memory_space<hbm>> -> memref<8192x768xf32, #tpu.memory_space<hbm>>
    tpu.wait_indirect_dma semaphore(%arg10 : memref<!tpu.dma_semaphore, #tpu.memory_space<semaphore_mem>>) src(%dma_wait3A_343 : memref<8192x768xf32, #tpu.memory_space<hbm>>) dst(%arg6 : memref<32x768xf32, #tpu.memory_space<vmem>>)
    %add3A_344 = arith.constant 384 : i32
    %add3A_345 = arith.addi %mul3A_32, %add3A_344 : i32
    %dma_start3A_346 = arith.constant 0 : i32
    %dma_start3A_347 = tpu.memref_slice %arg4[%select_n3A, %add3A_345, %dma_start3A_346] : memref<4x8192x768xf32, #tpu.memory_space<hbm>> -> memref<1x32x768xf32, #tpu.memory_space<hbm>>
    %dma_start3A_348 = tpu.memref_squeeze %dma_start3A_347 : memref<1x32x768xf32, #tpu.memory_space<hbm>> -> memref<32x768xf32, #tpu.memory_space<hbm>>
    %dma_start3A_349 = arith.constant 0 : i32
    %dma_start3A_350 = tpu.memref_slice %arg4[%select_n3A, %add3A_345, %dma_start3A_349] : memref<4x8192x768xf32, #tpu.memory_space<hbm>> -> memref<1x32x768xf32, #tpu.memory_space<hbm>>
    %dma_start3A_351 = tpu.memref_squeeze %dma_start3A_350 : memref<1x32x768xf32, #tpu.memory_space<hbm>> -> memref<32x768xf32, #tpu.memory_space<hbm>>
    tpu.enqueue_dma source(%arg6 : memref<32x768xf32, #tpu.memory_space<vmem>>) target(%dma_start3A_351 : memref<32x768xf32, #tpu.memory_space<hbm>>) target_semaphore(%arg14 : memref<!tpu.dma_semaphore, #tpu.memory_space<semaphore_mem>>)
    %dma_wait3A_352 = arith.constant 0 : i32
    %dma_wait3A_353 = tpu.memref_slice %arg4[%select_n3A, %add3A_345, %dma_wait3A_352] : memref<4x8192x768xf32, #tpu.memory_space<hbm>> -> memref<1x32x768xf32, #tpu.memory_space<hbm>>
    %dma_wait3A_354 = tpu.memref_squeeze %dma_wait3A_353 : memref<1x32x768xf32, #tpu.memory_space<hbm>> -> memref<32x768xf32, #tpu.memory_space<hbm>>
    %dma_wait3A_355 = arith.constant 0 : i32
    %dma_wait3A_356 = tpu.memref_slice %arg4[%select_n3A, %add3A_345, %dma_wait3A_355] : memref<4x8192x768xf32, #tpu.memory_space<hbm>> -> memref<1x32x768xf32, #tpu.memory_space<hbm>>
    %dma_wait3A_357 = tpu.memref_squeeze %dma_wait3A_356 : memref<1x32x768xf32, #tpu.memory_space<hbm>> -> memref<32x768xf32, #tpu.memory_space<hbm>>
    tpu.wait_dma2 semaphore(%arg14 : memref<!tpu.dma_semaphore, #tpu.memory_space<semaphore_mem>>) src(%arg6 : memref<32x768xf32, #tpu.memory_space<vmem>>) dst(%dma_wait3A_357 : memref<32x768xf32, #tpu.memory_space<hbm>>)
    %dma_start3A_358 = arith.constant 512 : i32
    %dma_start3A_359 = tpu.memref_slice %arg5[%dma_start3A_358] : memref<1024xi32, #tpu.memory_space<vmem>> -> memref<32xi32, #tpu.memory_space<vmem>>
    %dma_start3A_360 = arith.constant 0 : i32
    %dma_start3A_361 = arith.constant 0 : i32
    %dma_start3A_362 = tpu.memref_slice %arg3[%dma_start3A_360, %dma_start3A_361] : memref<8192x768xf32, #tpu.memory_space<hbm>> -> memref<8192x768xf32, #tpu.memory_space<hbm>>
    tpu.enqueue_indirect_dma source(%dma_start3A_362 : memref<8192x768xf32, #tpu.memory_space<hbm>>) target(%arg6 : memref<32x768xf32, #tpu.memory_space<vmem>>) offsets(%dma_start3A_359 : memref<32xi32, #tpu.memory_space<vmem>>) semaphore(%arg10 : memref<!tpu.dma_semaphore, #tpu.memory_space<semaphore_mem>>)
    %dma_wait3A_363 = arith.constant 416 : i32
    %dma_wait3A_364 = tpu.memref_slice %arg5[%dma_wait3A_363] : memref<1024xi32, #tpu.memory_space<vmem>> -> memref<32xi32, #tpu.memory_space<vmem>>
    %dma_wait3A_365 = arith.constant 0 : i32
    %dma_wait3A_366 = arith.constant 0 : i32
    %dma_wait3A_367 = tpu.memref_slice %arg3[%dma_wait3A_365, %dma_wait3A_366] : memref<8192x768xf32, #tpu.memory_space<hbm>> -> memref<8192x768xf32, #tpu.memory_space<hbm>>
    tpu.wait_indirect_dma semaphore(%arg11 : memref<!tpu.dma_semaphore, #tpu.memory_space<semaphore_mem>>) src(%dma_wait3A_367 : memref<8192x768xf32, #tpu.memory_space<hbm>>) dst(%arg7 : memref<32x768xf32, #tpu.memory_space<vmem>>)
    %add3A_368 = arith.constant 416 : i32
    %add3A_369 = arith.addi %mul3A_32, %add3A_368 : i32
    %dma_start3A_370 = arith.constant 0 : i32
    %dma_start3A_371 = tpu.memref_slice %arg4[%select_n3A, %add3A_369, %dma_start3A_370] : memref<4x8192x768xf32, #tpu.memory_space<hbm>> -> memref<1x32x768xf32, #tpu.memory_space<hbm>>
    %dma_start3A_372 = tpu.memref_squeeze %dma_start3A_371 : memref<1x32x768xf32, #tpu.memory_space<hbm>> -> memref<32x768xf32, #tpu.memory_space<hbm>>
    %dma_start3A_373 = arith.constant 0 : i32
    %dma_start3A_374 = tpu.memref_slice %arg4[%select_n3A, %add3A_369, %dma_start3A_373] : memref<4x8192x768xf32, #tpu.memory_space<hbm>> -> memref<1x32x768xf32, #tpu.memory_space<hbm>>
    %dma_start3A_375 = tpu.memref_squeeze %dma_start3A_374 : memref<1x32x768xf32, #tpu.memory_space<hbm>> -> memref<32x768xf32, #tpu.memory_space<hbm>>
    tpu.enqueue_dma source(%arg7 : memref<32x768xf32, #tpu.memory_space<vmem>>) target(%dma_start3A_375 : memref<32x768xf32, #tpu.memory_space<hbm>>) target_semaphore(%arg15 : memref<!tpu.dma_semaphore, #tpu.memory_space<semaphore_mem>>)
    %dma_wait3A_376 = arith.constant 0 : i32
    %dma_wait3A_377 = tpu.memref_slice %arg4[%select_n3A, %add3A_369, %dma_wait3A_376] : memref<4x8192x768xf32, #tpu.memory_space<hbm>> -> memref<1x32x768xf32, #tpu.memory_space<hbm>>
    %dma_wait3A_378 = tpu.memref_squeeze %dma_wait3A_377 : memref<1x32x768xf32, #tpu.memory_space<hbm>> -> memref<32x768xf32, #tpu.memory_space<hbm>>
    %dma_wait3A_379 = arith.constant 0 : i32
    %dma_wait3A_380 = tpu.memref_slice %arg4[%select_n3A, %add3A_369, %dma_wait3A_379] : memref<4x8192x768xf32, #tpu.memory_space<hbm>> -> memref<1x32x768xf32, #tpu.memory_space<hbm>>
    %dma_wait3A_381 = tpu.memref_squeeze %dma_wait3A_380 : memref<1x32x768xf32, #tpu.memory_space<hbm>> -> memref<32x768xf32, #tpu.memory_space<hbm>>
    tpu.wait_dma2 semaphore(%arg15 : memref<!tpu.dma_semaphore, #tpu.memory_space<semaphore_mem>>) src(%arg7 : memref<32x768xf32, #tpu.memory_space<vmem>>) dst(%dma_wait3A_381 : memref<32x768xf32, #tpu.memory_space<hbm>>)
    %dma_start3A_382 = arith.constant 544 : i32
    %dma_start3A_383 = tpu.memref_slice %arg5[%dma_start3A_382] : memref<1024xi32, #tpu.memory_space<vmem>> -> memref<32xi32, #tpu.memory_space<vmem>>
    %dma_start3A_384 = arith.constant 0 : i32
    %dma_start3A_385 = arith.constant 0 : i32
    %dma_start3A_386 = tpu.memref_slice %arg3[%dma_start3A_384, %dma_start3A_385] : memref<8192x768xf32, #tpu.memory_space<hbm>> -> memref<8192x768xf32, #tpu.memory_space<hbm>>
    tpu.enqueue_indirect_dma source(%dma_start3A_386 : memref<8192x768xf32, #tpu.memory_space<hbm>>) target(%arg7 : memref<32x768xf32, #tpu.memory_space<vmem>>) offsets(%dma_start3A_383 : memref<32xi32, #tpu.memory_space<vmem>>) semaphore(%arg11 : memref<!tpu.dma_semaphore, #tpu.memory_space<semaphore_mem>>)
    %dma_wait3A_387 = arith.constant 448 : i32
    %dma_wait3A_388 = tpu.memref_slice %arg5[%dma_wait3A_387] : memref<1024xi32, #tpu.memory_space<vmem>> -> memref<32xi32, #tpu.memory_space<vmem>>
    %dma_wait3A_389 = arith.constant 0 : i32
    %dma_wait3A_390 = arith.constant 0 : i32
    %dma_wait3A_391 = tpu.memref_slice %arg3[%dma_wait3A_389, %dma_wait3A_390] : memref<8192x768xf32, #tpu.memory_space<hbm>> -> memref<8192x768xf32, #tpu.memory_space<hbm>>
    tpu.wait_indirect_dma semaphore(%arg12 : memref<!tpu.dma_semaphore, #tpu.memory_space<semaphore_mem>>) src(%dma_wait3A_391 : memref<8192x768xf32, #tpu.memory_space<hbm>>) dst(%arg8 : memref<32x768xf32, #tpu.memory_space<vmem>>)
    %add3A_392 = arith.constant 448 : i32
    %add3A_393 = arith.addi %mul3A_32, %add3A_392 : i32
    %dma_start3A_394 = arith.constant 0 : i32
    %dma_start3A_395 = tpu.memref_slice %arg4[%select_n3A, %add3A_393, %dma_start3A_394] : memref<4x8192x768xf32, #tpu.memory_space<hbm>> -> memref<1x32x768xf32, #tpu.memory_space<hbm>>
    %dma_start3A_396 = tpu.memref_squeeze %dma_start3A_395 : memref<1x32x768xf32, #tpu.memory_space<hbm>> -> memref<32x768xf32, #tpu.memory_space<hbm>>
    %dma_start3A_397 = arith.constant 0 : i32
    %dma_start3A_398 = tpu.memref_slice %arg4[%select_n3A, %add3A_393, %dma_start3A_397] : memref<4x8192x768xf32, #tpu.memory_space<hbm>> -> memref<1x32x768xf32, #tpu.memory_space<hbm>>
    %dma_start3A_399 = tpu.memref_squeeze %dma_start3A_398 : memref<1x32x768xf32, #tpu.memory_space<hbm>> -> memref<32x768xf32, #tpu.memory_space<hbm>>
    tpu.enqueue_dma source(%arg8 : memref<32x768xf32, #tpu.memory_space<vmem>>) target(%dma_start3A_399 : memref<32x768xf32, #tpu.memory_space<hbm>>) target_semaphore(%arg16 : memref<!tpu.dma_semaphore, #tpu.memory_space<semaphore_mem>>)
    %dma_wait3A_400 = arith.constant 0 : i32
    %dma_wait3A_401 = tpu.memref_slice %arg4[%select_n3A, %add3A_393, %dma_wait3A_400] : memref<4x8192x768xf32, #tpu.memory_space<hbm>> -> memref<1x32x768xf32, #tpu.memory_space<hbm>>
    %dma_wait3A_402 = tpu.memref_squeeze %dma_wait3A_401 : memref<1x32x768xf32, #tpu.memory_space<hbm>> -> memref<32x768xf32, #tpu.memory_space<hbm>>
    %dma_wait3A_403 = arith.constant 0 : i32
    %dma_wait3A_404 = tpu.memref_slice %arg4[%select_n3A, %add3A_393, %dma_wait3A_403] : memref<4x8192x768xf32, #tpu.memory_space<hbm>> -> memref<1x32x768xf32, #tpu.memory_space<hbm>>
    %dma_wait3A_405 = tpu.memref_squeeze %dma_wait3A_404 : memref<1x32x768xf32, #tpu.memory_space<hbm>> -> memref<32x768xf32, #tpu.memory_space<hbm>>
    tpu.wait_dma2 semaphore(%arg16 : memref<!tpu.dma_semaphore, #tpu.memory_space<semaphore_mem>>) src(%arg8 : memref<32x768xf32, #tpu.memory_space<vmem>>) dst(%dma_wait3A_405 : memref<32x768xf32, #tpu.memory_space<hbm>>)
    %dma_start3A_406 = arith.constant 576 : i32
    %dma_start3A_407 = tpu.memref_slice %arg5[%dma_start3A_406] : memref<1024xi32, #tpu.memory_space<vmem>> -> memref<32xi32, #tpu.memory_space<vmem>>
    %dma_start3A_408 = arith.constant 0 : i32
    %dma_start3A_409 = arith.constant 0 : i32
    %dma_start3A_410 = tpu.memref_slice %arg3[%dma_start3A_408, %dma_start3A_409] : memref<8192x768xf32, #tpu.memory_space<hbm>> -> memref<8192x768xf32, #tpu.memory_space<hbm>>
    tpu.enqueue_indirect_dma source(%dma_start3A_410 : memref<8192x768xf32, #tpu.memory_space<hbm>>) target(%arg8 : memref<32x768xf32, #tpu.memory_space<vmem>>) offsets(%dma_start3A_407 : memref<32xi32, #tpu.memory_space<vmem>>) semaphore(%arg12 : memref<!tpu.dma_semaphore, #tpu.memory_space<semaphore_mem>>)
    %dma_wait3A_411 = arith.constant 480 : i32
    %dma_wait3A_412 = tpu.memref_slice %arg5[%dma_wait3A_411] : memref<1024xi32, #tpu.memory_space<vmem>> -> memref<32xi32, #tpu.memory_space<vmem>>
    %dma_wait3A_413 = arith.constant 0 : i32
    %dma_wait3A_414 = arith.constant 0 : i32
    %dma_wait3A_415 = tpu.memref_slice %arg3[%dma_wait3A_413, %dma_wait3A_414] : memref<8192x768xf32, #tpu.memory_space<hbm>> -> memref<8192x768xf32, #tpu.memory_space<hbm>>
    tpu.wait_indirect_dma semaphore(%arg13 : memref<!tpu.dma_semaphore, #tpu.memory_space<semaphore_mem>>) src(%dma_wait3A_415 : memref<8192x768xf32, #tpu.memory_space<hbm>>) dst(%arg9 : memref<32x768xf32, #tpu.memory_space<vmem>>)
    %add3A_416 = arith.constant 480 : i32
    %add3A_417 = arith.addi %mul3A_32, %add3A_416 : i32
    %dma_start3A_418 = arith.constant 0 : i32
    %dma_start3A_419 = tpu.memref_slice %arg4[%select_n3A, %add3A_417, %dma_start3A_418] : memref<4x8192x768xf32, #tpu.memory_space<hbm>> -> memref<1x32x768xf32, #tpu.memory_space<hbm>>
    %dma_start3A_420 = tpu.memref_squeeze %dma_start3A_419 : memref<1x32x768xf32, #tpu.memory_space<hbm>> -> memref<32x768xf32, #tpu.memory_space<hbm>>
    %dma_start3A_421 = arith.constant 0 : i32
    %dma_start3A_422 = tpu.memref_slice %arg4[%select_n3A, %add3A_417, %dma_start3A_421] : memref<4x8192x768xf32, #tpu.memory_space<hbm>> -> memref<1x32x768xf32, #tpu.memory_space<hbm>>
    %dma_start3A_423 = tpu.memref_squeeze %dma_start3A_422 : memref<1x32x768xf32, #tpu.memory_space<hbm>> -> memref<32x768xf32, #tpu.memory_space<hbm>>
    tpu.enqueue_dma source(%arg9 : memref<32x768xf32, #tpu.memory_space<vmem>>) target(%dma_start3A_423 : memref<32x768xf32, #tpu.memory_space<hbm>>) target_semaphore(%arg17 : memref<!tpu.dma_semaphore, #tpu.memory_space<semaphore_mem>>)
    %dma_wait3A_424 = arith.constant 0 : i32
    %dma_wait3A_425 = tpu.memref_slice %arg4[%select_n3A, %add3A_417, %dma_wait3A_424] : memref<4x8192x768xf32, #tpu.memory_space<hbm>> -> memref<1x32x768xf32, #tpu.memory_space<hbm>>
    %dma_wait3A_426 = tpu.memref_squeeze %dma_wait3A_425 : memref<1x32x768xf32, #tpu.memory_space<hbm>> -> memref<32x768xf32, #tpu.memory_space<hbm>>
    %dma_wait3A_427 = arith.constant 0 : i32
    %dma_wait3A_428 = tpu.memref_slice %arg4[%select_n3A, %add3A_417, %dma_wait3A_427] : memref<4x8192x768xf32, #tpu.memory_space<hbm>> -> memref<1x32x768xf32, #tpu.memory_space<hbm>>
    %dma_wait3A_429 = tpu.memref_squeeze %dma_wait3A_428 : memref<1x32x768xf32, #tpu.memory_space<hbm>> -> memref<32x768xf32, #tpu.memory_space<hbm>>
    tpu.wait_dma2 semaphore(%arg17 : memref<!tpu.dma_semaphore, #tpu.memory_space<semaphore_mem>>) src(%arg9 : memref<32x768xf32, #tpu.memory_space<vmem>>) dst(%dma_wait3A_429 : memref<32x768xf32, #tpu.memory_space<hbm>>)
    %dma_start3A_430 = arith.constant 608 : i32
    %dma_start3A_431 = tpu.memref_slice %arg5[%dma_start3A_430] : memref<1024xi32, #tpu.memory_space<vmem>> -> memref<32xi32, #tpu.memory_space<vmem>>
    %dma_start3A_432 = arith.constant 0 : i32
    %dma_start3A_433 = arith.constant 0 : i32
    %dma_start3A_434 = tpu.memref_slice %arg3[%dma_start3A_432, %dma_start3A_433] : memref<8192x768xf32, #tpu.memory_space<hbm>> -> memref<8192x768xf32, #tpu.memory_space<hbm>>
    tpu.enqueue_indirect_dma source(%dma_start3A_434 : memref<8192x768xf32, #tpu.memory_space<hbm>>) target(%arg9 : memref<32x768xf32, #tpu.memory_space<vmem>>) offsets(%dma_start3A_431 : memref<32xi32, #tpu.memory_space<vmem>>) semaphore(%arg13 : memref<!tpu.dma_semaphore, #tpu.memory_space<semaphore_mem>>)
    %dma_wait3A_435 = arith.constant 512 : i32
    %dma_wait3A_436 = tpu.memref_slice %arg5[%dma_wait3A_435] : memref<1024xi32, #tpu.memory_space<vmem>> -> memref<32xi32, #tpu.memory_space<vmem>>
    %dma_wait3A_437 = arith.constant 0 : i32
    %dma_wait3A_438 = arith.constant 0 : i32
    %dma_wait3A_439 = tpu.memref_slice %arg3[%dma_wait3A_437, %dma_wait3A_438] : memref<8192x768xf32, #tpu.memory_space<hbm>> -> memref<8192x768xf32, #tpu.memory_space<hbm>>
    tpu.wait_indirect_dma semaphore(%arg10 : memref<!tpu.dma_semaphore, #tpu.memory_space<semaphore_mem>>) src(%dma_wait3A_439 : memref<8192x768xf32, #tpu.memory_space<hbm>>) dst(%arg6 : memref<32x768xf32, #tpu.memory_space<vmem>>)
    %add3A_440 = arith.constant 512 : i32
    %add3A_441 = arith.addi %mul3A_32, %add3A_440 : i32
    %dma_start3A_442 = arith.constant 0 : i32
    %dma_start3A_443 = tpu.memref_slice %arg4[%select_n3A, %add3A_441, %dma_start3A_442] : memref<4x8192x768xf32, #tpu.memory_space<hbm>> -> memref<1x32x768xf32, #tpu.memory_space<hbm>>
    %dma_start3A_444 = tpu.memref_squeeze %dma_start3A_443 : memref<1x32x768xf32, #tpu.memory_space<hbm>> -> memref<32x768xf32, #tpu.memory_space<hbm>>
    %dma_start3A_445 = arith.constant 0 : i32
    %dma_start3A_446 = tpu.memref_slice %arg4[%select_n3A, %add3A_441, %dma_start3A_445] : memref<4x8192x768xf32, #tpu.memory_space<hbm>> -> memref<1x32x768xf32, #tpu.memory_space<hbm>>
    %dma_start3A_447 = tpu.memref_squeeze %dma_start3A_446 : memref<1x32x768xf32, #tpu.memory_space<hbm>> -> memref<32x768xf32, #tpu.memory_space<hbm>>
    tpu.enqueue_dma source(%arg6 : memref<32x768xf32, #tpu.memory_space<vmem>>) target(%dma_start3A_447 : memref<32x768xf32, #tpu.memory_space<hbm>>) target_semaphore(%arg14 : memref<!tpu.dma_semaphore, #tpu.memory_space<semaphore_mem>>)
    %dma_wait3A_448 = arith.constant 0 : i32
    %dma_wait3A_449 = tpu.memref_slice %arg4[%select_n3A, %add3A_441, %dma_wait3A_448] : memref<4x8192x768xf32, #tpu.memory_space<hbm>> -> memref<1x32x768xf32, #tpu.memory_space<hbm>>
    %dma_wait3A_450 = tpu.memref_squeeze %dma_wait3A_449 : memref<1x32x768xf32, #tpu.memory_space<hbm>> -> memref<32x768xf32, #tpu.memory_space<hbm>>
    %dma_wait3A_451 = arith.constant 0 : i32
    %dma_wait3A_452 = tpu.memref_slice %arg4[%select_n3A, %add3A_441, %dma_wait3A_451] : memref<4x8192x768xf32, #tpu.memory_space<hbm>> -> memref<1x32x768xf32, #tpu.memory_space<hbm>>
    %dma_wait3A_453 = tpu.memref_squeeze %dma_wait3A_452 : memref<1x32x768xf32, #tpu.memory_space<hbm>> -> memref<32x768xf32, #tpu.memory_space<hbm>>
    tpu.wait_dma2 semaphore(%arg14 : memref<!tpu.dma_semaphore, #tpu.memory_space<semaphore_mem>>) src(%arg6 : memref<32x768xf32, #tpu.memory_space<vmem>>) dst(%dma_wait3A_453 : memref<32x768xf32, #tpu.memory_space<hbm>>)
    %dma_start3A_454 = arith.constant 640 : i32
    %dma_start3A_455 = tpu.memref_slice %arg5[%dma_start3A_454] : memref<1024xi32, #tpu.memory_space<vmem>> -> memref<32xi32, #tpu.memory_space<vmem>>
    %dma_start3A_456 = arith.constant 0 : i32
    %dma_start3A_457 = arith.constant 0 : i32
    %dma_start3A_458 = tpu.memref_slice %arg3[%dma_start3A_456, %dma_start3A_457] : memref<8192x768xf32, #tpu.memory_space<hbm>> -> memref<8192x768xf32, #tpu.memory_space<hbm>>
    tpu.enqueue_indirect_dma source(%dma_start3A_458 : memref<8192x768xf32, #tpu.memory_space<hbm>>) target(%arg6 : memref<32x768xf32, #tpu.memory_space<vmem>>) offsets(%dma_start3A_455 : memref<32xi32, #tpu.memory_space<vmem>>) semaphore(%arg10 : memref<!tpu.dma_semaphore, #tpu.memory_space<semaphore_mem>>)
    %dma_wait3A_459 = arith.constant 544 : i32
    %dma_wait3A_460 = tpu.memref_slice %arg5[%dma_wait3A_459] : memref<1024xi32, #tpu.memory_space<vmem>> -> memref<32xi32, #tpu.memory_space<vmem>>
    %dma_wait3A_461 = arith.constant 0 : i32
    %dma_wait3A_462 = arith.constant 0 : i32
    %dma_wait3A_463 = tpu.memref_slice %arg3[%dma_wait3A_461, %dma_wait3A_462] : memref<8192x768xf32, #tpu.memory_space<hbm>> -> memref<8192x768xf32, #tpu.memory_space<hbm>>
    tpu.wait_indirect_dma semaphore(%arg11 : memref<!tpu.dma_semaphore, #tpu.memory_space<semaphore_mem>>) src(%dma_wait3A_463 : memref<8192x768xf32, #tpu.memory_space<hbm>>) dst(%arg7 : memref<32x768xf32, #tpu.memory_space<vmem>>)
    %add3A_464 = arith.constant 544 : i32
    %add3A_465 = arith.addi %mul3A_32, %add3A_464 : i32
    %dma_start3A_466 = arith.constant 0 : i32
    %dma_start3A_467 = tpu.memref_slice %arg4[%select_n3A, %add3A_465, %dma_start3A_466] : memref<4x8192x768xf32, #tpu.memory_space<hbm>> -> memref<1x32x768xf32, #tpu.memory_space<hbm>>
    %dma_start3A_468 = tpu.memref_squeeze %dma_start3A_467 : memref<1x32x768xf32, #tpu.memory_space<hbm>> -> memref<32x768xf32, #tpu.memory_space<hbm>>
    %dma_start3A_469 = arith.constant 0 : i32
    %dma_start3A_470 = tpu.memref_slice %arg4[%select_n3A, %add3A_465, %dma_start3A_469] : memref<4x8192x768xf32, #tpu.memory_space<hbm>> -> memref<1x32x768xf32, #tpu.memory_space<hbm>>
    %dma_start3A_471 = tpu.memref_squeeze %dma_start3A_470 : memref<1x32x768xf32, #tpu.memory_space<hbm>> -> memref<32x768xf32, #tpu.memory_space<hbm>>
    tpu.enqueue_dma source(%arg7 : memref<32x768xf32, #tpu.memory_space<vmem>>) target(%dma_start3A_471 : memref<32x768xf32, #tpu.memory_space<hbm>>) target_semaphore(%arg15 : memref<!tpu.dma_semaphore, #tpu.memory_space<semaphore_mem>>)
    %dma_wait3A_472 = arith.constant 0 : i32
    %dma_wait3A_473 = tpu.memref_slice %arg4[%select_n3A, %add3A_465, %dma_wait3A_472] : memref<4x8192x768xf32, #tpu.memory_space<hbm>> -> memref<1x32x768xf32, #tpu.memory_space<hbm>>
    %dma_wait3A_474 = tpu.memref_squeeze %dma_wait3A_473 : memref<1x32x768xf32, #tpu.memory_space<hbm>> -> memref<32x768xf32, #tpu.memory_space<hbm>>
    %dma_wait3A_475 = arith.constant 0 : i32
    %dma_wait3A_476 = tpu.memref_slice %arg4[%select_n3A, %add3A_465, %dma_wait3A_475] : memref<4x8192x768xf32, #tpu.memory_space<hbm>> -> memref<1x32x768xf32, #tpu.memory_space<hbm>>
    %dma_wait3A_477 = tpu.memref_squeeze %dma_wait3A_476 : memref<1x32x768xf32, #tpu.memory_space<hbm>> -> memref<32x768xf32, #tpu.memory_space<hbm>>
    tpu.wait_dma2 semaphore(%arg15 : memref<!tpu.dma_semaphore, #tpu.memory_space<semaphore_mem>>) src(%arg7 : memref<32x768xf32, #tpu.memory_space<vmem>>) dst(%dma_wait3A_477 : memref<32x768xf32, #tpu.memory_space<hbm>>)
    %dma_start3A_478 = arith.constant 672 : i32
    %dma_start3A_479 = tpu.memref_slice %arg5[%dma_start3A_478] : memref<1024xi32, #tpu.memory_space<vmem>> -> memref<32xi32, #tpu.memory_space<vmem>>
    %dma_start3A_480 = arith.constant 0 : i32
    %dma_start3A_481 = arith.constant 0 : i32
    %dma_start3A_482 = tpu.memref_slice %arg3[%dma_start3A_480, %dma_start3A_481] : memref<8192x768xf32, #tpu.memory_space<hbm>> -> memref<8192x768xf32, #tpu.memory_space<hbm>>
    tpu.enqueue_indirect_dma source(%dma_start3A_482 : memref<8192x768xf32, #tpu.memory_space<hbm>>) target(%arg7 : memref<32x768xf32, #tpu.memory_space<vmem>>) offsets(%dma_start3A_479 : memref<32xi32, #tpu.memory_space<vmem>>) semaphore(%arg11 : memref<!tpu.dma_semaphore, #tpu.memory_space<semaphore_mem>>)
    %dma_wait3A_483 = arith.constant 576 : i32
    %dma_wait3A_484 = tpu.memref_slice %arg5[%dma_wait3A_483] : memref<1024xi32, #tpu.memory_space<vmem>> -> memref<32xi32, #tpu.memory_space<vmem>>
    %dma_wait3A_485 = arith.constant 0 : i32
    %dma_wait3A_486 = arith.constant 0 : i32
    %dma_wait3A_487 = tpu.memref_slice %arg3[%dma_wait3A_485, %dma_wait3A_486] : memref<8192x768xf32, #tpu.memory_space<hbm>> -> memref<8192x768xf32, #tpu.memory_space<hbm>>
    tpu.wait_indirect_dma semaphore(%arg12 : memref<!tpu.dma_semaphore, #tpu.memory_space<semaphore_mem>>) src(%dma_wait3A_487 : memref<8192x768xf32, #tpu.memory_space<hbm>>) dst(%arg8 : memref<32x768xf32, #tpu.memory_space<vmem>>)
    %add3A_488 = arith.constant 576 : i32
    %add3A_489 = arith.addi %mul3A_32, %add3A_488 : i32
    %dma_start3A_490 = arith.constant 0 : i32
    %dma_start3A_491 = tpu.memref_slice %arg4[%select_n3A, %add3A_489, %dma_start3A_490] : memref<4x8192x768xf32, #tpu.memory_space<hbm>> -> memref<1x32x768xf32, #tpu.memory_space<hbm>>
    %dma_start3A_492 = tpu.memref_squeeze %dma_start3A_491 : memref<1x32x768xf32, #tpu.memory_space<hbm>> -> memref<32x768xf32, #tpu.memory_space<hbm>>
    %dma_start3A_493 = arith.constant 0 : i32
    %dma_start3A_494 = tpu.memref_slice %arg4[%select_n3A, %add3A_489, %dma_start3A_493] : memref<4x8192x768xf32, #tpu.memory_space<hbm>> -> memref<1x32x768xf32, #tpu.memory_space<hbm>>
    %dma_start3A_495 = tpu.memref_squeeze %dma_start3A_494 : memref<1x32x768xf32, #tpu.memory_space<hbm>> -> memref<32x768xf32, #tpu.memory_space<hbm>>
    tpu.enqueue_dma source(%arg8 : memref<32x768xf32, #tpu.memory_space<vmem>>) target(%dma_start3A_495 : memref<32x768xf32, #tpu.memory_space<hbm>>) target_semaphore(%arg16 : memref<!tpu.dma_semaphore, #tpu.memory_space<semaphore_mem>>)
    %dma_wait3A_496 = arith.constant 0 : i32
    %dma_wait3A_497 = tpu.memref_slice %arg4[%select_n3A, %add3A_489, %dma_wait3A_496] : memref<4x8192x768xf32, #tpu.memory_space<hbm>> -> memref<1x32x768xf32, #tpu.memory_space<hbm>>
    %dma_wait3A_498 = tpu.memref_squeeze %dma_wait3A_497 : memref<1x32x768xf32, #tpu.memory_space<hbm>> -> memref<32x768xf32, #tpu.memory_space<hbm>>
    %dma_wait3A_499 = arith.constant 0 : i32
    %dma_wait3A_500 = tpu.memref_slice %arg4[%select_n3A, %add3A_489, %dma_wait3A_499] : memref<4x8192x768xf32, #tpu.memory_space<hbm>> -> memref<1x32x768xf32, #tpu.memory_space<hbm>>
    %dma_wait3A_501 = tpu.memref_squeeze %dma_wait3A_500 : memref<1x32x768xf32, #tpu.memory_space<hbm>> -> memref<32x768xf32, #tpu.memory_space<hbm>>
    tpu.wait_dma2 semaphore(%arg16 : memref<!tpu.dma_semaphore, #tpu.memory_space<semaphore_mem>>) src(%arg8 : memref<32x768xf32, #tpu.memory_space<vmem>>) dst(%dma_wait3A_501 : memref<32x768xf32, #tpu.memory_space<hbm>>)
    %dma_start3A_502 = arith.constant 704 : i32
    %dma_start3A_503 = tpu.memref_slice %arg5[%dma_start3A_502] : memref<1024xi32, #tpu.memory_space<vmem>> -> memref<32xi32, #tpu.memory_space<vmem>>
    %dma_start3A_504 = arith.constant 0 : i32
    %dma_start3A_505 = arith.constant 0 : i32
    %dma_start3A_506 = tpu.memref_slice %arg3[%dma_start3A_504, %dma_start3A_505] : memref<8192x768xf32, #tpu.memory_space<hbm>> -> memref<8192x768xf32, #tpu.memory_space<hbm>>
    tpu.enqueue_indirect_dma source(%dma_start3A_506 : memref<8192x768xf32, #tpu.memory_space<hbm>>) target(%arg8 : memref<32x768xf32, #tpu.memory_space<vmem>>) offsets(%dma_start3A_503 : memref<32xi32, #tpu.memory_space<vmem>>) semaphore(%arg12 : memref<!tpu.dma_semaphore, #tpu.memory_space<semaphore_mem>>)
    %dma_wait3A_507 = arith.constant 608 : i32
    %dma_wait3A_508 = tpu.memref_slice %arg5[%dma_wait3A_507] : memref<1024xi32, #tpu.memory_space<vmem>> -> memref<32xi32, #tpu.memory_space<vmem>>
    %dma_wait3A_509 = arith.constant 0 : i32
    %dma_wait3A_510 = arith.constant 0 : i32
    %dma_wait3A_511 = tpu.memref_slice %arg3[%dma_wait3A_509, %dma_wait3A_510] : memref<8192x768xf32, #tpu.memory_space<hbm>> -> memref<8192x768xf32, #tpu.memory_space<hbm>>
    tpu.wait_indirect_dma semaphore(%arg13 : memref<!tpu.dma_semaphore, #tpu.memory_space<semaphore_mem>>) src(%dma_wait3A_511 : memref<8192x768xf32, #tpu.memory_space<hbm>>) dst(%arg9 : memref<32x768xf32, #tpu.memory_space<vmem>>)
    %add3A_512 = arith.constant 608 : i32
    %add3A_513 = arith.addi %mul3A_32, %add3A_512 : i32
    %dma_start3A_514 = arith.constant 0 : i32
    %dma_start3A_515 = tpu.memref_slice %arg4[%select_n3A, %add3A_513, %dma_start3A_514] : memref<4x8192x768xf32, #tpu.memory_space<hbm>> -> memref<1x32x768xf32, #tpu.memory_space<hbm>>
    %dma_start3A_516 = tpu.memref_squeeze %dma_start3A_515 : memref<1x32x768xf32, #tpu.memory_space<hbm>> -> memref<32x768xf32, #tpu.memory_space<hbm>>
    %dma_start3A_517 = arith.constant 0 : i32
    %dma_start3A_518 = tpu.memref_slice %arg4[%select_n3A, %add3A_513, %dma_start3A_517] : memref<4x8192x768xf32, #tpu.memory_space<hbm>> -> memref<1x32x768xf32, #tpu.memory_space<hbm>>
    %dma_start3A_519 = tpu.memref_squeeze %dma_start3A_518 : memref<1x32x768xf32, #tpu.memory_space<hbm>> -> memref<32x768xf32, #tpu.memory_space<hbm>>
    tpu.enqueue_dma source(%arg9 : memref<32x768xf32, #tpu.memory_space<vmem>>) target(%dma_start3A_519 : memref<32x768xf32, #tpu.memory_space<hbm>>) target_semaphore(%arg17 : memref<!tpu.dma_semaphore, #tpu.memory_space<semaphore_mem>>)
    %dma_wait3A_520 = arith.constant 0 : i32
    %dma_wait3A_521 = tpu.memref_slice %arg4[%select_n3A, %add3A_513, %dma_wait3A_520] : memref<4x8192x768xf32, #tpu.memory_space<hbm>> -> memref<1x32x768xf32, #tpu.memory_space<hbm>>
    %dma_wait3A_522 = tpu.memref_squeeze %dma_wait3A_521 : memref<1x32x768xf32, #tpu.memory_space<hbm>> -> memref<32x768xf32, #tpu.memory_space<hbm>>
    %dma_wait3A_523 = arith.constant 0 : i32
    %dma_wait3A_524 = tpu.memref_slice %arg4[%select_n3A, %add3A_513, %dma_wait3A_523] : memref<4x8192x768xf32, #tpu.memory_space<hbm>> -> memref<1x32x768xf32, #tpu.memory_space<hbm>>
    %dma_wait3A_525 = tpu.memref_squeeze %dma_wait3A_524 : memref<1x32x768xf32, #tpu.memory_space<hbm>> -> memref<32x768xf32, #tpu.memory_space<hbm>>
    tpu.wait_dma2 semaphore(%arg17 : memref<!tpu.dma_semaphore, #tpu.memory_space<semaphore_mem>>) src(%arg9 : memref<32x768xf32, #tpu.memory_space<vmem>>) dst(%dma_wait3A_525 : memref<32x768xf32, #tpu.memory_space<hbm>>)
    %dma_start3A_526 = arith.constant 736 : i32
    %dma_start3A_527 = tpu.memref_slice %arg5[%dma_start3A_526] : memref<1024xi32, #tpu.memory_space<vmem>> -> memref<32xi32, #tpu.memory_space<vmem>>
    %dma_start3A_528 = arith.constant 0 : i32
    %dma_start3A_529 = arith.constant 0 : i32
    %dma_start3A_530 = tpu.memref_slice %arg3[%dma_start3A_528, %dma_start3A_529] : memref<8192x768xf32, #tpu.memory_space<hbm>> -> memref<8192x768xf32, #tpu.memory_space<hbm>>
    tpu.enqueue_indirect_dma source(%dma_start3A_530 : memref<8192x768xf32, #tpu.memory_space<hbm>>) target(%arg9 : memref<32x768xf32, #tpu.memory_space<vmem>>) offsets(%dma_start3A_527 : memref<32xi32, #tpu.memory_space<vmem>>) semaphore(%arg13 : memref<!tpu.dma_semaphore, #tpu.memory_space<semaphore_mem>>)
    %dma_wait3A_531 = arith.constant 640 : i32
    %dma_wait3A_532 = tpu.memref_slice %arg5[%dma_wait3A_531] : memref<1024xi32, #tpu.memory_space<vmem>> -> memref<32xi32, #tpu.memory_space<vmem>>
    %dma_wait3A_533 = arith.constant 0 : i32
    %dma_wait3A_534 = arith.constant 0 : i32
    %dma_wait3A_535 = tpu.memref_slice %arg3[%dma_wait3A_533, %dma_wait3A_534] : memref<8192x768xf32, #tpu.memory_space<hbm>> -> memref<8192x768xf32, #tpu.memory_space<hbm>>
    tpu.wait_indirect_dma semaphore(%arg10 : memref<!tpu.dma_semaphore, #tpu.memory_space<semaphore_mem>>) src(%dma_wait3A_535 : memref<8192x768xf32, #tpu.memory_space<hbm>>) dst(%arg6 : memref<32x768xf32, #tpu.memory_space<vmem>>)
    %add3A_536 = arith.constant 640 : i32
    %add3A_537 = arith.addi %mul3A_32, %add3A_536 : i32
    %dma_start3A_538 = arith.constant 0 : i32
    %dma_start3A_539 = tpu.memref_slice %arg4[%select_n3A, %add3A_537, %dma_start3A_538] : memref<4x8192x768xf32, #tpu.memory_space<hbm>> -> memref<1x32x768xf32, #tpu.memory_space<hbm>>
    %dma_start3A_540 = tpu.memref_squeeze %dma_start3A_539 : memref<1x32x768xf32, #tpu.memory_space<hbm>> -> memref<32x768xf32, #tpu.memory_space<hbm>>
    %dma_start3A_541 = arith.constant 0 : i32
    %dma_start3A_542 = tpu.memref_slice %arg4[%select_n3A, %add3A_537, %dma_start3A_541] : memref<4x8192x768xf32, #tpu.memory_space<hbm>> -> memref<1x32x768xf32, #tpu.memory_space<hbm>>
    %dma_start3A_543 = tpu.memref_squeeze %dma_start3A_542 : memref<1x32x768xf32, #tpu.memory_space<hbm>> -> memref<32x768xf32, #tpu.memory_space<hbm>>
    tpu.enqueue_dma source(%arg6 : memref<32x768xf32, #tpu.memory_space<vmem>>) target(%dma_start3A_543 : memref<32x768xf32, #tpu.memory_space<hbm>>) target_semaphore(%arg14 : memref<!tpu.dma_semaphore, #tpu.memory_space<semaphore_mem>>)
    %dma_wait3A_544 = arith.constant 0 : i32
    %dma_wait3A_545 = tpu.memref_slice %arg4[%select_n3A, %add3A_537, %dma_wait3A_544] : memref<4x8192x768xf32, #tpu.memory_space<hbm>> -> memref<1x32x768xf32, #tpu.memory_space<hbm>>
    %dma_wait3A_546 = tpu.memref_squeeze %dma_wait3A_545 : memref<1x32x768xf32, #tpu.memory_space<hbm>> -> memref<32x768xf32, #tpu.memory_space<hbm>>
    %dma_wait3A_547 = arith.constant 0 : i32
    %dma_wait3A_548 = tpu.memref_slice %arg4[%select_n3A, %add3A_537, %dma_wait3A_547] : memref<4x8192x768xf32, #tpu.memory_space<hbm>> -> memref<1x32x768xf32, #tpu.memory_space<hbm>>
    %dma_wait3A_549 = tpu.memref_squeeze %dma_wait3A_548 : memref<1x32x768xf32, #tpu.memory_space<hbm>> -> memref<32x768xf32, #tpu.memory_space<hbm>>
    tpu.wait_dma2 semaphore(%arg14 : memref<!tpu.dma_semaphore, #tpu.memory_space<semaphore_mem>>) src(%arg6 : memref<32x768xf32, #tpu.memory_space<vmem>>) dst(%dma_wait3A_549 : memref<32x768xf32, #tpu.memory_space<hbm>>)
    %dma_start3A_550 = arith.constant 768 : i32
    %dma_start3A_551 = tpu.memref_slice %arg5[%dma_start3A_550] : memref<1024xi32, #tpu.memory_space<vmem>> -> memref<32xi32, #tpu.memory_space<vmem>>
    %dma_start3A_552 = arith.constant 0 : i32
    %dma_start3A_553 = arith.constant 0 : i32
    %dma_start3A_554 = tpu.memref_slice %arg3[%dma_start3A_552, %dma_start3A_553] : memref<8192x768xf32, #tpu.memory_space<hbm>> -> memref<8192x768xf32, #tpu.memory_space<hbm>>
    tpu.enqueue_indirect_dma source(%dma_start3A_554 : memref<8192x768xf32, #tpu.memory_space<hbm>>) target(%arg6 : memref<32x768xf32, #tpu.memory_space<vmem>>) offsets(%dma_start3A_551 : memref<32xi32, #tpu.memory_space<vmem>>) semaphore(%arg10 : memref<!tpu.dma_semaphore, #tpu.memory_space<semaphore_mem>>)
    %dma_wait3A_555 = arith.constant 672 : i32
    %dma_wait3A_556 = tpu.memref_slice %arg5[%dma_wait3A_555] : memref<1024xi32, #tpu.memory_space<vmem>> -> memref<32xi32, #tpu.memory_space<vmem>>
    %dma_wait3A_557 = arith.constant 0 : i32
    %dma_wait3A_558 = arith.constant 0 : i32
    %dma_wait3A_559 = tpu.memref_slice %arg3[%dma_wait3A_557, %dma_wait3A_558] : memref<8192x768xf32, #tpu.memory_space<hbm>> -> memref<8192x768xf32, #tpu.memory_space<hbm>>
    tpu.wait_indirect_dma semaphore(%arg11 : memref<!tpu.dma_semaphore, #tpu.memory_space<semaphore_mem>>) src(%dma_wait3A_559 : memref<8192x768xf32, #tpu.memory_space<hbm>>) dst(%arg7 : memref<32x768xf32, #tpu.memory_space<vmem>>)
    %add3A_560 = arith.constant 672 : i32
    %add3A_561 = arith.addi %mul3A_32, %add3A_560 : i32
    %dma_start3A_562 = arith.constant 0 : i32
    %dma_start3A_563 = tpu.memref_slice %arg4[%select_n3A, %add3A_561, %dma_start3A_562] : memref<4x8192x768xf32, #tpu.memory_space<hbm>> -> memref<1x32x768xf32, #tpu.memory_space<hbm>>
    %dma_start3A_564 = tpu.memref_squeeze %dma_start3A_563 : memref<1x32x768xf32, #tpu.memory_space<hbm>> -> memref<32x768xf32, #tpu.memory_space<hbm>>
    %dma_start3A_565 = arith.constant 0 : i32
    %dma_start3A_566 = tpu.memref_slice %arg4[%select_n3A, %add3A_561, %dma_start3A_565] : memref<4x8192x768xf32, #tpu.memory_space<hbm>> -> memref<1x32x768xf32, #tpu.memory_space<hbm>>
    %dma_start3A_567 = tpu.memref_squeeze %dma_start3A_566 : memref<1x32x768xf32, #tpu.memory_space<hbm>> -> memref<32x768xf32, #tpu.memory_space<hbm>>
    tpu.enqueue_dma source(%arg7 : memref<32x768xf32, #tpu.memory_space<vmem>>) target(%dma_start3A_567 : memref<32x768xf32, #tpu.memory_space<hbm>>) target_semaphore(%arg15 : memref<!tpu.dma_semaphore, #tpu.memory_space<semaphore_mem>>)
    %dma_wait3A_568 = arith.constant 0 : i32
    %dma_wait3A_569 = tpu.memref_slice %arg4[%select_n3A, %add3A_561, %dma_wait3A_568] : memref<4x8192x768xf32, #tpu.memory_space<hbm>> -> memref<1x32x768xf32, #tpu.memory_space<hbm>>
    %dma_wait3A_570 = tpu.memref_squeeze %dma_wait3A_569 : memref<1x32x768xf32, #tpu.memory_space<hbm>> -> memref<32x768xf32, #tpu.memory_space<hbm>>
    %dma_wait3A_571 = arith.constant 0 : i32
    %dma_wait3A_572 = tpu.memref_slice %arg4[%select_n3A, %add3A_561, %dma_wait3A_571] : memref<4x8192x768xf32, #tpu.memory_space<hbm>> -> memref<1x32x768xf32, #tpu.memory_space<hbm>>
    %dma_wait3A_573 = tpu.memref_squeeze %dma_wait3A_572 : memref<1x32x768xf32, #tpu.memory_space<hbm>> -> memref<32x768xf32, #tpu.memory_space<hbm>>
    tpu.wait_dma2 semaphore(%arg15 : memref<!tpu.dma_semaphore, #tpu.memory_space<semaphore_mem>>) src(%arg7 : memref<32x768xf32, #tpu.memory_space<vmem>>) dst(%dma_wait3A_573 : memref<32x768xf32, #tpu.memory_space<hbm>>)
    %dma_start3A_574 = arith.constant 800 : i32
    %dma_start3A_575 = tpu.memref_slice %arg5[%dma_start3A_574] : memref<1024xi32, #tpu.memory_space<vmem>> -> memref<32xi32, #tpu.memory_space<vmem>>
    %dma_start3A_576 = arith.constant 0 : i32
    %dma_start3A_577 = arith.constant 0 : i32
    %dma_start3A_578 = tpu.memref_slice %arg3[%dma_start3A_576, %dma_start3A_577] : memref<8192x768xf32, #tpu.memory_space<hbm>> -> memref<8192x768xf32, #tpu.memory_space<hbm>>
    tpu.enqueue_indirect_dma source(%dma_start3A_578 : memref<8192x768xf32, #tpu.memory_space<hbm>>) target(%arg7 : memref<32x768xf32, #tpu.memory_space<vmem>>) offsets(%dma_start3A_575 : memref<32xi32, #tpu.memory_space<vmem>>) semaphore(%arg11 : memref<!tpu.dma_semaphore, #tpu.memory_space<semaphore_mem>>)
    %dma_wait3A_579 = arith.constant 704 : i32
    %dma_wait3A_580 = tpu.memref_slice %arg5[%dma_wait3A_579] : memref<1024xi32, #tpu.memory_space<vmem>> -> memref<32xi32, #tpu.memory_space<vmem>>
    %dma_wait3A_581 = arith.constant 0 : i32
    %dma_wait3A_582 = arith.constant 0 : i32
    %dma_wait3A_583 = tpu.memref_slice %arg3[%dma_wait3A_581, %dma_wait3A_582] : memref<8192x768xf32, #tpu.memory_space<hbm>> -> memref<8192x768xf32, #tpu.memory_space<hbm>>
    tpu.wait_indirect_dma semaphore(%arg12 : memref<!tpu.dma_semaphore, #tpu.memory_space<semaphore_mem>>) src(%dma_wait3A_583 : memref<8192x768xf32, #tpu.memory_space<hbm>>) dst(%arg8 : memref<32x768xf32, #tpu.memory_space<vmem>>)
    %add3A_584 = arith.constant 704 : i32
    %add3A_585 = arith.addi %mul3A_32, %add3A_584 : i32
    %dma_start3A_586 = arith.constant 0 : i32
    %dma_start3A_587 = tpu.memref_slice %arg4[%select_n3A, %add3A_585, %dma_start3A_586] : memref<4x8192x768xf32, #tpu.memory_space<hbm>> -> memref<1x32x768xf32, #tpu.memory_space<hbm>>
    %dma_start3A_588 = tpu.memref_squeeze %dma_start3A_587 : memref<1x32x768xf32, #tpu.memory_space<hbm>> -> memref<32x768xf32, #tpu.memory_space<hbm>>
    %dma_start3A_589 = arith.constant 0 : i32
    %dma_start3A_590 = tpu.memref_slice %arg4[%select_n3A, %add3A_585, %dma_start3A_589] : memref<4x8192x768xf32, #tpu.memory_space<hbm>> -> memref<1x32x768xf32, #tpu.memory_space<hbm>>
    %dma_start3A_591 = tpu.memref_squeeze %dma_start3A_590 : memref<1x32x768xf32, #tpu.memory_space<hbm>> -> memref<32x768xf32, #tpu.memory_space<hbm>>
    tpu.enqueue_dma source(%arg8 : memref<32x768xf32, #tpu.memory_space<vmem>>) target(%dma_start3A_591 : memref<32x768xf32, #tpu.memory_space<hbm>>) target_semaphore(%arg16 : memref<!tpu.dma_semaphore, #tpu.memory_space<semaphore_mem>>)
    %dma_wait3A_592 = arith.constant 0 : i32
    %dma_wait3A_593 = tpu.memref_slice %arg4[%select_n3A, %add3A_585, %dma_wait3A_592] : memref<4x8192x768xf32, #tpu.memory_space<hbm>> -> memref<1x32x768xf32, #tpu.memory_space<hbm>>
    %dma_wait3A_594 = tpu.memref_squeeze %dma_wait3A_593 : memref<1x32x768xf32, #tpu.memory_space<hbm>> -> memref<32x768xf32, #tpu.memory_space<hbm>>
    %dma_wait3A_595 = arith.constant 0 : i32
    %dma_wait3A_596 = tpu.memref_slice %arg4[%select_n3A, %add3A_585, %dma_wait3A_595] : memref<4x8192x768xf32, #tpu.memory_space<hbm>> -> memref<1x32x768xf32, #tpu.memory_space<hbm>>
    %dma_wait3A_597 = tpu.memref_squeeze %dma_wait3A_596 : memref<1x32x768xf32, #tpu.memory_space<hbm>> -> memref<32x768xf32, #tpu.memory_space<hbm>>
    tpu.wait_dma2 semaphore(%arg16 : memref<!tpu.dma_semaphore, #tpu.memory_space<semaphore_mem>>) src(%arg8 : memref<32x768xf32, #tpu.memory_space<vmem>>) dst(%dma_wait3A_597 : memref<32x768xf32, #tpu.memory_space<hbm>>)
    %dma_start3A_598 = arith.constant 832 : i32
    %dma_start3A_599 = tpu.memref_slice %arg5[%dma_start3A_598] : memref<1024xi32, #tpu.memory_space<vmem>> -> memref<32xi32, #tpu.memory_space<vmem>>
    %dma_start3A_600 = arith.constant 0 : i32
    %dma_start3A_601 = arith.constant 0 : i32
    %dma_start3A_602 = tpu.memref_slice %arg3[%dma_start3A_600, %dma_start3A_601] : memref<8192x768xf32, #tpu.memory_space<hbm>> -> memref<8192x768xf32, #tpu.memory_space<hbm>>
    tpu.enqueue_indirect_dma source(%dma_start3A_602 : memref<8192x768xf32, #tpu.memory_space<hbm>>) target(%arg8 : memref<32x768xf32, #tpu.memory_space<vmem>>) offsets(%dma_start3A_599 : memref<32xi32, #tpu.memory_space<vmem>>) semaphore(%arg12 : memref<!tpu.dma_semaphore, #tpu.memory_space<semaphore_mem>>)
    %dma_wait3A_603 = arith.constant 736 : i32
    %dma_wait3A_604 = tpu.memref_slice %arg5[%dma_wait3A_603] : memref<1024xi32, #tpu.memory_space<vmem>> -> memref<32xi32, #tpu.memory_space<vmem>>
    %dma_wait3A_605 = arith.constant 0 : i32
    %dma_wait3A_606 = arith.constant 0 : i32
    %dma_wait3A_607 = tpu.memref_slice %arg3[%dma_wait3A_605, %dma_wait3A_606] : memref<8192x768xf32, #tpu.memory_space<hbm>> -> memref<8192x768xf32, #tpu.memory_space<hbm>>
    tpu.wait_indirect_dma semaphore(%arg13 : memref<!tpu.dma_semaphore, #tpu.memory_space<semaphore_mem>>) src(%dma_wait3A_607 : memref<8192x768xf32, #tpu.memory_space<hbm>>) dst(%arg9 : memref<32x768xf32, #tpu.memory_space<vmem>>)
    %add3A_608 = arith.constant 736 : i32
    %add3A_609 = arith.addi %mul3A_32, %add3A_608 : i32
    %dma_start3A_610 = arith.constant 0 : i32
    %dma_start3A_611 = tpu.memref_slice %arg4[%select_n3A, %add3A_609, %dma_start3A_610] : memref<4x8192x768xf32, #tpu.memory_space<hbm>> -> memref<1x32x768xf32, #tpu.memory_space<hbm>>
    %dma_start3A_612 = tpu.memref_squeeze %dma_start3A_611 : memref<1x32x768xf32, #tpu.memory_space<hbm>> -> memref<32x768xf32, #tpu.memory_space<hbm>>
    %dma_start3A_613 = arith.constant 0 : i32
    %dma_start3A_614 = tpu.memref_slice %arg4[%select_n3A, %add3A_609, %dma_start3A_613] : memref<4x8192x768xf32, #tpu.memory_space<hbm>> -> memref<1x32x768xf32, #tpu.memory_space<hbm>>
    %dma_start3A_615 = tpu.memref_squeeze %dma_start3A_614 : memref<1x32x768xf32, #tpu.memory_space<hbm>> -> memref<32x768xf32, #tpu.memory_space<hbm>>
    tpu.enqueue_dma source(%arg9 : memref<32x768xf32, #tpu.memory_space<vmem>>) target(%dma_start3A_615 : memref<32x768xf32, #tpu.memory_space<hbm>>) target_semaphore(%arg17 : memref<!tpu.dma_semaphore, #tpu.memory_space<semaphore_mem>>)
    %dma_wait3A_616 = arith.constant 0 : i32
    %dma_wait3A_617 = tpu.memref_slice %arg4[%select_n3A, %add3A_609, %dma_wait3A_616] : memref<4x8192x768xf32, #tpu.memory_space<hbm>> -> memref<1x32x768xf32, #tpu.memory_space<hbm>>
    %dma_wait3A_618 = tpu.memref_squeeze %dma_wait3A_617 : memref<1x32x768xf32, #tpu.memory_space<hbm>> -> memref<32x768xf32, #tpu.memory_space<hbm>>
    %dma_wait3A_619 = arith.constant 0 : i32
    %dma_wait3A_620 = tpu.memref_slice %arg4[%select_n3A, %add3A_609, %dma_wait3A_619] : memref<4x8192x768xf32, #tpu.memory_space<hbm>> -> memref<1x32x768xf32, #tpu.memory_space<hbm>>
    %dma_wait3A_621 = tpu.memref_squeeze %dma_wait3A_620 : memref<1x32x768xf32, #tpu.memory_space<hbm>> -> memref<32x768xf32, #tpu.memory_space<hbm>>
    tpu.wait_dma2 semaphore(%arg17 : memref<!tpu.dma_semaphore, #tpu.memory_space<semaphore_mem>>) src(%arg9 : memref<32x768xf32, #tpu.memory_space<vmem>>) dst(%dma_wait3A_621 : memref<32x768xf32, #tpu.memory_space<hbm>>)
    %dma_start3A_622 = arith.constant 864 : i32
    %dma_start3A_623 = tpu.memref_slice %arg5[%dma_start3A_622] : memref<1024xi32, #tpu.memory_space<vmem>> -> memref<32xi32, #tpu.memory_space<vmem>>
    %dma_start3A_624 = arith.constant 0 : i32
    %dma_start3A_625 = arith.constant 0 : i32
    %dma_start3A_626 = tpu.memref_slice %arg3[%dma_start3A_624, %dma_start3A_625] : memref<8192x768xf32, #tpu.memory_space<hbm>> -> memref<8192x768xf32, #tpu.memory_space<hbm>>
    tpu.enqueue_indirect_dma source(%dma_start3A_626 : memref<8192x768xf32, #tpu.memory_space<hbm>>) target(%arg9 : memref<32x768xf32, #tpu.memory_space<vmem>>) offsets(%dma_start3A_623 : memref<32xi32, #tpu.memory_space<vmem>>) semaphore(%arg13 : memref<!tpu.dma_semaphore, #tpu.memory_space<semaphore_mem>>)
    %dma_wait3A_627 = arith.constant 768 : i32
    %dma_wait3A_628 = tpu.memref_slice %arg5[%dma_wait3A_627] : memref<1024xi32, #tpu.memory_space<vmem>> -> memref<32xi32, #tpu.memory_space<vmem>>
    %dma_wait3A_629 = arith.constant 0 : i32
    %dma_wait3A_630 = arith.constant 0 : i32
    %dma_wait3A_631 = tpu.memref_slice %arg3[%dma_wait3A_629, %dma_wait3A_630] : memref<8192x768xf32, #tpu.memory_space<hbm>> -> memref<8192x768xf32, #tpu.memory_space<hbm>>
    tpu.wait_indirect_dma semaphore(%arg10 : memref<!tpu.dma_semaphore, #tpu.memory_space<semaphore_mem>>) src(%dma_wait3A_631 : memref<8192x768xf32, #tpu.memory_space<hbm>>) dst(%arg6 : memref<32x768xf32, #tpu.memory_space<vmem>>)
    %add3A_632 = arith.constant 768 : i32
    %add3A_633 = arith.addi %mul3A_32, %add3A_632 : i32
    %dma_start3A_634 = arith.constant 0 : i32
    %dma_start3A_635 = tpu.memref_slice %arg4[%select_n3A, %add3A_633, %dma_start3A_634] : memref<4x8192x768xf32, #tpu.memory_space<hbm>> -> memref<1x32x768xf32, #tpu.memory_space<hbm>>
    %dma_start3A_636 = tpu.memref_squeeze %dma_start3A_635 : memref<1x32x768xf32, #tpu.memory_space<hbm>> -> memref<32x768xf32, #tpu.memory_space<hbm>>
    %dma_start3A_637 = arith.constant 0 : i32
    %dma_start3A_638 = tpu.memref_slice %arg4[%select_n3A, %add3A_633, %dma_start3A_637] : memref<4x8192x768xf32, #tpu.memory_space<hbm>> -> memref<1x32x768xf32, #tpu.memory_space<hbm>>
    %dma_start3A_639 = tpu.memref_squeeze %dma_start3A_638 : memref<1x32x768xf32, #tpu.memory_space<hbm>> -> memref<32x768xf32, #tpu.memory_space<hbm>>
    tpu.enqueue_dma source(%arg6 : memref<32x768xf32, #tpu.memory_space<vmem>>) target(%dma_start3A_639 : memref<32x768xf32, #tpu.memory_space<hbm>>) target_semaphore(%arg14 : memref<!tpu.dma_semaphore, #tpu.memory_space<semaphore_mem>>)
    %dma_wait3A_640 = arith.constant 0 : i32
    %dma_wait3A_641 = tpu.memref_slice %arg4[%select_n3A, %add3A_633, %dma_wait3A_640] : memref<4x8192x768xf32, #tpu.memory_space<hbm>> -> memref<1x32x768xf32, #tpu.memory_space<hbm>>
    %dma_wait3A_642 = tpu.memref_squeeze %dma_wait3A_641 : memref<1x32x768xf32, #tpu.memory_space<hbm>> -> memref<32x768xf32, #tpu.memory_space<hbm>>
    %dma_wait3A_643 = arith.constant 0 : i32
    %dma_wait3A_644 = tpu.memref_slice %arg4[%select_n3A, %add3A_633, %dma_wait3A_643] : memref<4x8192x768xf32, #tpu.memory_space<hbm>> -> memref<1x32x768xf32, #tpu.memory_space<hbm>>
    %dma_wait3A_645 = tpu.memref_squeeze %dma_wait3A_644 : memref<1x32x768xf32, #tpu.memory_space<hbm>> -> memref<32x768xf32, #tpu.memory_space<hbm>>
    tpu.wait_dma2 semaphore(%arg14 : memref<!tpu.dma_semaphore, #tpu.memory_space<semaphore_mem>>) src(%arg6 : memref<32x768xf32, #tpu.memory_space<vmem>>) dst(%dma_wait3A_645 : memref<32x768xf32, #tpu.memory_space<hbm>>)
    %dma_start3A_646 = arith.constant 896 : i32
    %dma_start3A_647 = tpu.memref_slice %arg5[%dma_start3A_646] : memref<1024xi32, #tpu.memory_space<vmem>> -> memref<32xi32, #tpu.memory_space<vmem>>
    %dma_start3A_648 = arith.constant 0 : i32
    %dma_start3A_649 = arith.constant 0 : i32
    %dma_start3A_650 = tpu.memref_slice %arg3[%dma_start3A_648, %dma_start3A_649] : memref<8192x768xf32, #tpu.memory_space<hbm>> -> memref<8192x768xf32, #tpu.memory_space<hbm>>
    tpu.enqueue_indirect_dma source(%dma_start3A_650 : memref<8192x768xf32, #tpu.memory_space<hbm>>) target(%arg6 : memref<32x768xf32, #tpu.memory_space<vmem>>) offsets(%dma_start3A_647 : memref<32xi32, #tpu.memory_space<vmem>>) semaphore(%arg10 : memref<!tpu.dma_semaphore, #tpu.memory_space<semaphore_mem>>)
    %dma_wait3A_651 = arith.constant 800 : i32
    %dma_wait3A_652 = tpu.memref_slice %arg5[%dma_wait3A_651] : memref<1024xi32, #tpu.memory_space<vmem>> -> memref<32xi32, #tpu.memory_space<vmem>>
    %dma_wait3A_653 = arith.constant 0 : i32
    %dma_wait3A_654 = arith.constant 0 : i32
    %dma_wait3A_655 = tpu.memref_slice %arg3[%dma_wait3A_653, %dma_wait3A_654] : memref<8192x768xf32, #tpu.memory_space<hbm>> -> memref<8192x768xf32, #tpu.memory_space<hbm>>
    tpu.wait_indirect_dma semaphore(%arg11 : memref<!tpu.dma_semaphore, #tpu.memory_space<semaphore_mem>>) src(%dma_wait3A_655 : memref<8192x768xf32, #tpu.memory_space<hbm>>) dst(%arg7 : memref<32x768xf32, #tpu.memory_space<vmem>>)
    %add3A_656 = arith.constant 800 : i32
    %add3A_657 = arith.addi %mul3A_32, %add3A_656 : i32
    %dma_start3A_658 = arith.constant 0 : i32
    %dma_start3A_659 = tpu.memref_slice %arg4[%select_n3A, %add3A_657, %dma_start3A_658] : memref<4x8192x768xf32, #tpu.memory_space<hbm>> -> memref<1x32x768xf32, #tpu.memory_space<hbm>>
    %dma_start3A_660 = tpu.memref_squeeze %dma_start3A_659 : memref<1x32x768xf32, #tpu.memory_space<hbm>> -> memref<32x768xf32, #tpu.memory_space<hbm>>
    %dma_start3A_661 = arith.constant 0 : i32
    %dma_start3A_662 = tpu.memref_slice %arg4[%select_n3A, %add3A_657, %dma_start3A_661] : memref<4x8192x768xf32, #tpu.memory_space<hbm>> -> memref<1x32x768xf32, #tpu.memory_space<hbm>>
    %dma_start3A_663 = tpu.memref_squeeze %dma_start3A_662 : memref<1x32x768xf32, #tpu.memory_space<hbm>> -> memref<32x768xf32, #tpu.memory_space<hbm>>
    tpu.enqueue_dma source(%arg7 : memref<32x768xf32, #tpu.memory_space<vmem>>) target(%dma_start3A_663 : memref<32x768xf32, #tpu.memory_space<hbm>>) target_semaphore(%arg15 : memref<!tpu.dma_semaphore, #tpu.memory_space<semaphore_mem>>)
    %dma_wait3A_664 = arith.constant 0 : i32
    %dma_wait3A_665 = tpu.memref_slice %arg4[%select_n3A, %add3A_657, %dma_wait3A_664] : memref<4x8192x768xf32, #tpu.memory_space<hbm>> -> memref<1x32x768xf32, #tpu.memory_space<hbm>>
    %dma_wait3A_666 = tpu.memref_squeeze %dma_wait3A_665 : memref<1x32x768xf32, #tpu.memory_space<hbm>> -> memref<32x768xf32, #tpu.memory_space<hbm>>
    %dma_wait3A_667 = arith.constant 0 : i32
    %dma_wait3A_668 = tpu.memref_slice %arg4[%select_n3A, %add3A_657, %dma_wait3A_667] : memref<4x8192x768xf32, #tpu.memory_space<hbm>> -> memref<1x32x768xf32, #tpu.memory_space<hbm>>
    %dma_wait3A_669 = tpu.memref_squeeze %dma_wait3A_668 : memref<1x32x768xf32, #tpu.memory_space<hbm>> -> memref<32x768xf32, #tpu.memory_space<hbm>>
    tpu.wait_dma2 semaphore(%arg15 : memref<!tpu.dma_semaphore, #tpu.memory_space<semaphore_mem>>) src(%arg7 : memref<32x768xf32, #tpu.memory_space<vmem>>) dst(%dma_wait3A_669 : memref<32x768xf32, #tpu.memory_space<hbm>>)
    %dma_start3A_670 = arith.constant 928 : i32
    %dma_start3A_671 = tpu.memref_slice %arg5[%dma_start3A_670] : memref<1024xi32, #tpu.memory_space<vmem>> -> memref<32xi32, #tpu.memory_space<vmem>>
    %dma_start3A_672 = arith.constant 0 : i32
    %dma_start3A_673 = arith.constant 0 : i32
    %dma_start3A_674 = tpu.memref_slice %arg3[%dma_start3A_672, %dma_start3A_673] : memref<8192x768xf32, #tpu.memory_space<hbm>> -> memref<8192x768xf32, #tpu.memory_space<hbm>>
    tpu.enqueue_indirect_dma source(%dma_start3A_674 : memref<8192x768xf32, #tpu.memory_space<hbm>>) target(%arg7 : memref<32x768xf32, #tpu.memory_space<vmem>>) offsets(%dma_start3A_671 : memref<32xi32, #tpu.memory_space<vmem>>) semaphore(%arg11 : memref<!tpu.dma_semaphore, #tpu.memory_space<semaphore_mem>>)
    %dma_wait3A_675 = arith.constant 832 : i32
    %dma_wait3A_676 = tpu.memref_slice %arg5[%dma_wait3A_675] : memref<1024xi32, #tpu.memory_space<vmem>> -> memref<32xi32, #tpu.memory_space<vmem>>
    %dma_wait3A_677 = arith.constant 0 : i32
    %dma_wait3A_678 = arith.constant 0 : i32
    %dma_wait3A_679 = tpu.memref_slice %arg3[%dma_wait3A_677, %dma_wait3A_678] : memref<8192x768xf32, #tpu.memory_space<hbm>> -> memref<8192x768xf32, #tpu.memory_space<hbm>>
    tpu.wait_indirect_dma semaphore(%arg12 : memref<!tpu.dma_semaphore, #tpu.memory_space<semaphore_mem>>) src(%dma_wait3A_679 : memref<8192x768xf32, #tpu.memory_space<hbm>>) dst(%arg8 : memref<32x768xf32, #tpu.memory_space<vmem>>)
    %add3A_680 = arith.constant 832 : i32
    %add3A_681 = arith.addi %mul3A_32, %add3A_680 : i32
    %dma_start3A_682 = arith.constant 0 : i32
    %dma_start3A_683 = tpu.memref_slice %arg4[%select_n3A, %add3A_681, %dma_start3A_682] : memref<4x8192x768xf32, #tpu.memory_space<hbm>> -> memref<1x32x768xf32, #tpu.memory_space<hbm>>
    %dma_start3A_684 = tpu.memref_squeeze %dma_start3A_683 : memref<1x32x768xf32, #tpu.memory_space<hbm>> -> memref<32x768xf32, #tpu.memory_space<hbm>>
    %dma_start3A_685 = arith.constant 0 : i32
    %dma_start3A_686 = tpu.memref_slice %arg4[%select_n3A, %add3A_681, %dma_start3A_685] : memref<4x8192x768xf32, #tpu.memory_space<hbm>> -> memref<1x32x768xf32, #tpu.memory_space<hbm>>
    %dma_start3A_687 = tpu.memref_squeeze %dma_start3A_686 : memref<1x32x768xf32, #tpu.memory_space<hbm>> -> memref<32x768xf32, #tpu.memory_space<hbm>>
    tpu.enqueue_dma source(%arg8 : memref<32x768xf32, #tpu.memory_space<vmem>>) target(%dma_start3A_687 : memref<32x768xf32, #tpu.memory_space<hbm>>) target_semaphore(%arg16 : memref<!tpu.dma_semaphore, #tpu.memory_space<semaphore_mem>>)
    %dma_wait3A_688 = arith.constant 0 : i32
    %dma_wait3A_689 = tpu.memref_slice %arg4[%select_n3A, %add3A_681, %dma_wait3A_688] : memref<4x8192x768xf32, #tpu.memory_space<hbm>> -> memref<1x32x768xf32, #tpu.memory_space<hbm>>
    %dma_wait3A_690 = tpu.memref_squeeze %dma_wait3A_689 : memref<1x32x768xf32, #tpu.memory_space<hbm>> -> memref<32x768xf32, #tpu.memory_space<hbm>>
    %dma_wait3A_691 = arith.constant 0 : i32
    %dma_wait3A_692 = tpu.memref_slice %arg4[%select_n3A, %add3A_681, %dma_wait3A_691] : memref<4x8192x768xf32, #tpu.memory_space<hbm>> -> memref<1x32x768xf32, #tpu.memory_space<hbm>>
    %dma_wait3A_693 = tpu.memref_squeeze %dma_wait3A_692 : memref<1x32x768xf32, #tpu.memory_space<hbm>> -> memref<32x768xf32, #tpu.memory_space<hbm>>
    tpu.wait_dma2 semaphore(%arg16 : memref<!tpu.dma_semaphore, #tpu.memory_space<semaphore_mem>>) src(%arg8 : memref<32x768xf32, #tpu.memory_space<vmem>>) dst(%dma_wait3A_693 : memref<32x768xf32, #tpu.memory_space<hbm>>)
    %dma_start3A_694 = arith.constant 960 : i32
    %dma_start3A_695 = tpu.memref_slice %arg5[%dma_start3A_694] : memref<1024xi32, #tpu.memory_space<vmem>> -> memref<32xi32, #tpu.memory_space<vmem>>
    %dma_start3A_696 = arith.constant 0 : i32
    %dma_start3A_697 = arith.constant 0 : i32
    %dma_start3A_698 = tpu.memref_slice %arg3[%dma_start3A_696, %dma_start3A_697] : memref<8192x768xf32, #tpu.memory_space<hbm>> -> memref<8192x768xf32, #tpu.memory_space<hbm>>
    tpu.enqueue_indirect_dma source(%dma_start3A_698 : memref<8192x768xf32, #tpu.memory_space<hbm>>) target(%arg8 : memref<32x768xf32, #tpu.memory_space<vmem>>) offsets(%dma_start3A_695 : memref<32xi32, #tpu.memory_space<vmem>>) semaphore(%arg12 : memref<!tpu.dma_semaphore, #tpu.memory_space<semaphore_mem>>)
    %dma_wait3A_699 = arith.constant 864 : i32
    %dma_wait3A_700 = tpu.memref_slice %arg5[%dma_wait3A_699] : memref<1024xi32, #tpu.memory_space<vmem>> -> memref<32xi32, #tpu.memory_space<vmem>>
    %dma_wait3A_701 = arith.constant 0 : i32
    %dma_wait3A_702 = arith.constant 0 : i32
    %dma_wait3A_703 = tpu.memref_slice %arg3[%dma_wait3A_701, %dma_wait3A_702] : memref<8192x768xf32, #tpu.memory_space<hbm>> -> memref<8192x768xf32, #tpu.memory_space<hbm>>
    tpu.wait_indirect_dma semaphore(%arg13 : memref<!tpu.dma_semaphore, #tpu.memory_space<semaphore_mem>>) src(%dma_wait3A_703 : memref<8192x768xf32, #tpu.memory_space<hbm>>) dst(%arg9 : memref<32x768xf32, #tpu.memory_space<vmem>>)
    %add3A_704 = arith.constant 864 : i32
    %add3A_705 = arith.addi %mul3A_32, %add3A_704 : i32
    %dma_start3A_706 = arith.constant 0 : i32
    %dma_start3A_707 = tpu.memref_slice %arg4[%select_n3A, %add3A_705, %dma_start3A_706] : memref<4x8192x768xf32, #tpu.memory_space<hbm>> -> memref<1x32x768xf32, #tpu.memory_space<hbm>>
    %dma_start3A_708 = tpu.memref_squeeze %dma_start3A_707 : memref<1x32x768xf32, #tpu.memory_space<hbm>> -> memref<32x768xf32, #tpu.memory_space<hbm>>
    %dma_start3A_709 = arith.constant 0 : i32
    %dma_start3A_710 = tpu.memref_slice %arg4[%select_n3A, %add3A_705, %dma_start3A_709] : memref<4x8192x768xf32, #tpu.memory_space<hbm>> -> memref<1x32x768xf32, #tpu.memory_space<hbm>>
    %dma_start3A_711 = tpu.memref_squeeze %dma_start3A_710 : memref<1x32x768xf32, #tpu.memory_space<hbm>> -> memref<32x768xf32, #tpu.memory_space<hbm>>
    tpu.enqueue_dma source(%arg9 : memref<32x768xf32, #tpu.memory_space<vmem>>) target(%dma_start3A_711 : memref<32x768xf32, #tpu.memory_space<hbm>>) target_semaphore(%arg17 : memref<!tpu.dma_semaphore, #tpu.memory_space<semaphore_mem>>)
    %dma_wait3A_712 = arith.constant 0 : i32
    %dma_wait3A_713 = tpu.memref_slice %arg4[%select_n3A, %add3A_705, %dma_wait3A_712] : memref<4x8192x768xf32, #tpu.memory_space<hbm>> -> memref<1x32x768xf32, #tpu.memory_space<hbm>>
    %dma_wait3A_714 = tpu.memref_squeeze %dma_wait3A_713 : memref<1x32x768xf32, #tpu.memory_space<hbm>> -> memref<32x768xf32, #tpu.memory_space<hbm>>
    %dma_wait3A_715 = arith.constant 0 : i32
    %dma_wait3A_716 = tpu.memref_slice %arg4[%select_n3A, %add3A_705, %dma_wait3A_715] : memref<4x8192x768xf32, #tpu.memory_space<hbm>> -> memref<1x32x768xf32, #tpu.memory_space<hbm>>
    %dma_wait3A_717 = tpu.memref_squeeze %dma_wait3A_716 : memref<1x32x768xf32, #tpu.memory_space<hbm>> -> memref<32x768xf32, #tpu.memory_space<hbm>>
    tpu.wait_dma2 semaphore(%arg17 : memref<!tpu.dma_semaphore, #tpu.memory_space<semaphore_mem>>) src(%arg9 : memref<32x768xf32, #tpu.memory_space<vmem>>) dst(%dma_wait3A_717 : memref<32x768xf32, #tpu.memory_space<hbm>>)
    %dma_start3A_718 = arith.constant 992 : i32
    %dma_start3A_719 = tpu.memref_slice %arg5[%dma_start3A_718] : memref<1024xi32, #tpu.memory_space<vmem>> -> memref<32xi32, #tpu.memory_space<vmem>>
    %dma_start3A_720 = arith.constant 0 : i32
    %dma_start3A_721 = arith.constant 0 : i32
    %dma_start3A_722 = tpu.memref_slice %arg3[%dma_start3A_720, %dma_start3A_721] : memref<8192x768xf32, #tpu.memory_space<hbm>> -> memref<8192x768xf32, #tpu.memory_space<hbm>>
    tpu.enqueue_indirect_dma source(%dma_start3A_722 : memref<8192x768xf32, #tpu.memory_space<hbm>>) target(%arg9 : memref<32x768xf32, #tpu.memory_space<vmem>>) offsets(%dma_start3A_719 : memref<32xi32, #tpu.memory_space<vmem>>) semaphore(%arg13 : memref<!tpu.dma_semaphore, #tpu.memory_space<semaphore_mem>>)
    %dma_wait3A_723 = arith.constant 896 : i32
    %dma_wait3A_724 = tpu.memref_slice %arg5[%dma_wait3A_723] : memref<1024xi32, #tpu.memory_space<vmem>> -> memref<32xi32, #tpu.memory_space<vmem>>
    %dma_wait3A_725 = arith.constant 0 : i32
    %dma_wait3A_726 = arith.constant 0 : i32
    %dma_wait3A_727 = tpu.memref_slice %arg3[%dma_wait3A_725, %dma_wait3A_726] : memref<8192x768xf32, #tpu.memory_space<hbm>> -> memref<8192x768xf32, #tpu.memory_space<hbm>>
    tpu.wait_indirect_dma semaphore(%arg10 : memref<!tpu.dma_semaphore, #tpu.memory_space<semaphore_mem>>) src(%dma_wait3A_727 : memref<8192x768xf32, #tpu.memory_space<hbm>>) dst(%arg6 : memref<32x768xf32, #tpu.memory_space<vmem>>)
    %add3A_728 = arith.constant 896 : i32
    %add3A_729 = arith.addi %mul3A_32, %add3A_728 : i32
    %dma_start3A_730 = arith.constant 0 : i32
    %dma_start3A_731 = tpu.memref_slice %arg4[%select_n3A, %add3A_729, %dma_start3A_730] : memref<4x8192x768xf32, #tpu.memory_space<hbm>> -> memref<1x32x768xf32, #tpu.memory_space<hbm>>
    %dma_start3A_732 = tpu.memref_squeeze %dma_start3A_731 : memref<1x32x768xf32, #tpu.memory_space<hbm>> -> memref<32x768xf32, #tpu.memory_space<hbm>>
    %dma_start3A_733 = arith.constant 0 : i32
    %dma_start3A_734 = tpu.memref_slice %arg4[%select_n3A, %add3A_729, %dma_start3A_733] : memref<4x8192x768xf32, #tpu.memory_space<hbm>> -> memref<1x32x768xf32, #tpu.memory_space<hbm>>
    %dma_start3A_735 = tpu.memref_squeeze %dma_start3A_734 : memref<1x32x768xf32, #tpu.memory_space<hbm>> -> memref<32x768xf32, #tpu.memory_space<hbm>>
    tpu.enqueue_dma source(%arg6 : memref<32x768xf32, #tpu.memory_space<vmem>>) target(%dma_start3A_735 : memref<32x768xf32, #tpu.memory_space<hbm>>) target_semaphore(%arg14 : memref<!tpu.dma_semaphore, #tpu.memory_space<semaphore_mem>>)
    %dma_wait3A_736 = arith.constant 928 : i32
    %dma_wait3A_737 = tpu.memref_slice %arg5[%dma_wait3A_736] : memref<1024xi32, #tpu.memory_space<vmem>> -> memref<32xi32, #tpu.memory_space<vmem>>
    %dma_wait3A_738 = arith.constant 0 : i32
    %dma_wait3A_739 = arith.constant 0 : i32
    %dma_wait3A_740 = tpu.memref_slice %arg3[%dma_wait3A_738, %dma_wait3A_739] : memref<8192x768xf32, #tpu.memory_space<hbm>> -> memref<8192x768xf32, #tpu.memory_space<hbm>>
    tpu.wait_indirect_dma semaphore(%arg11 : memref<!tpu.dma_semaphore, #tpu.memory_space<semaphore_mem>>) src(%dma_wait3A_740 : memref<8192x768xf32, #tpu.memory_space<hbm>>) dst(%arg7 : memref<32x768xf32, #tpu.memory_space<vmem>>)
    %add3A_741 = arith.constant 928 : i32
    %add3A_742 = arith.addi %mul3A_32, %add3A_741 : i32
    %dma_start3A_743 = arith.constant 0 : i32
    %dma_start3A_744 = tpu.memref_slice %arg4[%select_n3A, %add3A_742, %dma_start3A_743] : memref<4x8192x768xf32, #tpu.memory_space<hbm>> -> memref<1x32x768xf32, #tpu.memory_space<hbm>>
    %dma_start3A_745 = tpu.memref_squeeze %dma_start3A_744 : memref<1x32x768xf32, #tpu.memory_space<hbm>> -> memref<32x768xf32, #tpu.memory_space<hbm>>
    %dma_start3A_746 = arith.constant 0 : i32
    %dma_start3A_747 = tpu.memref_slice %arg4[%select_n3A, %add3A_742, %dma_start3A_746] : memref<4x8192x768xf32, #tpu.memory_space<hbm>> -> memref<1x32x768xf32, #tpu.memory_space<hbm>>
    %dma_start3A_748 = tpu.memref_squeeze %dma_start3A_747 : memref<1x32x768xf32, #tpu.memory_space<hbm>> -> memref<32x768xf32, #tpu.memory_space<hbm>>
    tpu.enqueue_dma source(%arg7 : memref<32x768xf32, #tpu.memory_space<vmem>>) target(%dma_start3A_748 : memref<32x768xf32, #tpu.memory_space<hbm>>) target_semaphore(%arg15 : memref<!tpu.dma_semaphore, #tpu.memory_space<semaphore_mem>>)
    %dma_wait3A_749 = arith.constant 960 : i32
    %dma_wait3A_750 = tpu.memref_slice %arg5[%dma_wait3A_749] : memref<1024xi32, #tpu.memory_space<vmem>> -> memref<32xi32, #tpu.memory_space<vmem>>
    %dma_wait3A_751 = arith.constant 0 : i32
    %dma_wait3A_752 = arith.constant 0 : i32
    %dma_wait3A_753 = tpu.memref_slice %arg3[%dma_wait3A_751, %dma_wait3A_752] : memref<8192x768xf32, #tpu.memory_space<hbm>> -> memref<8192x768xf32, #tpu.memory_space<hbm>>
    tpu.wait_indirect_dma semaphore(%arg12 : memref<!tpu.dma_semaphore, #tpu.memory_space<semaphore_mem>>) src(%dma_wait3A_753 : memref<8192x768xf32, #tpu.memory_space<hbm>>) dst(%arg8 : memref<32x768xf32, #tpu.memory_space<vmem>>)
    %add3A_754 = arith.constant 960 : i32
    %add3A_755 = arith.addi %mul3A_32, %add3A_754 : i32
    %dma_start3A_756 = arith.constant 0 : i32
    %dma_start3A_757 = tpu.memref_slice %arg4[%select_n3A, %add3A_755, %dma_start3A_756] : memref<4x8192x768xf32, #tpu.memory_space<hbm>> -> memref<1x32x768xf32, #tpu.memory_space<hbm>>
    %dma_start3A_758 = tpu.memref_squeeze %dma_start3A_757 : memref<1x32x768xf32, #tpu.memory_space<hbm>> -> memref<32x768xf32, #tpu.memory_space<hbm>>
    %dma_start3A_759 = arith.constant 0 : i32
    %dma_start3A_760 = tpu.memref_slice %arg4[%select_n3A, %add3A_755, %dma_start3A_759] : memref<4x8192x768xf32, #tpu.memory_space<hbm>> -> memref<1x32x768xf32, #tpu.memory_space<hbm>>
    %dma_start3A_761 = tpu.memref_squeeze %dma_start3A_760 : memref<1x32x768xf32, #tpu.memory_space<hbm>> -> memref<32x768xf32, #tpu.memory_space<hbm>>
    tpu.enqueue_dma source(%arg8 : memref<32x768xf32, #tpu.memory_space<vmem>>) target(%dma_start3A_761 : memref<32x768xf32, #tpu.memory_space<hbm>>) target_semaphore(%arg16 : memref<!tpu.dma_semaphore, #tpu.memory_space<semaphore_mem>>)
    %dma_wait3A_762 = arith.constant 992 : i32
    %dma_wait3A_763 = tpu.memref_slice %arg5[%dma_wait3A_762] : memref<1024xi32, #tpu.memory_space<vmem>> -> memref<32xi32, #tpu.memory_space<vmem>>
    %dma_wait3A_764 = arith.constant 0 : i32
    %dma_wait3A_765 = arith.constant 0 : i32
    %dma_wait3A_766 = tpu.memref_slice %arg3[%dma_wait3A_764, %dma_wait3A_765] : memref<8192x768xf32, #tpu.memory_space<hbm>> -> memref<8192x768xf32, #tpu.memory_space<hbm>>
    tpu.wait_indirect_dma semaphore(%arg13 : memref<!tpu.dma_semaphore, #tpu.memory_space<semaphore_mem>>) src(%dma_wait3A_766 : memref<8192x768xf32, #tpu.memory_space<hbm>>) dst(%arg9 : memref<32x768xf32, #tpu.memory_space<vmem>>)
    %add3A_767 = arith.constant 992 : i32
    %add3A_768 = arith.addi %mul3A_32, %add3A_767 : i32
    %dma_start3A_769 = arith.constant 0 : i32
    %dma_start3A_770 = tpu.memref_slice %arg4[%select_n3A, %add3A_768, %dma_start3A_769] : memref<4x8192x768xf32, #tpu.memory_space<hbm>> -> memref<1x32x768xf32, #tpu.memory_space<hbm>>
    %dma_start3A_771 = tpu.memref_squeeze %dma_start3A_770 : memref<1x32x768xf32, #tpu.memory_space<hbm>> -> memref<32x768xf32, #tpu.memory_space<hbm>>
    %dma_start3A_772 = arith.constant 0 : i32
    %dma_start3A_773 = tpu.memref_slice %arg4[%select_n3A, %add3A_768, %dma_start3A_772] : memref<4x8192x768xf32, #tpu.memory_space<hbm>> -> memref<1x32x768xf32, #tpu.memory_space<hbm>>
    %dma_start3A_774 = tpu.memref_squeeze %dma_start3A_773 : memref<1x32x768xf32, #tpu.memory_space<hbm>> -> memref<32x768xf32, #tpu.memory_space<hbm>>
    tpu.enqueue_dma source(%arg9 : memref<32x768xf32, #tpu.memory_space<vmem>>) target(%dma_start3A_774 : memref<32x768xf32, #tpu.memory_space<hbm>>) target_semaphore(%arg17 : memref<!tpu.dma_semaphore, #tpu.memory_space<semaphore_mem>>)
    %dma_wait3A_775 = arith.constant 0 : i32
    %dma_wait3A_776 = tpu.memref_slice %arg4[%select_n3A, %add3A_729, %dma_wait3A_775] : memref<4x8192x768xf32, #tpu.memory_space<hbm>> -> memref<1x32x768xf32, #tpu.memory_space<hbm>>
    %dma_wait3A_777 = tpu.memref_squeeze %dma_wait3A_776 : memref<1x32x768xf32, #tpu.memory_space<hbm>> -> memref<32x768xf32, #tpu.memory_space<hbm>>
    %dma_wait3A_778 = arith.constant 0 : i32
    %dma_wait3A_779 = tpu.memref_slice %arg4[%select_n3A, %add3A_729, %dma_wait3A_778] : memref<4x8192x768xf32, #tpu.memory_space<hbm>> -> memref<1x32x768xf32, #tpu.memory_space<hbm>>
    %dma_wait3A_780 = tpu.memref_squeeze %dma_wait3A_779 : memref<1x32x768xf32, #tpu.memory_space<hbm>> -> memref<32x768xf32, #tpu.memory_space<hbm>>
    tpu.wait_dma2 semaphore(%arg14 : memref<!tpu.dma_semaphore, #tpu.memory_space<semaphore_mem>>) src(%arg6 : memref<32x768xf32, #tpu.memory_space<vmem>>) dst(%dma_wait3A_780 : memref<32x768xf32, #tpu.memory_space<hbm>>)
    %dma_wait3A_781 = arith.constant 0 : i32
    %dma_wait3A_782 = tpu.memref_slice %arg4[%select_n3A, %add3A_742, %dma_wait3A_781] : memref<4x8192x768xf32, #tpu.memory_space<hbm>> -> memref<1x32x768xf32, #tpu.memory_space<hbm>>
    %dma_wait3A_783 = tpu.memref_squeeze %dma_wait3A_782 : memref<1x32x768xf32, #tpu.memory_space<hbm>> -> memref<32x768xf32, #tpu.memory_space<hbm>>
    %dma_wait3A_784 = arith.constant 0 : i32
    %dma_wait3A_785 = tpu.memref_slice %arg4[%select_n3A, %add3A_742, %dma_wait3A_784] : memref<4x8192x768xf32, #tpu.memory_space<hbm>> -> memref<1x32x768xf32, #tpu.memory_space<hbm>>
    %dma_wait3A_786 = tpu.memref_squeeze %dma_wait3A_785 : memref<1x32x768xf32, #tpu.memory_space<hbm>> -> memref<32x768xf32, #tpu.memory_space<hbm>>
    tpu.wait_dma2 semaphore(%arg15 : memref<!tpu.dma_semaphore, #tpu.memory_space<semaphore_mem>>) src(%arg7 : memref<32x768xf32, #tpu.memory_space<vmem>>) dst(%dma_wait3A_786 : memref<32x768xf32, #tpu.memory_space<hbm>>)
    %dma_wait3A_787 = arith.constant 0 : i32
    %dma_wait3A_788 = tpu.memref_slice %arg4[%select_n3A, %add3A_755, %dma_wait3A_787] : memref<4x8192x768xf32, #tpu.memory_space<hbm>> -> memref<1x32x768xf32, #tpu.memory_space<hbm>>
    %dma_wait3A_789 = tpu.memref_squeeze %dma_wait3A_788 : memref<1x32x768xf32, #tpu.memory_space<hbm>> -> memref<32x768xf32, #tpu.memory_space<hbm>>
    %dma_wait3A_790 = arith.constant 0 : i32
    %dma_wait3A_791 = tpu.memref_slice %arg4[%select_n3A, %add3A_755, %dma_wait3A_790] : memref<4x8192x768xf32, #tpu.memory_space<hbm>> -> memref<1x32x768xf32, #tpu.memory_space<hbm>>
    %dma_wait3A_792 = tpu.memref_squeeze %dma_wait3A_791 : memref<1x32x768xf32, #tpu.memory_space<hbm>> -> memref<32x768xf32, #tpu.memory_space<hbm>>
    tpu.wait_dma2 semaphore(%arg16 : memref<!tpu.dma_semaphore, #tpu.memory_space<semaphore_mem>>) src(%arg8 : memref<32x768xf32, #tpu.memory_space<vmem>>) dst(%dma_wait3A_792 : memref<32x768xf32, #tpu.memory_space<hbm>>)
    %dma_wait3A_793 = arith.constant 0 : i32
    %dma_wait3A_794 = tpu.memref_slice %arg4[%select_n3A, %add3A_768, %dma_wait3A_793] : memref<4x8192x768xf32, #tpu.memory_space<hbm>> -> memref<1x32x768xf32, #tpu.memory_space<hbm>>
    %dma_wait3A_795 = tpu.memref_squeeze %dma_wait3A_794 : memref<1x32x768xf32, #tpu.memory_space<hbm>> -> memref<32x768xf32, #tpu.memory_space<hbm>>
    %dma_wait3A_796 = arith.constant 0 : i32
    %dma_wait3A_797 = tpu.memref_slice %arg4[%select_n3A, %add3A_768, %dma_wait3A_796] : memref<4x8192x768xf32, #tpu.memory_space<hbm>> -> memref<1x32x768xf32, #tpu.memory_space<hbm>>
    %dma_wait3A_798 = tpu.memref_squeeze %dma_wait3A_797 : memref<1x32x768xf32, #tpu.memory_space<hbm>> -> memref<32x768xf32, #tpu.memory_space<hbm>>
    tpu.wait_dma2 semaphore(%arg17 : memref<!tpu.dma_semaphore, #tpu.memory_space<semaphore_mem>>) src(%arg9 : memref<32x768xf32, #tpu.memory_space<vmem>>) dst(%dma_wait3A_798 : memref<32x768xf32, #tpu.memory_space<hbm>>)
    return
  }
}

</mosaic_0001>

<sc_bundles>
// kernel: kernel.3.cloned.1.call-start
scs
__scs_entry_jumppad:
0x0: {  	(pc) =	sbr.rel $0x88, $3  }
0x1: {  	(tag) =	ssettag $0x0;
	lr =	simm.s32 $0x1  }
0x2: {  	[smem:$0x3F9F] =	sst lr;
	_ =	strace $0xD0000000  }
0x3: {  	_ = 	snop  }
0x4: {  	_ = 	snop  }
0x5: {  	_ = 	snop  }
0x6: {  	_ = 	snop  }
0x7: {  	_ = 	snop  }
__scs_overlays_trampoline_lowered:
0x8: {  	[smem:$0x3FAE] =	sst s0  }
0x9: {  	[smem:$0x3FAF] =	sst s1  }
0xa: {  	[smem:$0x3FB0] =	sst s2  }
0xb: {  	[smem:$0x3FB1] =	sst s3  }
0xc: {  	[smem:$0x3FB2] =	sst s4  }
0xd: {  	[smem:$0x3FB3] =	sst s5  }
0xe: {  	[smem:$0x3FB4] =	sst s6  }
0xf: {  	[smem:$0x3FB5] =	sst s7  }
0x10: {  	[smem:$0x3FB6] =	sst s8  }
0x11: {  	[smem:$0x3FB7] =	sst s9;
	s0 =	simm.s32 @!p0 $0x0  }
0x12: {  	s1 =	sld [smem:$0x3F9D];
	s0 =	simm.s32 @p0 $0x1  }
0x13: {  	[smem:$0x3FB8] =	sst s0;
	s0 =	simm.s32 @!p1 $0x0  }
0x14: {  	s2 =	sld [smem:$0x3F9C];
	s0 =	simm.s32 @p1 $0x1  }
0x15: {  	[smem:$0x3FB9] =	sst s0;
	s0 =	simm.s32 @!p2 $0x0  }
0x16: {  	s3 =	sld [smem:$0x3FDB];
	s0 =	simm.s32 @p2 $0x1  }
0x17: {  	s4 =	simm.s32 $0x1BF5;
	[smem:$0x3FBB] =	sst s0  }
0x18: {  	s0 =	sld [smem:$0x3F9E];
	_ =	swait.ge [sflag:s4], $0x0  }
0x19: {  	s7 =	sld [smem:$0x3F9F]  }
0x1a: {  	s8 =	sadd.s32 $0xFFFFE003, lr  }
0x1b: {  	s9 =	sadd.s32 $0xFFFFFEF7, lr;
	s5 =	simm.s32 $0xFFFFFFFF;
	p2 =	slt.u32 s8, $0xFFFFF086  }
0x1c: {  	p1 =	slt.u32 s9, $0xF7A;
	s5 =	simm.s32 @!p2 $0x0  }
0x1d: {  	s5 =	simm.s32 @p1 $0x1;
	p0 =	seq.s32 s7, s2  }
0x1e: {  	s7 =	smul.u32 @!p0 $0xF7A, s2;
	p2 =	seq.s32 @!p0 s5, $0x0  }
0x1f: {  	s9 =	smul.u32 $0xF7A, s1;
	s8 =	simm.s32 @!p0 $0x1BF5;
	p2 =	por !p2, p0  }
0x20: {  	[sflag:s8] =	ssyncset.s32 @!p0 $0xFFFFF086;
	s6 =	sadd.s32 @!p0 s3, s7;
	s7 =	simm.s32 @!p0 $0x108  }
0x21: {  	s3 =	sadd.s32 s3, s9;
	s6 =	sadd.s32 @!p0 $0x88, s6;
	s7 =	simm.s32 @p2 $0x1082  }
0x22: {  	[simem:s7], [sflag:s8] =	dma.local @!p0 [hbm:s6], $0xF7A  }
0x23: {  	s9 =	sor.u32 $0xD0000000, s2;
	s6 =	simm.s32 $0x108;
	_ =	swait.ge @!p0 [sflag:s8], $0x0  }
0x24: {  	s3 =	sadd.s32 $0x88, s3;
	s6 =	simm.s32 @!p1 $0x1082;
	[sflag:s4] =	ssyncset.s32 $0xFFFFF086  }
0x25: {  	[simem:s6], [sflag:s4] =	dma.local [hbm:s3], $0xF7A  }
0x26: {  	[smem:$0x3F9F] =	sst s1;
	(tag) =	ssettag s2;
	_ =	strace s9  }
0x27: {  	s1 =	sld [smem:$0x3FAF]  }
0x28: {  	s2 =	sld [smem:$0x3FB0]  }
0x29: {  	s4 =	sld [smem:$0x3FB2]  }
0x2a: {  	p0 =	seq.s32 s5, $0x0;
	s5 =	sld [smem:$0x3FB3]  }
0x2b: {  	s6 =	sld [smem:$0x3FB4]  }
0x2c: {  	s7 =	sld [smem:$0x3FB5]  }
0x2d: {  	s3 =	simm.s32 $0x108;
	s8 =	sld [smem:$0x3FB6]  }
0x2e: {  	s3 =	simm.s32 @!p0 $0x1082;
	s9 =	sld [smem:$0x3FB7]  }
0x2f: {  	lr =	sadd.s32 s0, s3;
	s0 =	sld [smem:$0x3FAE]  }
0x30: {  	s3 =	sld [smem:$0x3FB1]  }
0x31: {  	[smem:$0x3FBA] =	sst s10  }
0x32: {  	s10 =	sld [smem:$0x3FB8];
	_ =	sdelay $0x3  }
0x33: {  	p0 =	seq.s32 s10, $0x1;
	s10 =	sld [smem:$0x3FBA];
	_ =	sdelay $0x3  }
0x34: {  	[smem:$0x3FBA] =	sst s10  }
0x35: {  	s10 =	sld [smem:$0x3FB9];
	_ =	sdelay $0x3  }
0x36: {  	p1 =	seq.s32 s10, $0x1;
	s10 =	sld [smem:$0x3FBA];
	_ =	sdelay $0x3  }
0x37: {  	[smem:$0x3FBA] =	sst s10  }
0x38: {  	s10 =	sld [smem:$0x3FBB]  }
0x39: {  	_ = 	snop;
	(pc) =	sbr.ind lr, $3  }
0x3a: {  	_ = 	snop  }
0x3b: {  	_ = 	snop  }
0x3c: {  	p2 =	seq.s32 s10, $0x1;
	s10 =	sld [smem:$0x3FBA]  }
0x3d: {  	_ =	shalt  }
0x3e: {  	_ =	shalt  }
0x3f: {  	_ =	shalt  }
0x40: {  	_ =	shalt  }
0x41: {  	_ =	shalt  }
0x42: {  	_ =	shalt  }
0x43: {  	_ =	shalt  }
0x44: {  	_ =	shalt  }
0x45: {  	_ =	shalt  }
0x46: {  	_ =	shalt  }
0x47: {  	_ =	shalt  }
0x48: {  	_ =	shalt  }
0x49: {  	_ =	shalt  }
0x4a: {  	_ =	shalt  }
0x4b: {  	_ =	shalt  }
0x4c: {  	_ =	shalt  }
0x4d: {  	_ =	shalt  }
0x4e: {  	_ =	shalt  }
0x4f: {  	_ =	shalt  }
0x50: {  	_ =	shalt  }
0x51: {  	_ =	shalt  }
0x52: {  	_ =	shalt  }
0x53: {  	_ =	shalt  }
0x54: {  	_ =	shalt  }
0x55: {  	_ =	shalt  }
0x56: {  	_ =	shalt  }
0x57: {  	_ =	shalt  }
0x58: {  	_ =	shalt  }
0x59: {  	_ =	shalt  }
0x5a: {  	_ =	shalt  }
0x5b: {  	_ =	shalt  }
0x5c: {  	_ =	shalt  }
0x5d: {  	_ =	shalt  }
0x5e: {  	_ =	shalt  }
0x5f: {  	_ =	shalt  }
0x60: {  	_ =	shalt  }
0x61: {  	_ =	shalt  }
0x62: {  	_ =	shalt  }
0x63: {  	_ =	shalt  }
0x64: {  	_ =	shalt  }
0x65: {  	_ =	shalt  }
0x66: {  	_ =	shalt  }
0x67: {  	_ =	shalt  }
0x68: {  	_ =	shalt  }
0x69: {  	_ =	shalt  }
0x6a: {  	_ =	shalt  }
0x6b: {  	_ =	shalt  }
0x6c: {  	_ =	shalt  }
0x6d: {  	_ =	shalt  }
0x6e: {  	_ =	shalt  }
0x6f: {  	_ =	shalt  }
0x70: {  	_ =	shalt  }
0x71: {  	_ =	shalt  }
0x72: {  	_ =	shalt  }
0x73: {  	_ =	shalt  }
0x74: {  	_ =	shalt  }
0x75: {  	_ =	shalt  }
0x76: {  	_ =	shalt  }
0x77: {  	_ =	shalt  }
0x78: {  	_ =	shalt  }
0x79: {  	_ =	shalt  }
0x7a: {  	_ =	shalt  }
0x7b: {  	_ =	shalt  }
0x7c: {  	_ =	shalt  }
0x7d: {  	_ =	shalt  }
0x7e: {  	_ =	shalt  }
0x7f: {  	_ =	shalt  }
0x80: {  	_ =	shalt  }
0x81: {  	_ =	shalt  }
0x82: {  	_ =	shalt  }
0x83: {  	_ =	shalt  }
0x84: {  	_ =	shalt  }
0x85: {  	_ =	shalt  }
0x86: {  	_ =	shalt  }
0x87: {  	_ =	shalt  }
.Lfunc_end0:
.L_simem_size_0:
called_computation_lowered:
.L_overlay_start_0:
0x88: {  	s2 =	sld [smem:$0x3FD9]  }
0x89: {  	s3 =	sld [smem:$0x3FFE];
	_ =	sdelay $0x1  }
0x8a: {  	s1 =	srdreg.scid  }
0x8b: {  	s0 =	sand.u32 $0x1, s1  }
0x8c: {  	s18 =	sshll.u32 s0, $0xA;
	s2 =	sadd.s32 s3, s2  }
0x8d: {  	s2 =	sadd.s32 s2, s18  }
0x8e: {  	[smem:$0x3FC6] =	sst s2  }
0x8f: {  	_ = 	snop  }
0x90: {  	s2 =	sld [smem:$0x3FC9]  }
0x91: {  	s19 =	sld [smem:$0x3FC8]  }
0x92: {  	s4 =	sld [smem:$0x3FD0];
	(tm) =	ssettm $0x1  }
0x93: {  	s5 =	sld [smem:$0x3FFB];
	_ =	sdelay $0x3  }
0x94: {  	_ =	strace s5  }
0x95: {  	s5 =	sld [smem:$0x3FFC];
	_ =	sdelay $0x3  }
0x96: {  	_ =	strace s5  }
0x97: {  	s5 =	sld [smem:$0x3FFD];
	_ =	sdelay $0x3  }
0x98: {  	_ =	strace s5  }
0x99: {  	_ =	strace $0x8FFFFFFF  }
0x9a: {  	s20 =	sld [smem:$0x3FDB];
	_ =	sdelay $0x1  }
0x9b: {  	s6 =	simm.s32 $_scs_section_size  }
0x9c: {  	s7 =	simm.s32 $_size__tile_overlayer_lowered;
	s8 =	simm.s32 $_tile_overlayer_lowered  }
0x9d: {  	s23 =	simm.s32 $0x1BFF;
	s22 =	sshll.u32 s8, $0x1;
	s5 =	sadd.s32 s6, s20  }
0x9e: {  	s9 =	simm.s32 $0x0;
	s21 =	sshll.u32 s7, $0x1;
	s7 =	sadd.s32 s22, s5  }
0x9f: {  	[timem:s9], [sflag:s23] =	dma.local [hbm:s7], s21  }
0xa0: {  	_ =	swait.ge [sflag:s23], s21  }
0xa1: {  	s6 =	ssub.s32 $0x0, s21;
	[sflag:s23] =	ssyncset.done $0x0  }
0xa2: {  	[sflag:s23] =	ssyncadd.s32 s6;
	_ =	sdelay $0x1  }
0xa3: {  	s24 =	simm.s32 $0x1B8B  }
0xa4: {  	_ =	swait.ge [sflag:s24], $0x1  }
0xa5: {  	[sflag:s24] =	ssyncset.done $0x0  }
0xa6: {  	s25 =	simm.s32 $0x1B8E;
	[sflag:s24] =	ssyncadd.s32 $0xFFFFFFFF  }
0xa7: {  	s26 =	simm.s32 $execute0_lowered;
	[smem:$0x3FD2] =	sst s25  }
0xa8: {  	s6 =	sshll.u32 s26, $0x1;
	_ =	strace $0x80000046;
	[dreg:$0x1] =	wrdreg $0xFFFFFFFF  }
0xa9: {  	s28 =	simm.s32 $_size_execute0_lowered;
	s5 =	sadd.s32 s5, s6;
	[dreg:$0x0] =	wrdreg $0x0  }
0xaa: {  	s6 =	sshll.u32 s28, $0x1;
	[dreg:$0x2] =	wrdreg s5  }
0xab: {  	[dreg:$0x3] =	wrdreg s6  }
0xac: {  	[dreg:$0x4] =	wrdreg $0xC0  }
0xad: {  	_ =	task [dreg:s9], $0x5FFFF  }
0xae: {  	[dreg:$0x1] =	wrdreg $0xFFFFFFFF  }
0xaf: {  	[dreg:$0x0] =	wrdreg $0x60  }
0xb0: {  	[dreg:$0x2] =	wrdreg s2  }
0xb1: {  	[dreg:$0x3] =	wrdreg s19  }
0xb2: {  	[dreg:$0x4] =	wrdreg s4  }
0xb3: {  	[dreg:$0x5] =	wrdreg $0x9  }
0xb4: {  	_ =	task.clear_ibuf [dreg:s9], $0x6FFFF;
	_ =	strace $0x90000046  }
0xb5: {  	s29 =	simm.s32 $0x9;
	_ =	strace $0x80000048  }
0xb6: {  	_ =	swait.ge [sflag:s29], $0x1  }
0xb7: {  	[sflag:s29] =	ssyncadd.s32 $0xFFFFFFFF  }
0xb8: {  	_ =	strace $0x90000048  }
0xb9: {  	_ =	sfence  }
0xba: {  	s30 =	sld [smem:$0x0];
	_ =	sdelay $0x2  }
0xbb: {  	s31 =	sshll.u32 s1, $0xD;
	s1 =	sshrl.u32 s1, $0x2  }
0xbc: {  	s3 =	sand.u32 $0x4000, s31;
	s1 =	sadd.s32 s1, s30  }
0xbd: {  	s0 =	sor.u32 s3, s0;
	s1 =	sshll.u32 s1, $0x11  }
0xbe: {  	s0 =	sor.u32 s1, s0  }
0xbf: {  	s0 =	sadd.s32 $0x8F2B, s0  }
0xc0: {  	[sflag:s0] =	ssyncadd.remote.s32 $0x1  }
0xc1: {  	_ =	sfence.sel $0xFFFF  }
0xc2: {  	[dreg:$0x0] =	wrdreg $0xFFFFFFFF;
	(pc) =	sbr.abs _section_cstart, $3  }
0xc3: {  	[dreg:$0x1] =	wrdreg $0xFFFFFFFF  }
0xc4: {  	_ =	task.clear_ibuf [dreg:s9], $0x2FFFF;
	_ =	strace $0x9FFFFFFF  }
0xc5: {  	(tm) =	ssettm $0x7FFFFFFF  }
tec
execute0_lowered:
.L_overlay_start_1:
0x0: {  	(tag) =	ssettag $0x1  }
0x1: {  	s4 =	stileid.u32  }
0x2: {  	s0 =	srdreg.scid;
	s2 =	sshll.u32 s4, $0x1  }
0x3: {  	s0 =	sand.u32 $0x1, s0;
	s4 =	sshrl.u32 s4, $0x2;
	s3 =	sand.u32 $0x6, s2  }
0x4: {  	s1 =	rddreg [dreg:$0x0];
	s6 =	smul.u32 $0x600000, s4;
	s5 =	sor.u32 s0, s3  }
0x5: {  	s7 =	rddreg [dreg:$0x2];
	s8 =	smul.u32 $0xC0000, s5  }
0x6: {  	s2 =	rddreg [dreg:$0x1];
	s4 =	sshll.u32 s4, $0x4;
	s3 =	simm.s32 $0x0  }
0x7: {  	s1 =	sadd.s32 s1, s4;
	s5 =	sshll.u32 s5, $0x9;
	s6 =	sadd.s32 s6, s8  }
0x8: {  	[smem:$0x7FF] =	sst s3;
	s1 =	sadd.s32 s5, s1;
	s22 =	sshrl.u32 s6, $0x3  }
0x9: {  	_ =	strace $0x80000047;
	[dreg:$0x4] =	wrdreg s1;
	s5 =	sadd.s32 s7, s22  }
0xa: {  	s23 =	sadd.s32 $0xC00, s5;
	[smem:$0x7FA] =	sst s5  }
0xb: {  	s24 =	sadd.s32 $0x1800, s5;
	[dreg:$0x5] =	wrdreg s23  }
0xc: {  	s25 =	sadd.s32 $0x2400, s5;
	[dreg:$0x6] =	wrdreg s24  }
0xd: {  	s26 =	sadd.s32 $0x3000, s5;
	[dreg:$0x7] =	wrdreg s25  }
0xe: {  	s28 =	sadd.s32 $0x3C00, s5;
	[dreg:$0x8] =	wrdreg s26  }
0xf: {  	s29 =	sadd.s32 $0x4800, s5;
	[dreg:$0x9] =	wrdreg s28  }
0x10: {  	s30 =	sadd.s32 $0x5400, s5;
	[dreg:$0xa] =	wrdreg s29  }
0x11: {  	s31 =	sadd.s32 $0x6000, s5;
	[dreg:$0xb] =	wrdreg s30  }
0x12: {  	s4 =	sadd.s32 $0x6C00, s5;
	[dreg:$0xc] =	wrdreg s31  }
0x13: {  	s6 =	sadd.s32 $0x7800, s5;
	[dreg:$0xd] =	wrdreg s4  }
0x14: {  	s7 =	sadd.s32 $0x8400, s5;
	[dreg:$0xe] =	wrdreg s6  }
0x15: {  	s8 =	sadd.s32 $0x9000, s5;
	[dreg:$0xf] =	wrdreg s7  }
0x16: {  	s9 =	sadd.s32 $0x9C00, s5;
	[dreg:$0x10] =	wrdreg s8  }
0x17: {  	s10 =	sadd.s32 $0xA800, s5;
	[dreg:$0x11] =	wrdreg s9  }
0x18: {  	s11 =	sadd.s32 $0xB400, s5;
	[dreg:$0x12] =	wrdreg s10  }
0x19: {  	s12 =	sadd.s32 $0xC000, s5;
	[dreg:$0x13] =	wrdreg s11  }
0x1a: {  	s13 =	sadd.s32 $0xCC00, s5;
	[dreg:$0x14] =	wrdreg s12  }
0x1b: {  	s14 =	sadd.s32 $0xD800, s5;
	[dreg:$0x15] =	wrdreg s13  }
0x1c: {  	s15 =	sadd.s32 $0xE400, s5;
	[dreg:$0x16] =	wrdreg s14  }
0x1d: {  	s16 =	sadd.s32 $0xF000, s5;
	[dreg:$0x17] =	wrdreg s15  }
0x1e: {  	s17 =	sadd.s32 $0xFC00, s5;
	[dreg:$0x18] =	wrdreg s16  }
0x1f: {  	s18 =	sadd.s32 $0x10800, s5;
	[dreg:$0x19] =	wrdreg s17  }
0x20: {  	s19 =	sadd.s32 $0x11400, s5;
	[dreg:$0x1a] =	wrdreg s18  }
0x21: {  	s20 =	sadd.s32 $0x12000, s5;
	[dreg:$0x1b] =	wrdreg s19  }
0x22: {  	s21 =	sadd.s32 $0x12C00, s5;
	[dreg:$0x1c] =	wrdreg s20  }
0x23: {  	s22 =	sadd.s32 $0x13800, s5;
	[dreg:$0x1d] =	wrdreg s21  }
0x24: {  	s0 =	ssub.s32 $0x2, s0;
	[dreg:$0x1e] =	wrdreg s22  }
0x25: {  	s23 =	sadd.s32 $0x14400, s5;
	s24 =	sadd.s32 $0x15000, s5;
	s25 =	sadd.s32 $0x15C00, s5  }
0x26: {  	s26 =	sadd.s32 $0x16800, s5;
	s28 =	sshrl.u32 s0, $0x1;
	s29 =	sadd.s32 $0x17400, s5  }
0x27: {  	s30 =	simm.s32 $0x80;
	s5 =	sadd.s32 $0x100, s2;
	[dreg:$0x1f] =	wrdreg s23  }
0x28: {  	s31 =	simm.s32 $0x200;
	s6 =	sadd.s32 $0x200, s2;
	[smem:$0x7F7] =	sst s24  }
0x29: {  	s4 =	simm.s32 $0x1;
	s10 =	simm.s32 $0x5;
	[smem:$0x7F8] =	sst s25  }
0x2a: {  	s11 =	simm.s32 $0x2;
	s12 =	simm.s32 $0x6;
	[smem:$0x7F9] =	sst s26  }
0x2b: {  	v2 =	vlaneseq.u32;
	s13 =	simm.s32 $0x3;
	s14 =	simm.s32 $0x7;
	[smem:$0x7FB] =	sst s29  }
0x2c: {  	vm0 =	vmmov $0xffff;
	v1 =	vshrl.u32 v2, $0x3;
	s15 =	simm.s32 $0x4;
	s0 =	ssub.s32 s0, s28;
	[smem:$0x7FC] =	sst s30  }
0x2d: {  	v0 =	vand.u32 $0x7, v2;
	v2 =	vor.u32 $0x8, v2;
	v1 =	vmul.u32 $0x8, v1;
	s16 =	simm.s32 $0x8;
	[smem:$0x7FD] =	sst s31;
	s0 =	smax.u32 s0, $0x1  }
.LBB2_1:
0x2e: {  	s18 =	sld [smem:$0x7FC]  }
0x2f: {  	s19 =	sld [smem:$0x7FD]  }
0x30: {  	[smem:$0x7F6] =	sst s0  }
0x31: {  	s17 =	rddreg [dreg:$0x4];
	s8 =	simm.s32 $0x9  }
0x32: {  	[tilespmem:s3], [sflag:$0x9] =	stream.strided.gather [hbm4b:s17+s18], $0x400, s19, s18, $0x38;
	[tilespmem:$0x18400] =	vst v63  }
0x33: {  	_ =	swait.ge [sflag:s8], $0x400  }
0x34: {  	[sflag:s8] =	ssyncset.done $0x0  }
0x35: {  	[sflag:s8] =	ssyncadd.s32 $0xFFFFFC00  }
0x36: {  	v3 =	vld [tilespmem:$0x0];
	_ =	sdelay $0x4  }
0x37: {  	v4 =	vshrl.u32 v3, $0x3  }
0x38: {  	v4 =	vmul.u32 $0x30, v4  }
0x39: {  	v3 =	vand.u32 $0x7, v3  }
0x3a: {  	v3 =	vor.u32 v3, v4  }
0x3b: {  	v4 =	vperm.xlane v3, v0;
	_ =	sdelay $0x1  }
0x3c: {  	v4 =	vadd.s32 v1, v4;
	_ =	sdelay $0x3  }
0x3d: {  	s9 =	simm.s32 $0x400;
	v3 =	vperm.xlane v3, v2  }
0x3e: {  	[tilespmem:s9], [sflag:$0x1] =	stream.indirect_vreg.gather [hbm4b:s2+s3], $0x80, v4, vm0, $0xb8;
	[tilespmem:$0x18400] =	vst v63  }
0x3f: {  	s17 =	simm.s32 $0xC00;
	v3 =	vadd.s32 v1, v3  }
0x40: {  	[tilespmem:s17], [sflag:$0x1] =	stream.indirect_vreg.gather [hbm4b:s5+s3], $0x80, v4, vm0, $0xb8;
	[tilespmem:$0x18400] =	vst v63  }
0x41: {  	s18 =	simm.s32 $0x1400  }
0x42: {  	[tilespmem:s18], [sflag:$0x1] =	stream.indirect_vreg.gather [hbm4b:s6+s3], $0x80, v4, vm0, $0xb8;
	[tilespmem:$0x18400] =	vst v63  }
0x43: {  	s19 =	simm.s32 $0x1C00  }
0x44: {  	[tilespmem:s19], [sflag:$0x1] =	stream.indirect_vreg.gather [hbm4b:s2+s3], $0x80, v3, vm0, $0xb8;
	[tilespmem:$0x18400] =	vst v63  }
0x45: {  	s20 =	simm.s32 $0x2400  }
0x46: {  	[tilespmem:s20], [sflag:$0x1] =	stream.indirect_vreg.gather [hbm4b:s5+s3], $0x80, v3, vm0, $0xb8;
	[tilespmem:$0x18400] =	vst v63  }
0x47: {  	s21 =	simm.s32 $0x2C00  }
0x48: {  	[tilespmem:s21], [sflag:$0x1] =	stream.indirect_vreg.gather [hbm4b:s6+s3], $0x80, v3, vm0, $0xb8;
	[tilespmem:$0x18400] =	vst v63  }
0x49: {  	v3 =	vld [tilespmem:$0x10];
	_ =	sdelay $0x4  }
0x4a: {  	v57 =	vshrl.u32 v3, $0x3  }
0x4b: {  	v4 =	vmul.u32 $0x30, v57  }
0x4c: {  	v3 =	vand.u32 $0x7, v3  }
0x4d: {  	v3 =	vor.u32 v3, v4  }
0x4e: {  	v4 =	vperm.xlane v3, v0;
	_ =	sdelay $0x1  }
0x4f: {  	v4 =	vadd.s32 v1, v4;
	_ =	sdelay $0x3  }
0x50: {  	s22 =	simm.s32 $0x3400;
	v3 =	vperm.xlane v3, v2  }
0x51: {  	[tilespmem:s22], [sflag:$0x1] =	stream.indirect_vreg.gather [hbm4b:s2+s3], $0x80, v4, vm0, $0xb8;
	[tilespmem:$0x18400] =	vst v63  }
0x52: {  	s23 =	simm.s32 $0x3C00;
	v3 =	vadd.s32 v1, v3  }
0x53: {  	[tilespmem:s23], [sflag:$0x1] =	stream.indirect_vreg.gather [hbm4b:s5+s3], $0x80, v4, vm0, $0xb8;
	[tilespmem:$0x18400] =	vst v63  }
0x54: {  	s24 =	simm.s32 $0x4400  }
0x55: {  	[tilespmem:s24], [sflag:$0x1] =	stream.indirect_vreg.gather [hbm4b:s6+s3], $0x80, v4, vm0, $0xb8;
	[tilespmem:$0x18400] =	vst v63  }
0x56: {  	s29 =	simm.s32 $0x4C00  }
0x57: {  	[tilespmem:s29], [sflag:$0x1] =	stream.indirect_vreg.gather [hbm4b:s2+s3], $0x80, v3, vm0, $0xb8;
	[tilespmem:$0x18400] =	vst v63  }
0x58: {  	s30 =	simm.s32 $0x5400  }
0x59: {  	[tilespmem:s30], [sflag:$0x1] =	stream.indirect_vreg.gather [hbm4b:s5+s3], $0x80, v3, vm0, $0xb8;
	[tilespmem:$0x18400] =	vst v63  }
0x5a: {  	s31 =	simm.s32 $0x5C00  }
0x5b: {  	[tilespmem:s31], [sflag:$0x1] =	stream.indirect_vreg.gather [hbm4b:s6+s3], $0x80, v3, vm0, $0xb8;
	[tilespmem:$0x18400] =	vst v63  }
0x5c: {  	v3 =	vld [tilespmem:$0x20];
	_ =	sdelay $0x4  }
0x5d: {  	v58 =	vshrl.u32 v3, $0x3  }
0x5e: {  	v4 =	vmul.u32 $0x30, v58  }
0x5f: {  	v3 =	vand.u32 $0x7, v3  }
0x60: {  	v3 =	vor.u32 v3, v4  }
0x61: {  	v4 =	vperm.xlane v3, v0;
	_ =	sdelay $0x1  }
0x62: {  	v4 =	vadd.s32 v1, v4;
	_ =	sdelay $0x3  }
0x63: {  	s17 =	simm.s32 $0x6400;
	v3 =	vperm.xlane v3, v2  }
0x64: {  	[tilespmem:s17], [sflag:$0x2] =	stream.indirect_vreg.gather [hbm4b:s2+s3], $0x80, v4, vm0, $0xb8;
	[tilespmem:$0x18400] =	vst v63  }
0x65: {  	s18 =	simm.s32 $0x6C00;
	v3 =	vadd.s32 v1, v3  }
0x66: {  	[tilespmem:s18], [sflag:$0x2] =	stream.indirect_vreg.gather [hbm4b:s5+s3], $0x80, v4, vm0, $0xb8;
	[tilespmem:$0x18400] =	vst v63  }
0x67: {  	s19 =	simm.s32 $0x7400  }
0x68: {  	[tilespmem:s19], [sflag:$0x2] =	stream.indirect_vreg.gather [hbm4b:s6+s3], $0x80, v4, vm0, $0xb8;
	[tilespmem:$0x18400] =	vst v63  }
0x69: {  	s20 =	simm.s32 $0x7C00  }
0x6a: {  	[tilespmem:s20], [sflag:$0x2] =	stream.indirect_vreg.gather [hbm4b:s2+s3], $0x80, v3, vm0, $0xb8;
	[tilespmem:$0x18400] =	vst v63  }
0x6b: {  	s21 =	simm.s32 $0x8400  }
0x6c: {  	[tilespmem:s21], [sflag:$0x2] =	stream.indirect_vreg.gather [hbm4b:s5+s3], $0x80, v3, vm0, $0xb8;
	[tilespmem:$0x18400] =	vst v63  }
0x6d: {  	s23 =	simm.s32 $0x8C00  }
0x6e: {  	[tilespmem:s23], [sflag:$0x2] =	stream.indirect_vreg.gather [hbm4b:s6+s3], $0x80, v3, vm0, $0xb8;
	[tilespmem:$0x18400] =	vst v63  }
0x6f: {  	v3 =	vld [tilespmem:$0x30];
	_ =	sdelay $0x4  }
0x70: {  	v59 =	vshrl.u32 v3, $0x3  }
0x71: {  	v4 =	vmul.u32 $0x30, v59  }
0x72: {  	v3 =	vand.u32 $0x7, v3  }
0x73: {  	v3 =	vor.u32 v3, v4  }
0x74: {  	v4 =	vperm.xlane v3, v0;
	_ =	sdelay $0x1  }
0x75: {  	v4 =	vadd.s32 v1, v4;
	_ =	sdelay $0x3  }
0x76: {  	s24 =	simm.s32 $0x9400;
	v3 =	vperm.xlane v3, v2  }
0x77: {  	[tilespmem:s24], [sflag:$0x2] =	stream.indirect_vreg.gather [hbm4b:s2+s3], $0x80, v4, vm0, $0xb8;
	[tilespmem:$0x18400] =	vst v63  }
0x78: {  	s31 =	simm.s32 $0x9C00;
	v3 =	vadd.s32 v1, v3  }
0x79: {  	[tilespmem:s31], [sflag:$0x2] =	stream.indirect_vreg.gather [hbm4b:s5+s3], $0x80, v4, vm0, $0xb8;
	[tilespmem:$0x18400] =	vst v63  }
0x7a: {  	s17 =	simm.s32 $0xA400  }
0x7b: {  	[tilespmem:s17], [sflag:$0x2] =	stream.indirect_vreg.gather [hbm4b:s6+s3], $0x80, v4, vm0, $0xb8;
	[tilespmem:$0x18400] =	vst v63  }
0x7c: {  	s18 =	simm.s32 $0xAC00  }
0x7d: {  	[tilespmem:s18], [sflag:$0x2] =	stream.indirect_vreg.gather [hbm4b:s2+s3], $0x80, v3, vm0, $0xb8;
	[tilespmem:$0x18400] =	vst v63  }
0x7e: {  	s19 =	simm.s32 $0xB400  }
0x7f: {  	[tilespmem:s19], [sflag:$0x2] =	stream.indirect_vreg.gather [hbm4b:s5+s3], $0x80, v3, vm0, $0xb8;
	[tilespmem:$0x18400] =	vst v63  }
0x80: {  	s20 =	simm.s32 $0xBC00  }
0x81: {  	[tilespmem:s20], [sflag:$0x2] =	stream.indirect_vreg.gather [hbm4b:s6+s3], $0x80, v3, vm0, $0xb8;
	[tilespmem:$0x18400] =	vst v63  }
0x82: {  	v3 =	vld [tilespmem:$0x40];
	_ =	sdelay $0x4  }
0x83: {  	v60 =	vshrl.u32 v3, $0x3  }
0x84: {  	v4 =	vmul.u32 $0x30, v60  }
0x85: {  	v3 =	vand.u32 $0x7, v3  }
0x86: {  	v3 =	vor.u32 v3, v4  }
0x87: {  	v4 =	vperm.xlane v3, v0;
	_ =	sdelay $0x1  }
0x88: {  	v4 =	vadd.s32 v1, v4;
	_ =	sdelay $0x3  }
0x89: {  	s21 =	simm.s32 $0xC400;
	v3 =	vperm.xlane v3, v2  }
0x8a: {  	[tilespmem:s21], [sflag:$0x3] =	stream.indirect_vreg.gather [hbm4b:s2+s3], $0x80, v4, vm0, $0xb8;
	[tilespmem:$0x18400] =	vst v63  }
0x8b: {  	s17 =	simm.s32 $0xCC00;
	v3 =	vadd.s32 v1, v3  }
0x8c: {  	[tilespmem:s17], [sflag:$0x3] =	stream.indirect_vreg.gather [hbm4b:s5+s3], $0x80, v4, vm0, $0xb8;
	[tilespmem:$0x18400] =	vst v63  }
0x8d: {  	s18 =	simm.s32 $0xD400  }
0x8e: {  	[tilespmem:s18], [sflag:$0x3] =	stream.indirect_vreg.gather [hbm4b:s6+s3], $0x80, v4, vm0, $0xb8;
	[tilespmem:$0x18400] =	vst v63  }
0x8f: {  	s19 =	simm.s32 $0xDC00  }
0x90: {  	[tilespmem:s19], [sflag:$0x3] =	stream.indirect_vreg.gather [hbm4b:s2+s3], $0x80, v3, vm0, $0xb8;
	[tilespmem:$0x18400] =	vst v63  }
0x91: {  	s20 =	simm.s32 $0xE400  }
0x92: {  	[tilespmem:s20], [sflag:$0x3] =	stream.indirect_vreg.gather [hbm4b:s5+s3], $0x80, v3, vm0, $0xb8;
	[tilespmem:$0x18400] =	vst v63  }
0x93: {  	s21 =	simm.s32 $0xEC00  }
0x94: {  	[tilespmem:s21], [sflag:$0x3] =	stream.indirect_vreg.gather [hbm4b:s6+s3], $0x80, v3, vm0, $0xb8;
	[tilespmem:$0x18400] =	vst v63  }
0x95: {  	v3 =	vld [tilespmem:$0x50];
	_ =	sdelay $0x4  }
0x96: {  	v61 =	vshrl.u32 v3, $0x3  }
0x97: {  	v4 =	vmul.u32 $0x30, v61  }
0x98: {  	v3 =	vand.u32 $0x7, v3  }
0x99: {  	v3 =	vor.u32 v3, v4  }
0x9a: {  	v4 =	vperm.xlane v3, v0;
	_ =	sdelay $0x1  }
0x9b: {  	v4 =	vadd.s32 v1, v4;
	_ =	sdelay $0x3  }
0x9c: {  	s17 =	simm.s32 $0xF400;
	v3 =	vperm.xlane v3, v2  }
0x9d: {  	[tilespmem:s17], [sflag:$0x3] =	stream.indirect_vreg.gather [hbm4b:s2+s3], $0x80, v4, vm0, $0xb8;
	[tilespmem:$0x18400] =	vst v63  }
0x9e: {  	s18 =	simm.s32 $0xFC00;
	v3 =	vadd.s32 v1, v3  }
0x9f: {  	[tilespmem:s18], [sflag:$0x3] =	stream.indirect_vreg.gather [hbm4b:s5+s3], $0x80, v4, vm0, $0xb8;
	[tilespmem:$0x18400] =	vst v63  }
0xa0: {  	s19 =	simm.s32 $0x10400  }
0xa1: {  	[tilespmem:s19], [sflag:$0x3] =	stream.indirect_vreg.gather [hbm4b:s6+s3], $0x80, v4, vm0, $0xb8;
	[tilespmem:$0x18400] =	vst v63  }
0xa2: {  	s21 =	simm.s32 $0x10C00  }
0xa3: {  	[tilespmem:s21], [sflag:$0x3] =	stream.indirect_vreg.gather [hbm4b:s2+s3], $0x80, v3, vm0, $0xb8;
	[tilespmem:$0x18400] =	vst v63  }
0xa4: {  	s17 =	simm.s32 $0x11400  }
0xa5: {  	[tilespmem:s17], [sflag:$0x3] =	stream.indirect_vreg.gather [hbm4b:s5+s3], $0x80, v3, vm0, $0xb8;
	[tilespmem:$0x18400] =	vst v63  }
0xa6: {  	s18 =	simm.s32 $0x11C00  }
0xa7: {  	[tilespmem:s18], [sflag:$0x3] =	stream.indirect_vreg.gather [hbm4b:s6+s3], $0x80, v3, vm0, $0xb8;
	[tilespmem:$0x18400] =	vst v63  }
0xa8: {  	v3 =	vld [tilespmem:$0x60];
	_ =	sdelay $0x4  }
0xa9: {  	v62 =	vshrl.u32 v3, $0x3  }
0xaa: {  	v4 =	vmul.u32 $0x30, v62  }
0xab: {  	v3 =	vand.u32 $0x7, v3  }
0xac: {  	v3 =	vor.u32 v3, v4  }
0xad: {  	v4 =	vperm.xlane v3, v0;
	_ =	sdelay $0x1  }
0xae: {  	v4 =	vadd.s32 v1, v4;
	_ =	sdelay $0x3  }
0xaf: {  	s19 =	simm.s32 $0x12400;
	v3 =	vperm.xlane v3, v2  }
0xb0: {  	[tilespmem:s19], [sflag:$0x4] =	stream.indirect_vreg.gather [hbm4b:s2+s3], $0x80, v4, vm0, $0xb8;
	[tilespmem:$0x18400] =	vst v63  }
0xb1: {  	s21 =	simm.s32 $0x12C00;
	v3 =	vadd.s32 v1, v3  }
0xb2: {  	[tilespmem:s21], [sflag:$0x4] =	stream.indirect_vreg.gather [hbm4b:s5+s3], $0x80, v4, vm0, $0xb8;
	[tilespmem:$0x18400] =	vst v63  }
0xb3: {  	s0 =	simm.s32 $0x13400  }
0xb4: {  	[tilespmem:s0], [sflag:$0x4] =	stream.indirect_vreg.gather [hbm4b:s6+s3], $0x80, v4, vm0, $0xb8;
	[tilespmem:$0x18400] =	vst v63  }
0xb5: {  	s18 =	simm.s32 $0x13C00  }
0xb6: {  	[tilespmem:s18], [sflag:$0x4] =	stream.indirect_vreg.gather [hbm4b:s2+s3], $0x80, v3, vm0, $0xb8;
	[tilespmem:$0x18400] =	vst v63  }
0xb7: {  	s19 =	simm.s32 $0x14400  }
0xb8: {  	[tilespmem:s19], [sflag:$0x4] =	stream.indirect_vreg.gather [hbm4b:s5+s3], $0x80, v3, vm0, $0xb8;
	[tilespmem:$0x18400] =	vst v63  }
0xb9: {  	s0 =	simm.s32 $0x14C00  }
0xba: {  	[tilespmem:s0], [sflag:$0x4] =	stream.indirect_vreg.gather [hbm4b:s6+s3], $0x80, v3, vm0, $0xb8;
	[tilespmem:$0x18400] =	vst v63  }
0xbb: {  	v3 =	vld [tilespmem:$0x70];
	_ =	sdelay $0x4  }
0xbc: {  	v63 =	vshrl.u32 v3, $0x3  }
0xbd: {  	v4 =	vmul.u32 $0x30, v63  }
0xbe: {  	v3 =	vand.u32 $0x7, v3  }
0xbf: {  	v3 =	vor.u32 v3, v4  }
0xc0: {  	v4 =	vperm.xlane v3, v0;
	_ =	sdelay $0x1  }
0xc1: {  	v4 =	vadd.s32 v1, v4;
	_ =	sdelay $0x3  }
0xc2: {  	s18 =	simm.s32 $0x15400;
	v3 =	vperm.xlane v3, v2  }
0xc3: {  	[tilespmem:s18], [sflag:$0x4] =	stream.indirect_vreg.gather [hbm4b:s2+s3], $0x80, v4, vm0, $0xb8;
	[tilespmem:$0x18400] =	vst v63  }
0xc4: {  	s19 =	simm.s32 $0x15C00;
	v3 =	vadd.s32 v1, v3  }
0xc5: {  	[tilespmem:s19], [sflag:$0x4] =	stream.indirect_vreg.gather [hbm4b:s5+s3], $0x80, v4, vm0, $0xb8;
	[tilespmem:$0x18400] =	vst v63  }
0xc6: {  	s0 =	simm.s32 $0x16400  }
0xc7: {  	[tilespmem:s0], [sflag:$0x4] =	stream.indirect_vreg.gather [hbm4b:s6+s3], $0x80, v4, vm0, $0xb8;
	[tilespmem:$0x18400] =	vst v63  }
0xc8: {  	s18 =	simm.s32 $0x16C00  }
0xc9: {  	[tilespmem:s18], [sflag:$0x4] =	stream.indirect_vreg.gather [hbm4b:s2+s3], $0x80, v3, vm0, $0xb8;
	[tilespmem:$0x18400] =	vst v63  }
0xca: {  	s19 =	simm.s32 $0x17400  }
0xcb: {  	[tilespmem:s19], [sflag:$0x4] =	stream.indirect_vreg.gather [hbm4b:s5+s3], $0x80, v3, vm0, $0xb8;
	[tilespmem:$0x18400] =	vst v63  }
0xcc: {  	s0 =	simm.s32 $0x17C00  }
0xcd: {  	[tilespmem:s0], [sflag:$0x4] =	stream.indirect_vreg.gather [hbm4b:s6+s3], $0x80, v3, vm0, $0xb8;
	[tilespmem:$0x18400] =	vst v63  }
0xce: {  	_ =	swait.ge [sflag:s4], $0x6000  }
0xcf: {  	s18 =	sld [smem:$0x7FA]  }
0xd0: {  	[sflag:s4] =	ssyncset.done $0x0  }
0xd1: {  	s19 =	simm.s32 $0x400;
	[sflag:s4] =	ssyncadd.s32 $0xFFFFA000  }
0xd2: {  	[hbm4b:s18+s3] =	stream.linear.scatter [tilespmem:s19], [sflag:$0x5], $0x6000, $0x38;
	[tilespmem:$0x18400] =	vst v63  }
0xd3: {  	_ =	swait.ge [sflag:s10], $0x6000  }
0xd4: {  	[sflag:s10] =	ssyncset.done $0x0  }
0xd5: {  	[sflag:s10] =	ssyncadd.s32 $0xFFFFA000  }
0xd6: {  	v3 =	vld [tilespmem:$0x80];
	_ =	sdelay $0x4  }
0xd7: {  	v8 =	vshrl.u32 v3, $0x3  }
0xd8: {  	v4 =	vmul.u32 $0x30, v8  }
0xd9: {  	v3 =	vand.u32 $0x7, v3  }
0xda: {  	v3 =	vor.u32 v3, v4  }
0xdb: {  	v4 =	vperm.xlane v3, v0;
	_ =	sdelay $0x1  }
0xdc: {  	v4 =	vadd.s32 v1, v4;
	_ =	sdelay $0x3  }
0xdd: {  	v3 =	vperm.xlane v3, v2  }
0xde: {  	[tilespmem:s19], [sflag:$0x1] =	stream.indirect_vreg.gather [hbm4b:s2+s3], $0x80, v4, vm0, $0xb8;
	[tilespmem:$0x18400] =	vst v63  }
0xdf: {  	s25 =	simm.s32 $0xC00;
	v3 =	vadd.s32 v1, v3  }
0xe0: {  	[tilespmem:s25], [sflag:$0x1] =	stream.indirect_vreg.gather [hbm4b:s5+s3], $0x80, v4, vm0, $0xb8;
	[tilespmem:$0x18400] =	vst v63  }
0xe1: {  	s26 =	simm.s32 $0x1400  }
0xe2: {  	[tilespmem:s26], [sflag:$0x1] =	stream.indirect_vreg.gather [hbm4b:s6+s3], $0x80, v4, vm0, $0xb8;
	[tilespmem:$0x18400] =	vst v63  }
0xe3: {  	s1 =	simm.s32 $0x1C00  }
0xe4: {  	[tilespmem:s1], [sflag:$0x1] =	stream.indirect_vreg.gather [hbm4b:s2+s3], $0x80, v3, vm0, $0xb8;
	[tilespmem:$0x18400] =	vst v63  }
0xe5: {  	s7 =	simm.s32 $0x2400  }
0xe6: {  	[tilespmem:s7], [sflag:$0x1] =	stream.indirect_vreg.gather [hbm4b:s5+s3], $0x80, v3, vm0, $0xb8;
	[tilespmem:$0x18400] =	vst v63  }
0xe7: {  	s8 =	simm.s32 $0x2C00  }
0xe8: {  	[tilespmem:s8], [sflag:$0x1] =	stream.indirect_vreg.gather [hbm4b:s6+s3], $0x80, v3, vm0, $0xb8;
	[tilespmem:$0x18400] =	vst v63  }
0xe9: {  	v3 =	vld [tilespmem:$0x90];
	_ =	sdelay $0x4  }
0xea: {  	v9 =	vshrl.u32 v3, $0x3  }
0xeb: {  	v4 =	vmul.u32 $0x30, v9  }
0xec: {  	v3 =	vand.u32 $0x7, v3  }
0xed: {  	v3 =	vor.u32 v3, v4  }
0xee: {  	v4 =	vperm.xlane v3, v0;
	_ =	sdelay $0x1  }
0xef: {  	v4 =	vadd.s32 v1, v4;
	_ =	sdelay $0x3  }
0xf0: {  	s18 =	simm.s32 $0x3400;
	v3 =	vperm.xlane v3, v2  }
0xf1: {  	[tilespmem:s18], [sflag:$0x1] =	stream.indirect_vreg.gather [hbm4b:s2+s3], $0x80, v4, vm0, $0xb8;
	[tilespmem:$0x18400] =	vst v63  }
0xf2: {  	s28 =	simm.s32 $0x3C00;
	v3 =	vadd.s32 v1, v3  }
0xf3: {  	[tilespmem:s28], [sflag:$0x1] =	stream.indirect_vreg.gather [hbm4b:s5+s3], $0x80, v4, vm0, $0xb8;
	[tilespmem:$0x18400] =	vst v63  }
0xf4: {  	s9 =	simm.s32 $0x4400  }
0xf5: {  	[tilespmem:s9], [sflag:$0x1] =	stream.indirect_vreg.gather [hbm4b:s6+s3], $0x80, v4, vm0, $0xb8;
	[tilespmem:$0x18400] =	vst v63  }
0xf6: {  	s28 =	simm.s32 $0x4C00  }
0xf7: {  	[tilespmem:s28], [sflag:$0x1] =	stream.indirect_vreg.gather [hbm4b:s2+s3], $0x80, v3, vm0, $0xb8;
	[tilespmem:$0x18400] =	vst v63  }
0xf8: {  	s8 =	simm.s32 $0x5400  }
0xf9: {  	[tilespmem:s8], [sflag:$0x1] =	stream.indirect_vreg.gather [hbm4b:s5+s3], $0x80, v3, vm0, $0xb8;
	[tilespmem:$0x18400] =	vst v63  }
0xfa: {  	s19 =	simm.s32 $0x5C00  }
0xfb: {  	[tilespmem:s19], [sflag:$0x1] =	stream.indirect_vreg.gather [hbm4b:s6+s3], $0x80, v3, vm0, $0xb8;
	[tilespmem:$0x18400] =	vst v63  }
0xfc: {  	_ =	swait.ge [sflag:s11], $0x6000  }
0xfd: {  	[sflag:s11] =	ssyncset.done $0x0  }
0xfe: {  	s26 =	simm.s32 $0x6400;
	s25 =	rddreg [dreg:$0x5];
	[sflag:s11] =	ssyncadd.s32 $0xFFFFA000  }
0xff: {  	[hbm4b:s25+s3] =	stream.linear.scatter [tilespmem:s26], [sflag:$0x6], $0x6000, $0x38;
	[tilespmem:$0x18400] =	vst v63  }
0x100: {  	_ =	swait.ge [sflag:s12], $0x6000  }
0x101: {  	[sflag:s12] =	ssyncset.done $0x0  }
0x102: {  	[sflag:s12] =	ssyncadd.s32 $0xFFFFA000  }
0x103: {  	v3 =	vld [tilespmem:$0xA0];
	_ =	sdelay $0x4  }
0x104: {  	v10 =	vshrl.u32 v3, $0x3  }
0x105: {  	v4 =	vmul.u32 $0x30, v10  }
0x106: {  	v3 =	vand.u32 $0x7, v3  }
0x107: {  	v3 =	vor.u32 v3, v4  }
0x108: {  	v4 =	vperm.xlane v3, v0;
	_ =	sdelay $0x1  }
0x109: {  	v4 =	vadd.s32 v1, v4;
	_ =	sdelay $0x3  }
0x10a: {  	v3 =	vperm.xlane v3, v2  }
0x10b: {  	[tilespmem:s26], [sflag:$0x2] =	stream.indirect_vreg.gather [hbm4b:s2+s3], $0x80, v4, vm0, $0xb8;
	[tilespmem:$0x18400] =	vst v63  }
0x10c: {  	s1 =	simm.s32 $0x6C00;
	v3 =	vadd.s32 v1, v3  }
0x10d: {  	[tilespmem:s1], [sflag:$0x2] =	stream.indirect_vreg.gather [hbm4b:s5+s3], $0x80, v4, vm0, $0xb8;
	[tilespmem:$0x18400] =	vst v63  }
0x10e: {  	s22 =	simm.s32 $0x7400  }
0x10f: {  	[tilespmem:s22], [sflag:$0x2] =	stream.indirect_vreg.gather [hbm4b:s6+s3], $0x80, v4, vm0, $0xb8;
	[tilespmem:$0x18400] =	vst v63  }
0x110: {  	s29 =	simm.s32 $0x7C00  }
0x111: {  	[tilespmem:s29], [sflag:$0x2] =	stream.indirect_vreg.gather [hbm4b:s2+s3], $0x80, v3, vm0, $0xb8;
	[tilespmem:$0x18400] =	vst v63  }
0x112: {  	s30 =	simm.s32 $0x8400  }
0x113: {  	[tilespmem:s30], [sflag:$0x2] =	stream.indirect_vreg.gather [hbm4b:s5+s3], $0x80, v3, vm0, $0xb8;
	[tilespmem:$0x18400] =	vst v63  }
0x114: {  	s23 =	simm.s32 $0x8C00  }
0x115: {  	[tilespmem:s23], [sflag:$0x2] =	stream.indirect_vreg.gather [hbm4b:s6+s3], $0x80, v3, vm0, $0xb8;
	[tilespmem:$0x18400] =	vst v63  }
0x116: {  	v3 =	vld [tilespmem:$0xB0];
	_ =	sdelay $0x4  }
0x117: {  	v11 =	vshrl.u32 v3, $0x3  }
0x118: {  	v4 =	vmul.u32 $0x30, v11  }
0x119: {  	v3 =	vand.u32 $0x7, v3  }
0x11a: {  	v3 =	vor.u32 v3, v4  }
0x11b: {  	v4 =	vperm.xlane v3, v0;
	_ =	sdelay $0x1  }
0x11c: {  	v4 =	vadd.s32 v1, v4;
	_ =	sdelay $0x3  }
0x11d: {  	s24 =	simm.s32 $0x9400;
	v3 =	vperm.xlane v3, v2  }
0x11e: {  	[tilespmem:s24], [sflag:$0x2] =	stream.indirect_vreg.gather [hbm4b:s2+s3], $0x80, v4, vm0, $0xb8;
	[tilespmem:$0x18400] =	vst v63  }
0x11f: {  	s31 =	simm.s32 $0x9C00;
	v3 =	vadd.s32 v1, v3  }
0x120: {  	[tilespmem:s31], [sflag:$0x2] =	stream.indirect_vreg.gather [hbm4b:s5+s3], $0x80, v4, vm0, $0xb8;
	[tilespmem:$0x18400] =	vst v63  }
0x121: {  	s23 =	simm.s32 $0xA400  }
0x122: {  	[tilespmem:s23], [sflag:$0x2] =	stream.indirect_vreg.gather [hbm4b:s6+s3], $0x80, v4, vm0, $0xb8;
	[tilespmem:$0x18400] =	vst v63  }
0x123: {  	s24 =	simm.s32 $0xAC00  }
0x124: {  	[tilespmem:s24], [sflag:$0x2] =	stream.indirect_vreg.gather [hbm4b:s2+s3], $0x80, v3, vm0, $0xb8;
	[tilespmem:$0x18400] =	vst v63  }
0x125: {  	s25 =	simm.s32 $0xB400  }
0x126: {  	[tilespmem:s25], [sflag:$0x2] =	stream.indirect_vreg.gather [hbm4b:s5+s3], $0x80, v3, vm0, $0xb8;
	[tilespmem:$0x18400] =	vst v63  }
0x127: {  	s26 =	simm.s32 $0xBC00  }
0x128: {  	[tilespmem:s26], [sflag:$0x2] =	stream.indirect_vreg.gather [hbm4b:s6+s3], $0x80, v3, vm0, $0xb8;
	[tilespmem:$0x18400] =	vst v63  }
0x129: {  	_ =	swait.ge [sflag:s13], $0x6000  }
0x12a: {  	[sflag:s13] =	ssyncset.done $0x0  }
0x12b: {  	s9 =	simm.s32 $0xC400;
	s7 =	rddreg [dreg:$0x6];
	[sflag:s13] =	ssyncadd.s32 $0xFFFFA000  }
0x12c: {  	[hbm4b:s7+s3] =	stream.linear.scatter [tilespmem:s9], [sflag:$0x7], $0x6000, $0x38;
	[tilespmem:$0x18400] =	vst v63  }
0x12d: {  	_ =	swait.ge [sflag:s14], $0x6000  }
0x12e: {  	[sflag:s14] =	ssyncset.done $0x0  }
0x12f: {  	[sflag:s14] =	ssyncadd.s32 $0xFFFFA000  }
0x130: {  	v3 =	vld [tilespmem:$0xC0];
	_ =	sdelay $0x4  }
0x131: {  	v12 =	vshrl.u32 v3, $0x3  }
0x132: {  	v4 =	vmul.u32 $0x30, v12  }
0x133: {  	v3 =	vand.u32 $0x7, v3  }
0x134: {  	v3 =	vor.u32 v3, v4  }
0x135: {  	v4 =	vperm.xlane v3, v0;
	_ =	sdelay $0x1  }
0x136: {  	v4 =	vadd.s32 v1, v4;
	_ =	sdelay $0x3  }
0x137: {  	v3 =	vperm.xlane v3, v2  }
0x138: {  	[tilespmem:s9], [sflag:$0x3] =	stream.indirect_vreg.gather [hbm4b:s2+s3], $0x80, v4, vm0, $0xb8;
	[tilespmem:$0x18400] =	vst v63  }
0x139: {  	s29 =	simm.s32 $0xCC00;
	v3 =	vadd.s32 v1, v3  }
0x13a: {  	[tilespmem:s29], [sflag:$0x3] =	stream.indirect_vreg.gather [hbm4b:s5+s3], $0x80, v4, vm0, $0xb8;
	[tilespmem:$0x18400] =	vst v63  }
0x13b: {  	s30 =	simm.s32 $0xD400  }
0x13c: {  	[tilespmem:s30], [sflag:$0x3] =	stream.indirect_vreg.gather [hbm4b:s6+s3], $0x80, v4, vm0, $0xb8;
	[tilespmem:$0x18400] =	vst v63  }
0x13d: {  	s31 =	simm.s32 $0xDC00  }
0x13e: {  	[tilespmem:s31], [sflag:$0x3] =	stream.indirect_vreg.gather [hbm4b:s2+s3], $0x80, v3, vm0, $0xb8;
	[tilespmem:$0x18400] =	vst v63  }
0x13f: {  	s0 =	simm.s32 $0xE400  }
0x140: {  	[tilespmem:s0], [sflag:$0x3] =	stream.indirect_vreg.gather [hbm4b:s5+s3], $0x80, v3, vm0, $0xb8;
	[tilespmem:$0x18400] =	vst v63  }
0x141: {  	s20 =	simm.s32 $0xEC00  }
0x142: {  	[tilespmem:s20], [sflag:$0x3] =	stream.indirect_vreg.gather [hbm4b:s6+s3], $0x80, v3, vm0, $0xb8;
	[tilespmem:$0x18400] =	vst v63  }
0x143: {  	v3 =	vld [tilespmem:$0xD0];
	_ =	sdelay $0x4  }
0x144: {  	v13 =	vshrl.u32 v3, $0x3  }
0x145: {  	v4 =	vmul.u32 $0x30, v13  }
0x146: {  	v3 =	vand.u32 $0x7, v3  }
0x147: {  	v3 =	vor.u32 v3, v4  }
0x148: {  	v4 =	vperm.xlane v3, v0;
	_ =	sdelay $0x1  }
0x149: {  	v4 =	vadd.s32 v1, v4;
	_ =	sdelay $0x3  }
0x14a: {  	s17 =	simm.s32 $0xF400;
	v3 =	vperm.xlane v3, v2  }
0x14b: {  	[tilespmem:s17], [sflag:$0x3] =	stream.indirect_vreg.gather [hbm4b:s2+s3], $0x80, v4, vm0, $0xb8;
	[tilespmem:$0x18400] =	vst v63  }
0x14c: {  	s1 =	simm.s32 $0xFC00;
	v3 =	vadd.s32 v1, v3  }
0x14d: {  	[tilespmem:s1], [sflag:$0x3] =	stream.indirect_vreg.gather [hbm4b:s5+s3], $0x80, v4, vm0, $0xb8;
	[tilespmem:$0x18400] =	vst v63  }
0x14e: {  	s7 =	simm.s32 $0x10400  }
0x14f: {  	[tilespmem:s7], [sflag:$0x3] =	stream.indirect_vreg.gather [hbm4b:s6+s3], $0x80, v4, vm0, $0xb8;
	[tilespmem:$0x18400] =	vst v63  }
0x150: {  	s9 =	simm.s32 $0x10C00  }
0x151: {  	[tilespmem:s9], [sflag:$0x3] =	stream.indirect_vreg.gather [hbm4b:s2+s3], $0x80, v3, vm0, $0xb8;
	[tilespmem:$0x18400] =	vst v63  }
0x152: {  	s22 =	simm.s32 $0x11400  }
0x153: {  	[tilespmem:s22], [sflag:$0x3] =	stream.indirect_vreg.gather [hbm4b:s5+s3], $0x80, v3, vm0, $0xb8;
	[tilespmem:$0x18400] =	vst v63  }
0x154: {  	s20 =	simm.s32 $0x11C00  }
0x155: {  	[tilespmem:s20], [sflag:$0x3] =	stream.indirect_vreg.gather [hbm4b:s6+s3], $0x80, v3, vm0, $0xb8;
	[tilespmem:$0x18400] =	vst v63  }
0x156: {  	_ =	swait.ge [sflag:s15], $0x6000  }
0x157: {  	[sflag:s15] =	ssyncset.done $0x0  }
0x158: {  	s20 =	simm.s32 $0x12400;
	s17 =	rddreg [dreg:$0x7];
	[sflag:s15] =	ssyncadd.s32 $0xFFFFA000  }
0x159: {  	[hbm4b:s17+s3] =	stream.linear.scatter [tilespmem:s20], [sflag:$0x8], $0x6000, $0x38;
	[tilespmem:$0x18400] =	vst v63  }
0x15a: {  	_ =	swait.ge [sflag:s16], $0x6000  }
0x15b: {  	[sflag:s16] =	ssyncset.done $0x0  }
0x15c: {  	[sflag:s16] =	ssyncadd.s32 $0xFFFFA000  }
0x15d: {  	v3 =	vld [tilespmem:$0xE0];
	_ =	sdelay $0x4  }
0x15e: {  	v14 =	vshrl.u32 v3, $0x3  }
0x15f: {  	v4 =	vmul.u32 $0x30, v14  }
0x160: {  	v3 =	vand.u32 $0x7, v3  }
0x161: {  	v3 =	vor.u32 v3, v4  }
0x162: {  	v4 =	vperm.xlane v3, v0;
	_ =	sdelay $0x1  }
0x163: {  	v4 =	vadd.s32 v1, v4;
	_ =	sdelay $0x3  }
0x164: {  	v3 =	vperm.xlane v3, v2  }
0x165: {  	[tilespmem:s20], [sflag:$0x4] =	stream.indirect_vreg.gather [hbm4b:s2+s3], $0x80, v4, vm0, $0xb8;
	[tilespmem:$0x18400] =	vst v63  }
0x166: {  	s21 =	simm.s32 $0x12C00;
	v3 =	vadd.s32 v1, v3  }
0x167: {  	[tilespmem:s21], [sflag:$0x4] =	stream.indirect_vreg.gather [hbm4b:s5+s3], $0x80, v4, vm0, $0xb8;
	[tilespmem:$0x18400] =	vst v63  }
0x168: {  	s20 =	simm.s32 $0x13400  }
0x169: {  	[tilespmem:s20], [sflag:$0x4] =	stream.indirect_vreg.gather [hbm4b:s6+s3], $0x80, v4, vm0, $0xb8;
	[tilespmem:$0x18400] =	vst v63  }
0x16a: {  	s21 =	simm.s32 $0x13C00  }
0x16b: {  	[tilespmem:s21], [sflag:$0x4] =	stream.indirect_vreg.gather [hbm4b:s2+s3], $0x80, v3, vm0, $0xb8;
	[tilespmem:$0x18400] =	vst v63  }
0x16c: {  	s20 =	simm.s32 $0x14400  }
0x16d: {  	[tilespmem:s20], [sflag:$0x4] =	stream.indirect_vreg.gather [hbm4b:s5+s3], $0x80, v3, vm0, $0xb8;
	[tilespmem:$0x18400] =	vst v63  }
0x16e: {  	s21 =	simm.s32 $0x14C00  }
0x16f: {  	[tilespmem:s21], [sflag:$0x4] =	stream.indirect_vreg.gather [hbm4b:s6+s3], $0x80, v3, vm0, $0xb8;
	[tilespmem:$0x18400] =	vst v63  }
0x170: {  	v3 =	vld [tilespmem:$0xF0];
	_ =	sdelay $0x4  }
0x171: {  	v15 =	vshrl.u32 v3, $0x3  }
0x172: {  	v4 =	vmul.u32 $0x30, v15  }
0x173: {  	v3 =	vand.u32 $0x7, v3  }
0x174: {  	v3 =	vor.u32 v3, v4  }
0x175: {  	v4 =	vperm.xlane v3, v0;
	_ =	sdelay $0x1  }
0x176: {  	v4 =	vadd.s32 v1, v4;
	_ =	sdelay $0x3  }
0x177: {  	s20 =	simm.s32 $0x15400;
	v3 =	vperm.xlane v3, v2  }
0x178: {  	[tilespmem:s20], [sflag:$0x4] =	stream.indirect_vreg.gather [hbm4b:s2+s3], $0x80, v4, vm0, $0xb8;
	[tilespmem:$0x18400] =	vst v63  }
0x179: {  	s21 =	simm.s32 $0x15C00;
	v3 =	vadd.s32 v1, v3  }
0x17a: {  	[tilespmem:s21], [sflag:$0x4] =	stream.indirect_vreg.gather [hbm4b:s5+s3], $0x80, v4, vm0, $0xb8;
	[tilespmem:$0x18400] =	vst v63  }
0x17b: {  	s20 =	simm.s32 $0x16400  }
0x17c: {  	[tilespmem:s20], [sflag:$0x4] =	stream.indirect_vreg.gather [hbm4b:s6+s3], $0x80, v4, vm0, $0xb8;
	[tilespmem:$0x18400] =	vst v63  }
0x17d: {  	s21 =	simm.s32 $0x16C00  }
0x17e: {  	[tilespmem:s21], [sflag:$0x4] =	stream.indirect_vreg.gather [hbm4b:s2+s3], $0x80, v3, vm0, $0xb8;
	[tilespmem:$0x18400] =	vst v63  }
0x17f: {  	s20 =	simm.s32 $0x17400  }
0x180: {  	[tilespmem:s20], [sflag:$0x4] =	stream.indirect_vreg.gather [hbm4b:s5+s3], $0x80, v3, vm0, $0xb8;
	[tilespmem:$0x18400] =	vst v63  }
0x181: {  	s21 =	simm.s32 $0x17C00  }
0x182: {  	[tilespmem:s21], [sflag:$0x4] =	stream.indirect_vreg.gather [hbm4b:s6+s3], $0x80, v3, vm0, $0xb8;
	[tilespmem:$0x18400] =	vst v63  }
0x183: {  	_ =	swait.ge [sflag:s4], $0x6000  }
0x184: {  	[sflag:s4] =	ssyncset.done $0x0  }
0x185: {  	s21 =	simm.s32 $0x400;
	s20 =	rddreg [dreg:$0x8];
	[sflag:s4] =	ssyncadd.s32 $0xFFFFA000  }
0x186: {  	[hbm4b:s20+s3] =	stream.linear.scatter [tilespmem:s21], [sflag:$0x5], $0x6000, $0x38;
	[tilespmem:$0x18400] =	vst v63  }
0x187: {  	_ =	swait.ge [sflag:s10], $0x6000  }
0x188: {  	[sflag:s10] =	ssyncset.done $0x0  }
0x189: {  	[sflag:s10] =	ssyncadd.s32 $0xFFFFA000  }
0x18a: {  	v3 =	vld [tilespmem:$0x100];
	_ =	sdelay $0x4  }
0x18b: {  	v16 =	vshrl.u32 v3, $0x3  }
0x18c: {  	v4 =	vmul.u32 $0x30, v16  }
0x18d: {  	v3 =	vand.u32 $0x7, v3  }
0x18e: {  	v3 =	vor.u32 v3, v4  }
0x18f: {  	v4 =	vperm.xlane v3, v0;
	_ =	sdelay $0x1  }
0x190: {  	v4 =	vadd.s32 v1, v4;
	_ =	sdelay $0x3  }
0x191: {  	v3 =	vperm.xlane v3, v2  }
0x192: {  	[tilespmem:s21], [sflag:$0x1] =	stream.indirect_vreg.gather [hbm4b:s2+s3], $0x80, v4, vm0, $0xb8;
	[tilespmem:$0x18400] =	vst v63  }
0x193: {  	s20 =	simm.s32 $0xC00;
	v3 =	vadd.s32 v1, v3  }
0x194: {  	[tilespmem:s20], [sflag:$0x1] =	stream.indirect_vreg.gather [hbm4b:s5+s3], $0x80, v4, vm0, $0xb8;
	[tilespmem:$0x18400] =	vst v63  }
0x195: {  	s21 =	simm.s32 $0x1400  }
0x196: {  	[tilespmem:s21], [sflag:$0x1] =	stream.indirect_vreg.gather [hbm4b:s6+s3], $0x80, v4, vm0, $0xb8;
	[tilespmem:$0x18400] =	vst v63  }
0x197: {  	s17 =	simm.s32 $0x1C00  }
0x198: {  	[tilespmem:s17], [sflag:$0x1] =	stream.indirect_vreg.gather [hbm4b:s2+s3], $0x80, v3, vm0, $0xb8;
	[tilespmem:$0x18400] =	vst v63  }
0x199: {  	s17 =	simm.s32 $0x2400  }
0x19a: {  	[tilespmem:s17], [sflag:$0x1] =	stream.indirect_vreg.gather [hbm4b:s5+s3], $0x80, v3, vm0, $0xb8;
	[tilespmem:$0x18400] =	vst v63  }
0x19b: {  	s17 =	simm.s32 $0x2C00  }
0x19c: {  	[tilespmem:s17], [sflag:$0x1] =	stream.indirect_vreg.gather [hbm4b:s6+s3], $0x80, v3, vm0, $0xb8;
	[tilespmem:$0x18400] =	vst v63  }
0x19d: {  	v3 =	vld [tilespmem:$0x110];
	_ =	sdelay $0x4  }
0x19e: {  	v17 =	vshrl.u32 v3, $0x3  }
0x19f: {  	v4 =	vmul.u32 $0x30, v17  }
0x1a0: {  	v3 =	vand.u32 $0x7, v3  }
0x1a1: {  	v3 =	vor.u32 v3, v4  }
0x1a2: {  	v4 =	vperm.xlane v3, v0;
	_ =	sdelay $0x1  }
0x1a3: {  	v4 =	vadd.s32 v1, v4;
	_ =	sdelay $0x3  }
0x1a4: {  	v3 =	vperm.xlane v3, v2  }
0x1a5: {  	[tilespmem:s18], [sflag:$0x1] =	stream.indirect_vreg.gather [hbm4b:s2+s3], $0x80, v4, vm0, $0xb8;
	[tilespmem:$0x18400] =	vst v63  }
0x1a6: {  	v3 =	vadd.s32 v1, v3;
	s18 =	simm.s32 $0x3C00  }
0x1a7: {  	[tilespmem:s18], [sflag:$0x1] =	stream.indirect_vreg.gather [hbm4b:s5+s3], $0x80, v4, vm0, $0xb8;
	[tilespmem:$0x18400] =	vst v63  }
0x1a8: {  	s17 =	simm.s32 $0x4400  }
0x1a9: {  	[tilespmem:s17], [sflag:$0x1] =	stream.indirect_vreg.gather [hbm4b:s6+s3], $0x80, v4, vm0, $0xb8;
	[tilespmem:$0x18400] =	vst v63  }
0x1aa: {  	_ = 	snop  }
0x1ab: {  	[tilespmem:s28], [sflag:$0x1] =	stream.indirect_vreg.gather [hbm4b:s2+s3], $0x80, v3, vm0, $0xb8;
	[tilespmem:$0x18400] =	vst v63  }
0x1ac: {  	_ = 	snop  }
0x1ad: {  	[tilespmem:s8], [sflag:$0x1] =	stream.indirect_vreg.gather [hbm4b:s5+s3], $0x80, v3, vm0, $0xb8;
	[tilespmem:$0x18400] =	vst v63  }
0x1ae: {  	_ = 	snop  }
0x1af: {  	[tilespmem:s19], [sflag:$0x1] =	stream.indirect_vreg.gather [hbm4b:s6+s3], $0x80, v3, vm0, $0xb8;
	[tilespmem:$0x18400] =	vst v63  }
0x1b0: {  	_ =	swait.ge [sflag:s11], $0x6000  }
0x1b1: {  	[sflag:s11] =	ssyncset.done $0x0  }
0x1b2: {  	s28 =	simm.s32 $0x6400;
	s19 =	rddreg [dreg:$0x9];
	[sflag:s11] =	ssyncadd.s32 $0xFFFFA000  }
0x1b3: {  	[hbm4b:s19+s3] =	stream.linear.scatter [tilespmem:s28], [sflag:$0x6], $0x6000, $0x38;
	[tilespmem:$0x18400] =	vst v63  }
0x1b4: {  	_ =	swait.ge [sflag:s12], $0x6000  }
0x1b5: {  	[sflag:s12] =	ssyncset.done $0x0  }
0x1b6: {  	[sflag:s12] =	ssyncadd.s32 $0xFFFFA000  }
0x1b7: {  	v3 =	vld [tilespmem:$0x120];
	_ =	sdelay $0x4  }
0x1b8: {  	v18 =	vshrl.u32 v3, $0x3  }
0x1b9: {  	v4 =	vmul.u32 $0x30, v18  }
0x1ba: {  	v3 =	vand.u32 $0x7, v3  }
0x1bb: {  	v3 =	vor.u32 v3, v4  }
0x1bc: {  	v4 =	vperm.xlane v3, v0;
	_ =	sdelay $0x1  }
0x1bd: {  	v4 =	vadd.s32 v1, v4;
	_ =	sdelay $0x3  }
0x1be: {  	v3 =	vperm.xlane v3, v2  }
0x1bf: {  	[tilespmem:s28], [sflag:$0x2] =	stream.indirect_vreg.gather [hbm4b:s2+s3], $0x80, v4, vm0, $0xb8;
	[tilespmem:$0x18400] =	vst v63  }
0x1c0: {  	s19 =	simm.s32 $0x6C00;
	v3 =	vadd.s32 v1, v3  }
0x1c1: {  	[tilespmem:s19], [sflag:$0x2] =	stream.indirect_vreg.gather [hbm4b:s5+s3], $0x80, v4, vm0, $0xb8;
	[tilespmem:$0x18400] =	vst v63  }
0x1c2: {  	s28 =	simm.s32 $0x7400  }
0x1c3: {  	[tilespmem:s28], [sflag:$0x2] =	stream.indirect_vreg.gather [hbm4b:s6+s3], $0x80, v4, vm0, $0xb8;
	[tilespmem:$0x18400] =	vst v63  }
0x1c4: {  	s19 =	simm.s32 $0x7C00  }
0x1c5: {  	[tilespmem:s19], [sflag:$0x2] =	stream.indirect_vreg.gather [hbm4b:s2+s3], $0x80, v3, vm0, $0xb8;
	[tilespmem:$0x18400] =	vst v63  }
0x1c6: {  	s28 =	simm.s32 $0x8400  }
0x1c7: {  	[tilespmem:s28], [sflag:$0x2] =	stream.indirect_vreg.gather [hbm4b:s5+s3], $0x80, v3, vm0, $0xb8;
	[tilespmem:$0x18400] =	vst v63  }
0x1c8: {  	s19 =	simm.s32 $0x8C00  }
0x1c9: {  	[tilespmem:s19], [sflag:$0x2] =	stream.indirect_vreg.gather [hbm4b:s6+s3], $0x80, v3, vm0, $0xb8;
	[tilespmem:$0x18400] =	vst v63  }
0x1ca: {  	v3 =	vld [tilespmem:$0x130];
	_ =	sdelay $0x4  }
0x1cb: {  	v19 =	vshrl.u32 v3, $0x3  }
0x1cc: {  	v4 =	vmul.u32 $0x30, v19  }
0x1cd: {  	v3 =	vand.u32 $0x7, v3  }
0x1ce: {  	v3 =	vor.u32 v3, v4  }
0x1cf: {  	v4 =	vperm.xlane v3, v0;
	_ =	sdelay $0x1  }
0x1d0: {  	v4 =	vadd.s32 v1, v4;
	_ =	sdelay $0x3  }
0x1d1: {  	s28 =	simm.s32 $0x9400;
	v3 =	vperm.xlane v3, v2  }
0x1d2: {  	[tilespmem:s28], [sflag:$0x2] =	stream.indirect_vreg.gather [hbm4b:s2+s3], $0x80, v4, vm0, $0xb8;
	[tilespmem:$0x18400] =	vst v63  }
0x1d3: {  	s19 =	simm.s32 $0x9C00;
	v3 =	vadd.s32 v1, v3  }
0x1d4: {  	[tilespmem:s19], [sflag:$0x2] =	stream.indirect_vreg.gather [hbm4b:s5+s3], $0x80, v4, vm0, $0xb8;
	[tilespmem:$0x18400] =	vst v63  }
0x1d5: {  	_ = 	snop  }
0x1d6: {  	[tilespmem:s23], [sflag:$0x2] =	stream.indirect_vreg.gather [hbm4b:s6+s3], $0x80, v4, vm0, $0xb8;
	[tilespmem:$0x18400] =	vst v63  }
0x1d7: {  	_ = 	snop  }
0x1d8: {  	[tilespmem:s24], [sflag:$0x2] =	stream.indirect_vreg.gather [hbm4b:s2+s3], $0x80, v3, vm0, $0xb8;
	[tilespmem:$0x18400] =	vst v63  }
0x1d9: {  	_ = 	snop  }
0x1da: {  	[tilespmem:s25], [sflag:$0x2] =	stream.indirect_vreg.gather [hbm4b:s5+s3], $0x80, v3, vm0, $0xb8;
	[tilespmem:$0x18400] =	vst v63  }
0x1db: {  	_ = 	snop  }
0x1dc: {  	[tilespmem:s26], [sflag:$0x2] =	stream.indirect_vreg.gather [hbm4b:s6+s3], $0x80, v3, vm0, $0xb8;
	[tilespmem:$0x18400] =	vst v63  }
0x1dd: {  	_ =	swait.ge [sflag:s13], $0x6000  }
0x1de: {  	[sflag:s13] =	ssyncset.done $0x0  }
0x1df: {  	s28 =	simm.s32 $0xC400;
	s26 =	rddreg [dreg:$0xa];
	[sflag:s13] =	ssyncadd.s32 $0xFFFFA000  }
0x1e0: {  	[hbm4b:s26+s3] =	stream.linear.scatter [tilespmem:s28], [sflag:$0x7], $0x6000, $0x38;
	[tilespmem:$0x18400] =	vst v63  }
0x1e1: {  	_ =	swait.ge [sflag:s14], $0x6000  }
0x1e2: {  	[sflag:s14] =	ssyncset.done $0x0  }
0x1e3: {  	[sflag:s14] =	ssyncadd.s32 $0xFFFFA000  }
0x1e4: {  	v3 =	vld [tilespmem:$0x140];
	_ =	sdelay $0x4  }
0x1e5: {  	v20 =	vshrl.u32 v3, $0x3  }
0x1e6: {  	v4 =	vmul.u32 $0x30, v20  }
0x1e7: {  	v3 =	vand.u32 $0x7, v3  }
0x1e8: {  	v3 =	vor.u32 v3, v4  }
0x1e9: {  	v4 =	vperm.xlane v3, v0;
	_ =	sdelay $0x1  }
0x1ea: {  	v4 =	vadd.s32 v1, v4;
	_ =	sdelay $0x3  }
0x1eb: {  	v3 =	vperm.xlane v3, v2  }
0x1ec: {  	[tilespmem:s28], [sflag:$0x3] =	stream.indirect_vreg.gather [hbm4b:s2+s3], $0x80, v4, vm0, $0xb8;
	[tilespmem:$0x18400] =	vst v63  }
0x1ed: {  	v3 =	vadd.s32 v1, v3  }
0x1ee: {  	[tilespmem:s29], [sflag:$0x3] =	stream.indirect_vreg.gather [hbm4b:s5+s3], $0x80, v4, vm0, $0xb8;
	[tilespmem:$0x18400] =	vst v63  }
0x1ef: {  	_ = 	snop  }
0x1f0: {  	[tilespmem:s30], [sflag:$0x3] =	stream.indirect_vreg.gather [hbm4b:s6+s3], $0x80, v4, vm0, $0xb8;
	[tilespmem:$0x18400] =	vst v63  }
0x1f1: {  	_ = 	snop  }
0x1f2: {  	[tilespmem:s31], [sflag:$0x3] =	stream.indirect_vreg.gather [hbm4b:s2+s3], $0x80, v3, vm0, $0xb8;
	[tilespmem:$0x18400] =	vst v63  }
0x1f3: {  	_ = 	snop  }
0x1f4: {  	[tilespmem:s0], [sflag:$0x3] =	stream.indirect_vreg.gather [hbm4b:s5+s3], $0x80, v3, vm0, $0xb8;
	[tilespmem:$0x18400] =	vst v63  }
0x1f5: {  	s17 =	simm.s32 $0xEC00  }
0x1f6: {  	[tilespmem:s17], [sflag:$0x3] =	stream.indirect_vreg.gather [hbm4b:s6+s3], $0x80, v3, vm0, $0xb8;
	[tilespmem:$0x18400] =	vst v63  }
0x1f7: {  	v3 =	vld [tilespmem:$0x150];
	_ =	sdelay $0x4  }
0x1f8: {  	v21 =	vshrl.u32 v3, $0x3  }
0x1f9: {  	v4 =	vmul.u32 $0x30, v21  }
0x1fa: {  	v3 =	vand.u32 $0x7, v3  }
0x1fb: {  	v3 =	vor.u32 v3, v4  }
0x1fc: {  	v4 =	vperm.xlane v3, v0;
	_ =	sdelay $0x1  }
0x1fd: {  	v4 =	vadd.s32 v1, v4;
	_ =	sdelay $0x3  }
0x1fe: {  	s29 =	simm.s32 $0xF400;
	v3 =	vperm.xlane v3, v2  }
0x1ff: {  	[tilespmem:s29], [sflag:$0x3] =	stream.indirect_vreg.gather [hbm4b:s2+s3], $0x80, v4, vm0, $0xb8;
	[tilespmem:$0x18400] =	vst v63  }
0x200: {  	v3 =	vadd.s32 v1, v3  }
0x201: {  	[tilespmem:s1], [sflag:$0x3] =	stream.indirect_vreg.gather [hbm4b:s5+s3], $0x80, v4, vm0, $0xb8;
	[tilespmem:$0x18400] =	vst v63  }
0x202: {  	_ = 	snop  }
0x203: {  	[tilespmem:s7], [sflag:$0x3] =	stream.indirect_vreg.gather [hbm4b:s6+s3], $0x80, v4, vm0, $0xb8;
	[tilespmem:$0x18400] =	vst v63  }
0x204: {  	_ = 	snop  }
0x205: {  	[tilespmem:s9], [sflag:$0x3] =	stream.indirect_vreg.gather [hbm4b:s2+s3], $0x80, v3, vm0, $0xb8;
	[tilespmem:$0x18400] =	vst v63  }
0x206: {  	_ = 	snop  }
0x207: {  	[tilespmem:s22], [sflag:$0x3] =	stream.indirect_vreg.gather [hbm4b:s5+s3], $0x80, v3, vm0, $0xb8;
	[tilespmem:$0x18400] =	vst v63  }
0x208: {  	s30 =	simm.s32 $0x11C00  }
0x209: {  	[tilespmem:s30], [sflag:$0x3] =	stream.indirect_vreg.gather [hbm4b:s6+s3], $0x80, v3, vm0, $0xb8;
	[tilespmem:$0x18400] =	vst v63  }
0x20a: {  	_ =	swait.ge [sflag:s15], $0x6000  }
0x20b: {  	[sflag:s15] =	ssyncset.done $0x0  }
0x20c: {  	s1 =	simm.s32 $0x12400;
	s0 =	rddreg [dreg:$0xb];
	[sflag:s15] =	ssyncadd.s32 $0xFFFFA000  }
0x20d: {  	[hbm4b:s0+s3] =	stream.linear.scatter [tilespmem:s1], [sflag:$0x8], $0x6000, $0x38;
	[tilespmem:$0x18400] =	vst v63  }
0x20e: {  	_ =	swait.ge [sflag:s16], $0x6000  }
0x20f: {  	[sflag:s16] =	ssyncset.done $0x0  }
0x210: {  	[sflag:s16] =	ssyncadd.s32 $0xFFFFA000  }
0x211: {  	v3 =	vld [tilespmem:$0x160];
	_ =	sdelay $0x4  }
0x212: {  	v22 =	vshrl.u32 v3, $0x3  }
0x213: {  	v4 =	vmul.u32 $0x30, v22  }
0x214: {  	v3 =	vand.u32 $0x7, v3  }
0x215: {  	v3 =	vor.u32 v3, v4  }
0x216: {  	v4 =	vperm.xlane v3, v0;
	_ =	sdelay $0x1  }
0x217: {  	v4 =	vadd.s32 v1, v4;
	_ =	sdelay $0x3  }
0x218: {  	v3 =	vperm.xlane v3, v2  }
0x219: {  	[tilespmem:s1], [sflag:$0x4] =	stream.indirect_vreg.gather [hbm4b:s2+s3], $0x80, v4, vm0, $0xb8;
	[tilespmem:$0x18400] =	vst v63  }
0x21a: {  	s22 =	simm.s32 $0x12C00;
	v3 =	vadd.s32 v1, v3  }
0x21b: {  	[tilespmem:s22], [sflag:$0x4] =	stream.indirect_vreg.gather [hbm4b:s5+s3], $0x80, v4, vm0, $0xb8;
	[tilespmem:$0x18400] =	vst v63  }
0x21c: {  	s29 =	simm.s32 $0x13400  }
0x21d: {  	[tilespmem:s29], [sflag:$0x4] =	stream.indirect_vreg.gather [hbm4b:s6+s3], $0x80, v4, vm0, $0xb8;
	[tilespmem:$0x18400] =	vst v63  }
0x21e: {  	s30 =	simm.s32 $0x13C00  }
0x21f: {  	[tilespmem:s30], [sflag:$0x4] =	stream.indirect_vreg.gather [hbm4b:s2+s3], $0x80, v3, vm0, $0xb8;
	[tilespmem:$0x18400] =	vst v63  }
0x220: {  	s17 =	simm.s32 $0x14400  }
0x221: {  	[tilespmem:s17], [sflag:$0x4] =	stream.indirect_vreg.gather [hbm4b:s5+s3], $0x80, v3, vm0, $0xb8;
	[tilespmem:$0x18400] =	vst v63  }
0x222: {  	s17 =	simm.s32 $0x14C00  }
0x223: {  	[tilespmem:s17], [sflag:$0x4] =	stream.indirect_vreg.gather [hbm4b:s6+s3], $0x80, v3, vm0, $0xb8;
	[tilespmem:$0x18400] =	vst v63  }
0x224: {  	v3 =	vld [tilespmem:$0x170];
	_ =	sdelay $0x4  }
0x225: {  	v23 =	vshrl.u32 v3, $0x3  }
0x226: {  	v4 =	vmul.u32 $0x30, v23  }
0x227: {  	v3 =	vand.u32 $0x7, v3  }
0x228: {  	v3 =	vor.u32 v3, v4  }
0x229: {  	v4 =	vperm.xlane v3, v0;
	_ =	sdelay $0x1  }
0x22a: {  	v4 =	vadd.s32 v1, v4;
	_ =	sdelay $0x3  }
0x22b: {  	s17 =	simm.s32 $0x15400;
	v3 =	vperm.xlane v3, v2  }
0x22c: {  	[tilespmem:s17], [sflag:$0x4] =	stream.indirect_vreg.gather [hbm4b:s2+s3], $0x80, v4, vm0, $0xb8;
	[tilespmem:$0x18400] =	vst v63  }
0x22d: {  	v3 =	vadd.s32 v1, v3;
	s17 =	simm.s32 $0x15C00  }
0x22e: {  	[tilespmem:s17], [sflag:$0x4] =	stream.indirect_vreg.gather [hbm4b:s5+s3], $0x80, v4, vm0, $0xb8;
	[tilespmem:$0x18400] =	vst v63  }
0x22f: {  	s17 =	simm.s32 $0x16400  }
0x230: {  	[tilespmem:s17], [sflag:$0x4] =	stream.indirect_vreg.gather [hbm4b:s6+s3], $0x80, v4, vm0, $0xb8;
	[tilespmem:$0x18400] =	vst v63  }
0x231: {  	s17 =	simm.s32 $0x16C00  }
0x232: {  	[tilespmem:s17], [sflag:$0x4] =	stream.indirect_vreg.gather [hbm4b:s2+s3], $0x80, v3, vm0, $0xb8;
	[tilespmem:$0x18400] =	vst v63  }
0x233: {  	s17 =	simm.s32 $0x17400  }
0x234: {  	[tilespmem:s17], [sflag:$0x4] =	stream.indirect_vreg.gather [hbm4b:s5+s3], $0x80, v3, vm0, $0xb8;
	[tilespmem:$0x18400] =	vst v63  }
0x235: {  	s17 =	simm.s32 $0x17C00  }
0x236: {  	[tilespmem:s17], [sflag:$0x4] =	stream.indirect_vreg.gather [hbm4b:s6+s3], $0x80, v3, vm0, $0xb8;
	[tilespmem:$0x18400] =	vst v63  }
0x237: {  	_ =	swait.ge [sflag:s4], $0x6000  }
0x238: {  	[sflag:s4] =	ssyncset.done $0x0  }
0x239: {  	s0 =	simm.s32 $0x400;
	s17 =	rddreg [dreg:$0xc];
	[sflag:s4] =	ssyncadd.s32 $0xFFFFA000  }
0x23a: {  	[hbm4b:s17+s3] =	stream.linear.scatter [tilespmem:s0], [sflag:$0x5], $0x6000, $0x38;
	[tilespmem:$0x18400] =	vst v63  }
0x23b: {  	_ =	swait.ge [sflag:s10], $0x6000  }
0x23c: {  	[sflag:s10] =	ssyncset.done $0x0  }
0x23d: {  	[sflag:s10] =	ssyncadd.s32 $0xFFFFA000  }
0x23e: {  	v3 =	vld [tilespmem:$0x180];
	_ =	sdelay $0x4  }
0x23f: {  	v24 =	vshrl.u32 v3, $0x3  }
0x240: {  	v4 =	vmul.u32 $0x30, v24  }
0x241: {  	v3 =	vand.u32 $0x7, v3  }
0x242: {  	v3 =	vor.u32 v3, v4  }
0x243: {  	v4 =	vperm.xlane v3, v0;
	_ =	sdelay $0x1  }
0x244: {  	v4 =	vadd.s32 v1, v4;
	_ =	sdelay $0x3  }
0x245: {  	v3 =	vperm.xlane v3, v2  }
0x246: {  	[tilespmem:s0], [sflag:$0x1] =	stream.indirect_vreg.gather [hbm4b:s2+s3], $0x80, v4, vm0, $0xb8;
	[tilespmem:$0x18400] =	vst v63  }
0x247: {  	v3 =	vadd.s32 v1, v3  }
0x248: {  	[tilespmem:s20], [sflag:$0x1] =	stream.indirect_vreg.gather [hbm4b:s5+s3], $0x80, v4, vm0, $0xb8;
	[tilespmem:$0x18400] =	vst v63  }
0x249: {  	_ = 	snop  }
0x24a: {  	[tilespmem:s21], [sflag:$0x1] =	stream.indirect_vreg.gather [hbm4b:s6+s3], $0x80, v4, vm0, $0xb8;
	[tilespmem:$0x18400] =	vst v63  }
0x24b: {  	s17 =	simm.s32 $0x1C00  }
0x24c: {  	[tilespmem:s17], [sflag:$0x1] =	stream.indirect_vreg.gather [hbm4b:s2+s3], $0x80, v3, vm0, $0xb8;
	[tilespmem:$0x18400] =	vst v63  }
0x24d: {  	s17 =	simm.s32 $0x2400  }
0x24e: {  	[tilespmem:s17], [sflag:$0x1] =	stream.indirect_vreg.gather [hbm4b:s5+s3], $0x80, v3, vm0, $0xb8;
	[tilespmem:$0x18400] =	vst v63  }
0x24f: {  	s17 =	simm.s32 $0x2C00  }
0x250: {  	[tilespmem:s17], [sflag:$0x1] =	stream.indirect_vreg.gather [hbm4b:s6+s3], $0x80, v3, vm0, $0xb8;
	[tilespmem:$0x18400] =	vst v63  }
0x251: {  	v3 =	vld [tilespmem:$0x190];
	_ =	sdelay $0x4  }
0x252: {  	v25 =	vshrl.u32 v3, $0x3  }
0x253: {  	v4 =	vmul.u32 $0x30, v25  }
0x254: {  	v3 =	vand.u32 $0x7, v3  }
0x255: {  	v3 =	vor.u32 v3, v4  }
0x256: {  	v4 =	vperm.xlane v3, v0;
	_ =	sdelay $0x1  }
0x257: {  	v4 =	vadd.s32 v1, v4;
	_ =	sdelay $0x3  }
0x258: {  	s17 =	simm.s32 $0x3400;
	v3 =	vperm.xlane v3, v2  }
0x259: {  	[tilespmem:s17], [sflag:$0x1] =	stream.indirect_vreg.gather [hbm4b:s2+s3], $0x80, v4, vm0, $0xb8;
	[tilespmem:$0x18400] =	vst v63  }
0x25a: {  	v3 =	vadd.s32 v1, v3  }
0x25b: {  	[tilespmem:s18], [sflag:$0x1] =	stream.indirect_vreg.gather [hbm4b:s5+s3], $0x80, v4, vm0, $0xb8;
	[tilespmem:$0x18400] =	vst v63  }
0x25c: {  	s17 =	simm.s32 $0x4400  }
0x25d: {  	[tilespmem:s17], [sflag:$0x1] =	stream.indirect_vreg.gather [hbm4b:s6+s3], $0x80, v4, vm0, $0xb8;
	[tilespmem:$0x18400] =	vst v63  }
0x25e: {  	s17 =	simm.s32 $0x4C00  }
0x25f: {  	[tilespmem:s17], [sflag:$0x1] =	stream.indirect_vreg.gather [hbm4b:s2+s3], $0x80, v3, vm0, $0xb8;
	[tilespmem:$0x18400] =	vst v63  }
0x260: {  	s17 =	simm.s32 $0x5400  }
0x261: {  	[tilespmem:s17], [sflag:$0x1] =	stream.indirect_vreg.gather [hbm4b:s5+s3], $0x80, v3, vm0, $0xb8;
	[tilespmem:$0x18400] =	vst v63  }
0x262: {  	s17 =	simm.s32 $0x5C00  }
0x263: {  	[tilespmem:s17], [sflag:$0x1] =	stream.indirect_vreg.gather [hbm4b:s6+s3], $0x80, v3, vm0, $0xb8;
	[tilespmem:$0x18400] =	vst v63  }
0x264: {  	_ =	swait.ge [sflag:s11], $0x6000  }
0x265: {  	[sflag:s11] =	ssyncset.done $0x0  }
0x266: {  	s8 =	simm.s32 $0x6400;
	s17 =	rddreg [dreg:$0xd];
	[sflag:s11] =	ssyncadd.s32 $0xFFFFA000  }
0x267: {  	[hbm4b:s17+s3] =	stream.linear.scatter [tilespmem:s8], [sflag:$0x6], $0x6000, $0x38;
	[tilespmem:$0x18400] =	vst v63  }
0x268: {  	_ =	swait.ge [sflag:s12], $0x6000  }
0x269: {  	[sflag:s12] =	ssyncset.done $0x0  }
0x26a: {  	[sflag:s12] =	ssyncadd.s32 $0xFFFFA000  }
0x26b: {  	v3 =	vld [tilespmem:$0x1A0];
	_ =	sdelay $0x4  }
0x26c: {  	v26 =	vshrl.u32 v3, $0x3  }
0x26d: {  	v4 =	vmul.u32 $0x30, v26  }
0x26e: {  	v3 =	vand.u32 $0x7, v3  }
0x26f: {  	v3 =	vor.u32 v3, v4  }
0x270: {  	v4 =	vperm.xlane v3, v0;
	_ =	sdelay $0x1  }
0x271: {  	v4 =	vadd.s32 v1, v4;
	_ =	sdelay $0x3  }
0x272: {  	v3 =	vperm.xlane v3, v2  }
0x273: {  	[tilespmem:s8], [sflag:$0x2] =	stream.indirect_vreg.gather [hbm4b:s2+s3], $0x80, v4, vm0, $0xb8;
	[tilespmem:$0x18400] =	vst v63  }
0x274: {  	s17 =	simm.s32 $0x6C00;
	v3 =	vadd.s32 v1, v3  }
0x275: {  	[tilespmem:s17], [sflag:$0x2] =	stream.indirect_vreg.gather [hbm4b:s5+s3], $0x80, v4, vm0, $0xb8;
	[tilespmem:$0x18400] =	vst v63  }
0x276: {  	s17 =	simm.s32 $0x7400  }
0x277: {  	[tilespmem:s17], [sflag:$0x2] =	stream.indirect_vreg.gather [hbm4b:s6+s3], $0x80, v4, vm0, $0xb8;
	[tilespmem:$0x18400] =	vst v63  }
0x278: {  	s17 =	simm.s32 $0x7C00  }
0x279: {  	[tilespmem:s17], [sflag:$0x2] =	stream.indirect_vreg.gather [hbm4b:s2+s3], $0x80, v3, vm0, $0xb8;
	[tilespmem:$0x18400] =	vst v63  }
0x27a: {  	s17 =	simm.s32 $0x8400  }
0x27b: {  	[tilespmem:s17], [sflag:$0x2] =	stream.indirect_vreg.gather [hbm4b:s5+s3], $0x80, v3, vm0, $0xb8;
	[tilespmem:$0x18400] =	vst v63  }
0x27c: {  	s17 =	simm.s32 $0x8C00  }
0x27d: {  	[tilespmem:s17], [sflag:$0x2] =	stream.indirect_vreg.gather [hbm4b:s6+s3], $0x80, v3, vm0, $0xb8;
	[tilespmem:$0x18400] =	vst v63  }
0x27e: {  	v3 =	vld [tilespmem:$0x1B0];
	_ =	sdelay $0x4  }
0x27f: {  	v27 =	vshrl.u32 v3, $0x3  }
0x280: {  	v4 =	vmul.u32 $0x30, v27  }
0x281: {  	v3 =	vand.u32 $0x7, v3  }
0x282: {  	v3 =	vor.u32 v3, v4  }
0x283: {  	v4 =	vperm.xlane v3, v0;
	_ =	sdelay $0x1  }
0x284: {  	v4 =	vadd.s32 v1, v4;
	_ =	sdelay $0x3  }
0x285: {  	s17 =	simm.s32 $0x9400;
	v3 =	vperm.xlane v3, v2  }
0x286: {  	[tilespmem:s17], [sflag:$0x2] =	stream.indirect_vreg.gather [hbm4b:s2+s3], $0x80, v4, vm0, $0xb8;
	[tilespmem:$0x18400] =	vst v63  }
0x287: {  	v3 =	vadd.s32 v1, v3;
	s17 =	simm.s32 $0x9C00  }
0x288: {  	[tilespmem:s17], [sflag:$0x2] =	stream.indirect_vreg.gather [hbm4b:s5+s3], $0x80, v4, vm0, $0xb8;
	[tilespmem:$0x18400] =	vst v63  }
0x289: {  	s17 =	simm.s32 $0xA400  }
0x28a: {  	[tilespmem:s17], [sflag:$0x2] =	stream.indirect_vreg.gather [hbm4b:s6+s3], $0x80, v4, vm0, $0xb8;
	[tilespmem:$0x18400] =	vst v63  }
0x28b: {  	s24 =	simm.s32 $0xAC00  }
0x28c: {  	[tilespmem:s24], [sflag:$0x2] =	stream.indirect_vreg.gather [hbm4b:s2+s3], $0x80, v3, vm0, $0xb8;
	[tilespmem:$0x18400] =	vst v63  }
0x28d: {  	s25 =	simm.s32 $0xB400  }
0x28e: {  	[tilespmem:s25], [sflag:$0x2] =	stream.indirect_vreg.gather [hbm4b:s5+s3], $0x80, v3, vm0, $0xb8;
	[tilespmem:$0x18400] =	vst v63  }
0x28f: {  	s24 =	simm.s32 $0xBC00  }
0x290: {  	[tilespmem:s24], [sflag:$0x2] =	stream.indirect_vreg.gather [hbm4b:s6+s3], $0x80, v3, vm0, $0xb8;
	[tilespmem:$0x18400] =	vst v63  }
0x291: {  	_ =	swait.ge [sflag:s13], $0x6000  }
0x292: {  	[sflag:s13] =	ssyncset.done $0x0  }
0x293: {  	s19 =	simm.s32 $0xC400;
	s25 =	rddreg [dreg:$0xe];
	[sflag:s13] =	ssyncadd.s32 $0xFFFFA000  }
0x294: {  	[hbm4b:s25+s3] =	stream.linear.scatter [tilespmem:s19], [sflag:$0x7], $0x6000, $0x38;
	[tilespmem:$0x18400] =	vst v63  }
0x295: {  	_ =	swait.ge [sflag:s14], $0x6000  }
0x296: {  	[sflag:s14] =	ssyncset.done $0x0  }
0x297: {  	[sflag:s14] =	ssyncadd.s32 $0xFFFFA000  }
0x298: {  	v3 =	vld [tilespmem:$0x1C0];
	_ =	sdelay $0x4  }
0x299: {  	v28 =	vshrl.u32 v3, $0x3  }
0x29a: {  	v4 =	vmul.u32 $0x30, v28  }
0x29b: {  	v3 =	vand.u32 $0x7, v3  }
0x29c: {  	v3 =	vor.u32 v3, v4  }
0x29d: {  	v4 =	vperm.xlane v3, v0;
	_ =	sdelay $0x1  }
0x29e: {  	v4 =	vadd.s32 v1, v4;
	_ =	sdelay $0x3  }
0x29f: {  	v3 =	vperm.xlane v3, v2  }
0x2a0: {  	[tilespmem:s19], [sflag:$0x3] =	stream.indirect_vreg.gather [hbm4b:s2+s3], $0x80, v4, vm0, $0xb8;
	[tilespmem:$0x18400] =	vst v63  }
0x2a1: {  	s26 =	simm.s32 $0xCC00;
	v3 =	vadd.s32 v1, v3  }
0x2a2: {  	[tilespmem:s26], [sflag:$0x3] =	stream.indirect_vreg.gather [hbm4b:s5+s3], $0x80, v4, vm0, $0xb8;
	[tilespmem:$0x18400] =	vst v63  }
0x2a3: {  	s28 =	simm.s32 $0xD400  }
0x2a4: {  	[tilespmem:s28], [sflag:$0x3] =	stream.indirect_vreg.gather [hbm4b:s6+s3], $0x80, v4, vm0, $0xb8;
	[tilespmem:$0x18400] =	vst v63  }
0x2a5: {  	s31 =	simm.s32 $0xDC00  }
0x2a6: {  	[tilespmem:s31], [sflag:$0x3] =	stream.indirect_vreg.gather [hbm4b:s2+s3], $0x80, v3, vm0, $0xb8;
	[tilespmem:$0x18400] =	vst v63  }
0x2a7: {  	s23 =	simm.s32 $0xE400  }
0x2a8: {  	[tilespmem:s23], [sflag:$0x3] =	stream.indirect_vreg.gather [hbm4b:s5+s3], $0x80, v3, vm0, $0xb8;
	[tilespmem:$0x18400] =	vst v63  }
0x2a9: {  	s24 =	simm.s32 $0xEC00  }
0x2aa: {  	[tilespmem:s24], [sflag:$0x3] =	stream.indirect_vreg.gather [hbm4b:s6+s3], $0x80, v3, vm0, $0xb8;
	[tilespmem:$0x18400] =	vst v63  }
0x2ab: {  	v3 =	vld [tilespmem:$0x1D0];
	_ =	sdelay $0x4  }
0x2ac: {  	v29 =	vshrl.u32 v3, $0x3  }
0x2ad: {  	v4 =	vmul.u32 $0x30, v29  }
0x2ae: {  	v3 =	vand.u32 $0x7, v3  }
0x2af: {  	v3 =	vor.u32 v3, v4  }
0x2b0: {  	v4 =	vperm.xlane v3, v0;
	_ =	sdelay $0x1  }
0x2b1: {  	v4 =	vadd.s32 v1, v4;
	_ =	sdelay $0x3  }
0x2b2: {  	s25 =	simm.s32 $0xF400;
	v3 =	vperm.xlane v3, v2  }
0x2b3: {  	[tilespmem:s25], [sflag:$0x3] =	stream.indirect_vreg.gather [hbm4b:s2+s3], $0x80, v4, vm0, $0xb8;
	[tilespmem:$0x18400] =	vst v63  }
0x2b4: {  	s26 =	simm.s32 $0xFC00;
	v3 =	vadd.s32 v1, v3  }
0x2b5: {  	[tilespmem:s26], [sflag:$0x3] =	stream.indirect_vreg.gather [hbm4b:s5+s3], $0x80, v4, vm0, $0xb8;
	[tilespmem:$0x18400] =	vst v63  }
0x2b6: {  	s28 =	simm.s32 $0x10400  }
0x2b7: {  	[tilespmem:s28], [sflag:$0x3] =	stream.indirect_vreg.gather [hbm4b:s6+s3], $0x80, v4, vm0, $0xb8;
	[tilespmem:$0x18400] =	vst v63  }
0x2b8: {  	s7 =	simm.s32 $0x10C00  }
0x2b9: {  	[tilespmem:s7], [sflag:$0x3] =	stream.indirect_vreg.gather [hbm4b:s2+s3], $0x80, v3, vm0, $0xb8;
	[tilespmem:$0x18400] =	vst v63  }
0x2ba: {  	s9 =	simm.s32 $0x11400  }
0x2bb: {  	[tilespmem:s9], [sflag:$0x3] =	stream.indirect_vreg.gather [hbm4b:s5+s3], $0x80, v3, vm0, $0xb8;
	[tilespmem:$0x18400] =	vst v63  }
0x2bc: {  	s17 =	simm.s32 $0x11C00  }
0x2bd: {  	[tilespmem:s17], [sflag:$0x3] =	stream.indirect_vreg.gather [hbm4b:s6+s3], $0x80, v3, vm0, $0xb8;
	[tilespmem:$0x18400] =	vst v63  }
0x2be: {  	_ =	swait.ge [sflag:s15], $0x6000  }
0x2bf: {  	[sflag:s15] =	ssyncset.done $0x0  }
0x2c0: {  	s1 =	simm.s32 $0x12400;
	s9 =	rddreg [dreg:$0xf];
	[sflag:s15] =	ssyncadd.s32 $0xFFFFA000  }
0x2c1: {  	[hbm4b:s9+s3] =	stream.linear.scatter [tilespmem:s1], [sflag:$0x8], $0x6000, $0x38;
	[tilespmem:$0x18400] =	vst v63  }
0x2c2: {  	_ =	swait.ge [sflag:s16], $0x6000  }
0x2c3: {  	[sflag:s16] =	ssyncset.done $0x0  }
0x2c4: {  	[sflag:s16] =	ssyncadd.s32 $0xFFFFA000  }
0x2c5: {  	v3 =	vld [tilespmem:$0x1E0];
	_ =	sdelay $0x4  }
0x2c6: {  	v30 =	vshrl.u32 v3, $0x3  }
0x2c7: {  	v4 =	vmul.u32 $0x30, v30  }
0x2c8: {  	v3 =	vand.u32 $0x7, v3  }
0x2c9: {  	v3 =	vor.u32 v3, v4  }
0x2ca: {  	v4 =	vperm.xlane v3, v0;
	_ =	sdelay $0x1  }
0x2cb: {  	v4 =	vadd.s32 v1, v4;
	_ =	sdelay $0x3  }
0x2cc: {  	v3 =	vperm.xlane v3, v2  }
0x2cd: {  	[tilespmem:s1], [sflag:$0x4] =	stream.indirect_vreg.gather [hbm4b:s2+s3], $0x80, v4, vm0, $0xb8;
	[tilespmem:$0x18400] =	vst v63  }
0x2ce: {  	s22 =	simm.s32 $0x12C00;
	v3 =	vadd.s32 v1, v3  }
0x2cf: {  	[tilespmem:s22], [sflag:$0x4] =	stream.indirect_vreg.gather [hbm4b:s5+s3], $0x80, v4, vm0, $0xb8;
	[tilespmem:$0x18400] =	vst v63  }
0x2d0: {  	s29 =	simm.s32 $0x13400  }
0x2d1: {  	[tilespmem:s29], [sflag:$0x4] =	stream.indirect_vreg.gather [hbm4b:s6+s3], $0x80, v4, vm0, $0xb8;
	[tilespmem:$0x18400] =	vst v63  }
0x2d2: {  	s30 =	simm.s32 $0x13C00  }
0x2d3: {  	[tilespmem:s30], [sflag:$0x4] =	stream.indirect_vreg.gather [hbm4b:s2+s3], $0x80, v3, vm0, $0xb8;
	[tilespmem:$0x18400] =	vst v63  }
0x2d4: {  	s29 =	simm.s32 $0x14400  }
0x2d5: {  	[tilespmem:s29], [sflag:$0x4] =	stream.indirect_vreg.gather [hbm4b:s5+s3], $0x80, v3, vm0, $0xb8;
	[tilespmem:$0x18400] =	vst v63  }
0x2d6: {  	s30 =	simm.s32 $0x14C00  }
0x2d7: {  	[tilespmem:s30], [sflag:$0x4] =	stream.indirect_vreg.gather [hbm4b:s6+s3], $0x80, v3, vm0, $0xb8;
	[tilespmem:$0x18400] =	vst v63  }
0x2d8: {  	v3 =	vld [tilespmem:$0x1F0];
	_ =	sdelay $0x4  }
0x2d9: {  	v31 =	vshrl.u32 v3, $0x3  }
0x2da: {  	v4 =	vmul.u32 $0x30, v31  }
0x2db: {  	v3 =	vand.u32 $0x7, v3  }
0x2dc: {  	v3 =	vor.u32 v3, v4  }
0x2dd: {  	v4 =	vperm.xlane v3, v0;
	_ =	sdelay $0x1  }
0x2de: {  	v4 =	vadd.s32 v1, v4;
	_ =	sdelay $0x3  }
0x2df: {  	s30 =	simm.s32 $0x15400;
	v3 =	vperm.xlane v3, v2  }
0x2e0: {  	[tilespmem:s30], [sflag:$0x4] =	stream.indirect_vreg.gather [hbm4b:s2+s3], $0x80, v4, vm0, $0xb8;
	[tilespmem:$0x18400] =	vst v63  }
0x2e1: {  	v3 =	vadd.s32 v1, v3;
	s30 =	simm.s32 $0x15C00  }
0x2e2: {  	[tilespmem:s30], [sflag:$0x4] =	stream.indirect_vreg.gather [hbm4b:s5+s3], $0x80, v4, vm0, $0xb8;
	[tilespmem:$0x18400] =	vst v63  }
0x2e3: {  	s17 =	simm.s32 $0x16400  }
0x2e4: {  	[tilespmem:s17], [sflag:$0x4] =	stream.indirect_vreg.gather [hbm4b:s6+s3], $0x80, v4, vm0, $0xb8;
	[tilespmem:$0x18400] =	vst v63  }
0x2e5: {  	s17 =	simm.s32 $0x16C00  }
0x2e6: {  	[tilespmem:s17], [sflag:$0x4] =	stream.indirect_vreg.gather [hbm4b:s2+s3], $0x80, v3, vm0, $0xb8;
	[tilespmem:$0x18400] =	vst v63  }
0x2e7: {  	s17 =	simm.s32 $0x17400  }
0x2e8: {  	[tilespmem:s17], [sflag:$0x4] =	stream.indirect_vreg.gather [hbm4b:s5+s3], $0x80, v3, vm0, $0xb8;
	[tilespmem:$0x18400] =	vst v63  }
0x2e9: {  	s17 =	simm.s32 $0x17C00  }
0x2ea: {  	[tilespmem:s17], [sflag:$0x4] =	stream.indirect_vreg.gather [hbm4b:s6+s3], $0x80, v3, vm0, $0xb8;
	[tilespmem:$0x18400] =	vst v63  }
0x2eb: {  	_ =	swait.ge [sflag:s4], $0x6000  }
0x2ec: {  	[sflag:s4] =	ssyncset.done $0x0  }
0x2ed: {  	s0 =	simm.s32 $0x400;
	s17 =	rddreg [dreg:$0x10];
	[sflag:s4] =	ssyncadd.s32 $0xFFFFA000  }
0x2ee: {  	[hbm4b:s17+s3] =	stream.linear.scatter [tilespmem:s0], [sflag:$0x5], $0x6000, $0x38;
	[tilespmem:$0x18400] =	vst v63  }
0x2ef: {  	_ =	swait.ge [sflag:s10], $0x6000  }
0x2f0: {  	[sflag:s10] =	ssyncset.done $0x0  }
0x2f1: {  	[sflag:s10] =	ssyncadd.s32 $0xFFFFA000  }
0x2f2: {  	v3 =	vld [tilespmem:$0x200];
	_ =	sdelay $0x4  }
0x2f3: {  	v32 =	vshrl.u32 v3, $0x3  }
0x2f4: {  	v4 =	vmul.u32 $0x30, v32  }
0x2f5: {  	v3 =	vand.u32 $0x7, v3  }
0x2f6: {  	v3 =	vor.u32 v3, v4  }
0x2f7: {  	v4 =	vperm.xlane v3, v0;
	_ =	sdelay $0x1  }
0x2f8: {  	v4 =	vadd.s32 v1, v4;
	_ =	sdelay $0x3  }
0x2f9: {  	v3 =	vperm.xlane v3, v2  }
0x2fa: {  	[tilespmem:s0], [sflag:$0x1] =	stream.indirect_vreg.gather [hbm4b:s2+s3], $0x80, v4, vm0, $0xb8;
	[tilespmem:$0x18400] =	vst v63  }
0x2fb: {  	s20 =	simm.s32 $0xC00;
	v3 =	vadd.s32 v1, v3  }
0x2fc: {  	[tilespmem:s20], [sflag:$0x1] =	stream.indirect_vreg.gather [hbm4b:s5+s3], $0x80, v4, vm0, $0xb8;
	[tilespmem:$0x18400] =	vst v63  }
0x2fd: {  	s21 =	simm.s32 $0x1400  }
0x2fe: {  	[tilespmem:s21], [sflag:$0x1] =	stream.indirect_vreg.gather [hbm4b:s6+s3], $0x80, v4, vm0, $0xb8;
	[tilespmem:$0x18400] =	vst v63  }
0x2ff: {  	s17 =	simm.s32 $0x1C00  }
0x300: {  	[tilespmem:s17], [sflag:$0x1] =	stream.indirect_vreg.gather [hbm4b:s2+s3], $0x80, v3, vm0, $0xb8;
	[tilespmem:$0x18400] =	vst v63  }
0x301: {  	s17 =	simm.s32 $0x2400  }
0x302: {  	[tilespmem:s17], [sflag:$0x1] =	stream.indirect_vreg.gather [hbm4b:s5+s3], $0x80, v3, vm0, $0xb8;
	[tilespmem:$0x18400] =	vst v63  }
0x303: {  	s17 =	simm.s32 $0x2C00  }
0x304: {  	[tilespmem:s17], [sflag:$0x1] =	stream.indirect_vreg.gather [hbm4b:s6+s3], $0x80, v3, vm0, $0xb8;
	[tilespmem:$0x18400] =	vst v63  }
0x305: {  	v3 =	vld [tilespmem:$0x210];
	_ =	sdelay $0x4  }
0x306: {  	v33 =	vshrl.u32 v3, $0x3  }
0x307: {  	v4 =	vmul.u32 $0x30, v33  }
0x308: {  	v3 =	vand.u32 $0x7, v3  }
0x309: {  	v3 =	vor.u32 v3, v4  }
0x30a: {  	v4 =	vperm.xlane v3, v0;
	_ =	sdelay $0x1  }
0x30b: {  	v4 =	vadd.s32 v1, v4;
	_ =	sdelay $0x3  }
0x30c: {  	s17 =	simm.s32 $0x3400;
	v3 =	vperm.xlane v3, v2  }
0x30d: {  	[tilespmem:s17], [sflag:$0x1] =	stream.indirect_vreg.gather [hbm4b:s2+s3], $0x80, v4, vm0, $0xb8;
	[tilespmem:$0x18400] =	vst v63  }
0x30e: {  	s18 =	simm.s32 $0x3C00;
	v3 =	vadd.s32 v1, v3  }
0x30f: {  	[tilespmem:s18], [sflag:$0x1] =	stream.indirect_vreg.gather [hbm4b:s5+s3], $0x80, v4, vm0, $0xb8;
	[tilespmem:$0x18400] =	vst v63  }
0x310: {  	s17 =	simm.s32 $0x4400  }
0x311: {  	[tilespmem:s17], [sflag:$0x1] =	stream.indirect_vreg.gather [hbm4b:s6+s3], $0x80, v4, vm0, $0xb8;
	[tilespmem:$0x18400] =	vst v63  }
0x312: {  	s17 =	simm.s32 $0x4C00  }
0x313: {  	[tilespmem:s17], [sflag:$0x1] =	stream.indirect_vreg.gather [hbm4b:s2+s3], $0x80, v3, vm0, $0xb8;
	[tilespmem:$0x18400] =	vst v63  }
0x314: {  	s17 =	simm.s32 $0x5400  }
0x315: {  	[tilespmem:s17], [sflag:$0x1] =	stream.indirect_vreg.gather [hbm4b:s5+s3], $0x80, v3, vm0, $0xb8;
	[tilespmem:$0x18400] =	vst v63  }
0x316: {  	s17 =	simm.s32 $0x5C00  }
0x317: {  	[tilespmem:s17], [sflag:$0x1] =	stream.indirect_vreg.gather [hbm4b:s6+s3], $0x80, v3, vm0, $0xb8;
	[tilespmem:$0x18400] =	vst v63  }
0x318: {  	_ =	swait.ge [sflag:s11], $0x6000  }
0x319: {  	[sflag:s11] =	ssyncset.done $0x0  }
0x31a: {  	s17 =	rddreg [dreg:$0x11];
	[sflag:s11] =	ssyncadd.s32 $0xFFFFA000  }
0x31b: {  	[hbm4b:s17+s3] =	stream.linear.scatter [tilespmem:s8], [sflag:$0x6], $0x6000, $0x38;
	[tilespmem:$0x18400] =	vst v63  }
0x31c: {  	_ =	swait.ge [sflag:s12], $0x6000  }
0x31d: {  	[sflag:s12] =	ssyncset.done $0x0  }
0x31e: {  	[sflag:s12] =	ssyncadd.s32 $0xFFFFA000  }
0x31f: {  	v3 =	vld [tilespmem:$0x220];
	_ =	sdelay $0x4  }
0x320: {  	v34 =	vshrl.u32 v3, $0x3  }
0x321: {  	v4 =	vmul.u32 $0x30, v34  }
0x322: {  	v3 =	vand.u32 $0x7, v3  }
0x323: {  	v3 =	vor.u32 v3, v4  }
0x324: {  	v4 =	vperm.xlane v3, v0;
	_ =	sdelay $0x1  }
0x325: {  	v4 =	vadd.s32 v1, v4;
	_ =	sdelay $0x3  }
0x326: {  	v3 =	vperm.xlane v3, v2  }
0x327: {  	[tilespmem:s8], [sflag:$0x2] =	stream.indirect_vreg.gather [hbm4b:s2+s3], $0x80, v4, vm0, $0xb8;
	[tilespmem:$0x18400] =	vst v63  }
0x328: {  	s17 =	simm.s32 $0x6C00;
	v3 =	vadd.s32 v1, v3  }
0x329: {  	[tilespmem:s17], [sflag:$0x2] =	stream.indirect_vreg.gather [hbm4b:s5+s3], $0x80, v4, vm0, $0xb8;
	[tilespmem:$0x18400] =	vst v63  }
0x32a: {  	s17 =	simm.s32 $0x7400  }
0x32b: {  	[tilespmem:s17], [sflag:$0x2] =	stream.indirect_vreg.gather [hbm4b:s6+s3], $0x80, v4, vm0, $0xb8;
	[tilespmem:$0x18400] =	vst v63  }
0x32c: {  	s17 =	simm.s32 $0x7C00  }
0x32d: {  	[tilespmem:s17], [sflag:$0x2] =	stream.indirect_vreg.gather [hbm4b:s2+s3], $0x80, v3, vm0, $0xb8;
	[tilespmem:$0x18400] =	vst v63  }
0x32e: {  	s17 =	simm.s32 $0x8400  }
0x32f: {  	[tilespmem:s17], [sflag:$0x2] =	stream.indirect_vreg.gather [hbm4b:s5+s3], $0x80, v3, vm0, $0xb8;
	[tilespmem:$0x18400] =	vst v63  }
0x330: {  	s17 =	simm.s32 $0x8C00  }
0x331: {  	[tilespmem:s17], [sflag:$0x2] =	stream.indirect_vreg.gather [hbm4b:s6+s3], $0x80, v3, vm0, $0xb8;
	[tilespmem:$0x18400] =	vst v63  }
0x332: {  	v3 =	vld [tilespmem:$0x230];
	_ =	sdelay $0x4  }
0x333: {  	v35 =	vshrl.u32 v3, $0x3  }
0x334: {  	v4 =	vmul.u32 $0x30, v35  }
0x335: {  	v3 =	vand.u32 $0x7, v3  }
0x336: {  	v3 =	vor.u32 v3, v4  }
0x337: {  	v4 =	vperm.xlane v3, v0;
	_ =	sdelay $0x1  }
0x338: {  	v4 =	vadd.s32 v1, v4;
	_ =	sdelay $0x3  }
0x339: {  	s17 =	simm.s32 $0x9400;
	v3 =	vperm.xlane v3, v2  }
0x33a: {  	[tilespmem:s17], [sflag:$0x2] =	stream.indirect_vreg.gather [hbm4b:s2+s3], $0x80, v4, vm0, $0xb8;
	[tilespmem:$0x18400] =	vst v63  }
0x33b: {  	v3 =	vadd.s32 v1, v3;
	s17 =	simm.s32 $0x9C00  }
0x33c: {  	[tilespmem:s17], [sflag:$0x2] =	stream.indirect_vreg.gather [hbm4b:s5+s3], $0x80, v4, vm0, $0xb8;
	[tilespmem:$0x18400] =	vst v63  }
0x33d: {  	s17 =	simm.s32 $0xA400  }
0x33e: {  	[tilespmem:s17], [sflag:$0x2] =	stream.indirect_vreg.gather [hbm4b:s6+s3], $0x80, v4, vm0, $0xb8;
	[tilespmem:$0x18400] =	vst v63  }
0x33f: {  	s17 =	simm.s32 $0xAC00  }
0x340: {  	[tilespmem:s17], [sflag:$0x2] =	stream.indirect_vreg.gather [hbm4b:s2+s3], $0x80, v3, vm0, $0xb8;
	[tilespmem:$0x18400] =	vst v63  }
0x341: {  	s17 =	simm.s32 $0xB400  }
0x342: {  	[tilespmem:s17], [sflag:$0x2] =	stream.indirect_vreg.gather [hbm4b:s5+s3], $0x80, v3, vm0, $0xb8;
	[tilespmem:$0x18400] =	vst v63  }
0x343: {  	s17 =	simm.s32 $0xBC00  }
0x344: {  	[tilespmem:s17], [sflag:$0x2] =	stream.indirect_vreg.gather [hbm4b:s6+s3], $0x80, v3, vm0, $0xb8;
	[tilespmem:$0x18400] =	vst v63  }
0x345: {  	_ =	swait.ge [sflag:s13], $0x6000  }
0x346: {  	[sflag:s13] =	ssyncset.done $0x0  }
0x347: {  	s17 =	rddreg [dreg:$0x12];
	[sflag:s13] =	ssyncadd.s32 $0xFFFFA000  }
0x348: {  	[hbm4b:s17+s3] =	stream.linear.scatter [tilespmem:s19], [sflag:$0x7], $0x6000, $0x38;
	[tilespmem:$0x18400] =	vst v63  }
0x349: {  	_ =	swait.ge [sflag:s14], $0x6000  }
0x34a: {  	[sflag:s14] =	ssyncset.done $0x0  }
0x34b: {  	[sflag:s14] =	ssyncadd.s32 $0xFFFFA000  }
0x34c: {  	v3 =	vld [tilespmem:$0x240];
	_ =	sdelay $0x4  }
0x34d: {  	v36 =	vshrl.u32 v3, $0x3  }
0x34e: {  	v4 =	vmul.u32 $0x30, v36  }
0x34f: {  	v3 =	vand.u32 $0x7, v3  }
0x350: {  	v3 =	vor.u32 v3, v4  }
0x351: {  	v4 =	vperm.xlane v3, v0;
	_ =	sdelay $0x1  }
0x352: {  	v4 =	vadd.s32 v1, v4;
	_ =	sdelay $0x3  }
0x353: {  	v3 =	vperm.xlane v3, v2  }
0x354: {  	[tilespmem:s19], [sflag:$0x3] =	stream.indirect_vreg.gather [hbm4b:s2+s3], $0x80, v4, vm0, $0xb8;
	[tilespmem:$0x18400] =	vst v63  }
0x355: {  	s17 =	simm.s32 $0xCC00;
	v3 =	vadd.s32 v1, v3  }
0x356: {  	[tilespmem:s17], [sflag:$0x3] =	stream.indirect_vreg.gather [hbm4b:s5+s3], $0x80, v4, vm0, $0xb8;
	[tilespmem:$0x18400] =	vst v63  }
0x357: {  	s17 =	simm.s32 $0xD400  }
0x358: {  	[tilespmem:s17], [sflag:$0x3] =	stream.indirect_vreg.gather [hbm4b:s6+s3], $0x80, v4, vm0, $0xb8;
	[tilespmem:$0x18400] =	vst v63  }
0x359: {  	s31 =	simm.s32 $0xDC00  }
0x35a: {  	[tilespmem:s31], [sflag:$0x3] =	stream.indirect_vreg.gather [hbm4b:s2+s3], $0x80, v3, vm0, $0xb8;
	[tilespmem:$0x18400] =	vst v63  }
0x35b: {  	s23 =	simm.s32 $0xE400  }
0x35c: {  	[tilespmem:s23], [sflag:$0x3] =	stream.indirect_vreg.gather [hbm4b:s5+s3], $0x80, v3, vm0, $0xb8;
	[tilespmem:$0x18400] =	vst v63  }
0x35d: {  	s23 =	simm.s32 $0xEC00  }
0x35e: {  	[tilespmem:s23], [sflag:$0x3] =	stream.indirect_vreg.gather [hbm4b:s6+s3], $0x80, v3, vm0, $0xb8;
	[tilespmem:$0x18400] =	vst v63  }
0x35f: {  	v3 =	vld [tilespmem:$0x250];
	_ =	sdelay $0x4  }
0x360: {  	v37 =	vshrl.u32 v3, $0x3  }
0x361: {  	v4 =	vmul.u32 $0x30, v37  }
0x362: {  	v3 =	vand.u32 $0x7, v3  }
0x363: {  	v3 =	vor.u32 v3, v4  }
0x364: {  	v4 =	vperm.xlane v3, v0;
	_ =	sdelay $0x1  }
0x365: {  	v4 =	vadd.s32 v1, v4;
	_ =	sdelay $0x3  }
0x366: {  	s23 =	simm.s32 $0xF400;
	v3 =	vperm.xlane v3, v2  }
0x367: {  	[tilespmem:s23], [sflag:$0x3] =	stream.indirect_vreg.gather [hbm4b:s2+s3], $0x80, v4, vm0, $0xb8;
	[tilespmem:$0x18400] =	vst v63  }
0x368: {  	s24 =	simm.s32 $0xFC00;
	v3 =	vadd.s32 v1, v3  }
0x369: {  	[tilespmem:s24], [sflag:$0x3] =	stream.indirect_vreg.gather [hbm4b:s5+s3], $0x80, v4, vm0, $0xb8;
	[tilespmem:$0x18400] =	vst v63  }
0x36a: {  	s25 =	simm.s32 $0x10400  }
0x36b: {  	[tilespmem:s25], [sflag:$0x3] =	stream.indirect_vreg.gather [hbm4b:s6+s3], $0x80, v4, vm0, $0xb8;
	[tilespmem:$0x18400] =	vst v63  }
0x36c: {  	s26 =	simm.s32 $0x10C00  }
0x36d: {  	[tilespmem:s26], [sflag:$0x3] =	stream.indirect_vreg.gather [hbm4b:s2+s3], $0x80, v3, vm0, $0xb8;
	[tilespmem:$0x18400] =	vst v63  }
0x36e: {  	s28 =	simm.s32 $0x11400  }
0x36f: {  	[tilespmem:s28], [sflag:$0x3] =	stream.indirect_vreg.gather [hbm4b:s5+s3], $0x80, v3, vm0, $0xb8;
	[tilespmem:$0x18400] =	vst v63  }
0x370: {  	s28 =	simm.s32 $0x11C00  }
0x371: {  	[tilespmem:s28], [sflag:$0x3] =	stream.indirect_vreg.gather [hbm4b:s6+s3], $0x80, v3, vm0, $0xb8;
	[tilespmem:$0x18400] =	vst v63  }
0x372: {  	_ =	swait.ge [sflag:s15], $0x6000  }
0x373: {  	[sflag:s15] =	ssyncset.done $0x0  }
0x374: {  	s28 =	rddreg [dreg:$0x13];
	[sflag:s15] =	ssyncadd.s32 $0xFFFFA000  }
0x375: {  	[hbm4b:s28+s3] =	stream.linear.scatter [tilespmem:s1], [sflag:$0x8], $0x6000, $0x38;
	[tilespmem:$0x18400] =	vst v63  }
0x376: {  	_ =	swait.ge [sflag:s16], $0x6000  }
0x377: {  	[sflag:s16] =	ssyncset.done $0x0  }
0x378: {  	[sflag:s16] =	ssyncadd.s32 $0xFFFFA000  }
0x379: {  	v3 =	vld [tilespmem:$0x260];
	_ =	sdelay $0x4  }
0x37a: {  	v38 =	vshrl.u32 v3, $0x3  }
0x37b: {  	v4 =	vmul.u32 $0x30, v38  }
0x37c: {  	v3 =	vand.u32 $0x7, v3  }
0x37d: {  	v3 =	vor.u32 v3, v4  }
0x37e: {  	v4 =	vperm.xlane v3, v0;
	_ =	sdelay $0x1  }
0x37f: {  	v4 =	vadd.s32 v1, v4;
	_ =	sdelay $0x3  }
0x380: {  	v3 =	vperm.xlane v3, v2  }
0x381: {  	[tilespmem:s1], [sflag:$0x4] =	stream.indirect_vreg.gather [hbm4b:s2+s3], $0x80, v4, vm0, $0xb8;
	[tilespmem:$0x18400] =	vst v63  }
0x382: {  	s7 =	simm.s32 $0x12C00;
	v3 =	vadd.s32 v1, v3  }
0x383: {  	[tilespmem:s7], [sflag:$0x4] =	stream.indirect_vreg.gather [hbm4b:s5+s3], $0x80, v4, vm0, $0xb8;
	[tilespmem:$0x18400] =	vst v63  }
0x384: {  	s9 =	simm.s32 $0x13400  }
0x385: {  	[tilespmem:s9], [sflag:$0x4] =	stream.indirect_vreg.gather [hbm4b:s6+s3], $0x80, v4, vm0, $0xb8;
	[tilespmem:$0x18400] =	vst v63  }
0x386: {  	s22 =	simm.s32 $0x13C00  }
0x387: {  	[tilespmem:s22], [sflag:$0x4] =	stream.indirect_vreg.gather [hbm4b:s2+s3], $0x80, v3, vm0, $0xb8;
	[tilespmem:$0x18400] =	vst v63  }
0x388: {  	s29 =	simm.s32 $0x14400  }
0x389: {  	[tilespmem:s29], [sflag:$0x4] =	stream.indirect_vreg.gather [hbm4b:s5+s3], $0x80, v3, vm0, $0xb8;
	[tilespmem:$0x18400] =	vst v63  }
0x38a: {  	s29 =	simm.s32 $0x14C00  }
0x38b: {  	[tilespmem:s29], [sflag:$0x4] =	stream.indirect_vreg.gather [hbm4b:s6+s3], $0x80, v3, vm0, $0xb8;
	[tilespmem:$0x18400] =	vst v63  }
0x38c: {  	v3 =	vld [tilespmem:$0x270];
	_ =	sdelay $0x4  }
0x38d: {  	v39 =	vshrl.u32 v3, $0x3  }
0x38e: {  	v4 =	vmul.u32 $0x30, v39  }
0x38f: {  	v3 =	vand.u32 $0x7, v3  }
0x390: {  	v3 =	vor.u32 v3, v4  }
0x391: {  	v4 =	vperm.xlane v3, v0;
	_ =	sdelay $0x1  }
0x392: {  	v4 =	vadd.s32 v1, v4;
	_ =	sdelay $0x3  }
0x393: {  	s29 =	simm.s32 $0x15400;
	v3 =	vperm.xlane v3, v2  }
0x394: {  	[tilespmem:s29], [sflag:$0x4] =	stream.indirect_vreg.gather [hbm4b:s2+s3], $0x80, v4, vm0, $0xb8;
	[tilespmem:$0x18400] =	vst v63  }
0x395: {  	s30 =	simm.s32 $0x15C00;
	v3 =	vadd.s32 v1, v3  }
0x396: {  	[tilespmem:s30], [sflag:$0x4] =	stream.indirect_vreg.gather [hbm4b:s5+s3], $0x80, v4, vm0, $0xb8;
	[tilespmem:$0x18400] =	vst v63  }
0x397: {  	s30 =	simm.s32 $0x16400  }
0x398: {  	[tilespmem:s30], [sflag:$0x4] =	stream.indirect_vreg.gather [hbm4b:s6+s3], $0x80, v4, vm0, $0xb8;
	[tilespmem:$0x18400] =	vst v63  }
0x399: {  	s17 =	simm.s32 $0x16C00  }
0x39a: {  	[tilespmem:s17], [sflag:$0x4] =	stream.indirect_vreg.gather [hbm4b:s2+s3], $0x80, v3, vm0, $0xb8;
	[tilespmem:$0x18400] =	vst v63  }
0x39b: {  	s17 =	simm.s32 $0x17400  }
0x39c: {  	[tilespmem:s17], [sflag:$0x4] =	stream.indirect_vreg.gather [hbm4b:s5+s3], $0x80, v3, vm0, $0xb8;
	[tilespmem:$0x18400] =	vst v63  }
0x39d: {  	s17 =	simm.s32 $0x17C00  }
0x39e: {  	[tilespmem:s17], [sflag:$0x4] =	stream.indirect_vreg.gather [hbm4b:s6+s3], $0x80, v3, vm0, $0xb8;
	[tilespmem:$0x18400] =	vst v63  }
0x39f: {  	_ =	swait.ge [sflag:s4], $0x6000  }
0x3a0: {  	[sflag:s4] =	ssyncset.done $0x0  }
0x3a1: {  	s17 =	rddreg [dreg:$0x14];
	[sflag:s4] =	ssyncadd.s32 $0xFFFFA000  }
0x3a2: {  	[hbm4b:s17+s3] =	stream.linear.scatter [tilespmem:s0], [sflag:$0x5], $0x6000, $0x38;
	[tilespmem:$0x18400] =	vst v63  }
0x3a3: {  	_ =	swait.ge [sflag:s10], $0x6000  }
0x3a4: {  	[sflag:s10] =	ssyncset.done $0x0  }
0x3a5: {  	[sflag:s10] =	ssyncadd.s32 $0xFFFFA000  }
0x3a6: {  	v3 =	vld [tilespmem:$0x280];
	_ =	sdelay $0x4  }
0x3a7: {  	v40 =	vshrl.u32 v3, $0x3  }
0x3a8: {  	v4 =	vmul.u32 $0x30, v40  }
0x3a9: {  	v3 =	vand.u32 $0x7, v3  }
0x3aa: {  	v3 =	vor.u32 v3, v4  }
0x3ab: {  	v4 =	vperm.xlane v3, v0;
	_ =	sdelay $0x1  }
0x3ac: {  	v4 =	vadd.s32 v1, v4;
	_ =	sdelay $0x3  }
0x3ad: {  	v3 =	vperm.xlane v3, v2  }
0x3ae: {  	[tilespmem:s0], [sflag:$0x1] =	stream.indirect_vreg.gather [hbm4b:s2+s3], $0x80, v4, vm0, $0xb8;
	[tilespmem:$0x18400] =	vst v63  }
0x3af: {  	s20 =	simm.s32 $0xC00;
	v3 =	vadd.s32 v1, v3  }
0x3b0: {  	[tilespmem:s20], [sflag:$0x1] =	stream.indirect_vreg.gather [hbm4b:s5+s3], $0x80, v4, vm0, $0xb8;
	[tilespmem:$0x18400] =	vst v63  }
0x3b1: {  	s21 =	simm.s32 $0x1400  }
0x3b2: {  	[tilespmem:s21], [sflag:$0x1] =	stream.indirect_vreg.gather [hbm4b:s6+s3], $0x80, v4, vm0, $0xb8;
	[tilespmem:$0x18400] =	vst v63  }
0x3b3: {  	s17 =	simm.s32 $0x1C00  }
0x3b4: {  	[tilespmem:s17], [sflag:$0x1] =	stream.indirect_vreg.gather [hbm4b:s2+s3], $0x80, v3, vm0, $0xb8;
	[tilespmem:$0x18400] =	vst v63  }
0x3b5: {  	s17 =	simm.s32 $0x2400  }
0x3b6: {  	[tilespmem:s17], [sflag:$0x1] =	stream.indirect_vreg.gather [hbm4b:s5+s3], $0x80, v3, vm0, $0xb8;
	[tilespmem:$0x18400] =	vst v63  }
0x3b7: {  	s17 =	simm.s32 $0x2C00  }
0x3b8: {  	[tilespmem:s17], [sflag:$0x1] =	stream.indirect_vreg.gather [hbm4b:s6+s3], $0x80, v3, vm0, $0xb8;
	[tilespmem:$0x18400] =	vst v63  }
0x3b9: {  	v3 =	vld [tilespmem:$0x290];
	_ =	sdelay $0x4  }
0x3ba: {  	v41 =	vshrl.u32 v3, $0x3  }
0x3bb: {  	v4 =	vmul.u32 $0x30, v41  }
0x3bc: {  	v3 =	vand.u32 $0x7, v3  }
0x3bd: {  	v3 =	vor.u32 v3, v4  }
0x3be: {  	v4 =	vperm.xlane v3, v0;
	_ =	sdelay $0x1  }
0x3bf: {  	v4 =	vadd.s32 v1, v4;
	_ =	sdelay $0x3  }
0x3c0: {  	s17 =	simm.s32 $0x3400;
	v3 =	vperm.xlane v3, v2  }
0x3c1: {  	[tilespmem:s17], [sflag:$0x1] =	stream.indirect_vreg.gather [hbm4b:s2+s3], $0x80, v4, vm0, $0xb8;
	[tilespmem:$0x18400] =	vst v63  }
0x3c2: {  	s18 =	simm.s32 $0x3C00;
	v3 =	vadd.s32 v1, v3  }
0x3c3: {  	[tilespmem:s18], [sflag:$0x1] =	stream.indirect_vreg.gather [hbm4b:s5+s3], $0x80, v4, vm0, $0xb8;
	[tilespmem:$0x18400] =	vst v63  }
0x3c4: {  	s17 =	simm.s32 $0x4400  }
0x3c5: {  	[tilespmem:s17], [sflag:$0x1] =	stream.indirect_vreg.gather [hbm4b:s6+s3], $0x80, v4, vm0, $0xb8;
	[tilespmem:$0x18400] =	vst v63  }
0x3c6: {  	s17 =	simm.s32 $0x4C00  }
0x3c7: {  	[tilespmem:s17], [sflag:$0x1] =	stream.indirect_vreg.gather [hbm4b:s2+s3], $0x80, v3, vm0, $0xb8;
	[tilespmem:$0x18400] =	vst v63  }
0x3c8: {  	s17 =	simm.s32 $0x5400  }
0x3c9: {  	[tilespmem:s17], [sflag:$0x1] =	stream.indirect_vreg.gather [hbm4b:s5+s3], $0x80, v3, vm0, $0xb8;
	[tilespmem:$0x18400] =	vst v63  }
0x3ca: {  	s17 =	simm.s32 $0x5C00  }
0x3cb: {  	[tilespmem:s17], [sflag:$0x1] =	stream.indirect_vreg.gather [hbm4b:s6+s3], $0x80, v3, vm0, $0xb8;
	[tilespmem:$0x18400] =	vst v63  }
0x3cc: {  	_ =	swait.ge [sflag:s11], $0x6000  }
0x3cd: {  	[sflag:s11] =	ssyncset.done $0x0  }
0x3ce: {  	s17 =	rddreg [dreg:$0x15];
	[sflag:s11] =	ssyncadd.s32 $0xFFFFA000  }
0x3cf: {  	[hbm4b:s17+s3] =	stream.linear.scatter [tilespmem:s8], [sflag:$0x6], $0x6000, $0x38;
	[tilespmem:$0x18400] =	vst v63  }
0x3d0: {  	_ =	swait.ge [sflag:s12], $0x6000  }
0x3d1: {  	[sflag:s12] =	ssyncset.done $0x0  }
0x3d2: {  	[sflag:s12] =	ssyncadd.s32 $0xFFFFA000  }
0x3d3: {  	v3 =	vld [tilespmem:$0x2A0];
	_ =	sdelay $0x4  }
0x3d4: {  	v42 =	vshrl.u32 v3, $0x3  }
0x3d5: {  	v4 =	vmul.u32 $0x30, v42  }
0x3d6: {  	v3 =	vand.u32 $0x7, v3  }
0x3d7: {  	v3 =	vor.u32 v3, v4  }
0x3d8: {  	v4 =	vperm.xlane v3, v0;
	_ =	sdelay $0x1  }
0x3d9: {  	v4 =	vadd.s32 v1, v4;
	_ =	sdelay $0x3  }
0x3da: {  	v3 =	vperm.xlane v3, v2  }
0x3db: {  	[tilespmem:s8], [sflag:$0x2] =	stream.indirect_vreg.gather [hbm4b:s2+s3], $0x80, v4, vm0, $0xb8;
	[tilespmem:$0x18400] =	vst v63  }
0x3dc: {  	s17 =	simm.s32 $0x6C00;
	v3 =	vadd.s32 v1, v3  }
0x3dd: {  	[tilespmem:s17], [sflag:$0x2] =	stream.indirect_vreg.gather [hbm4b:s5+s3], $0x80, v4, vm0, $0xb8;
	[tilespmem:$0x18400] =	vst v63  }
0x3de: {  	s17 =	simm.s32 $0x7400  }
0x3df: {  	[tilespmem:s17], [sflag:$0x2] =	stream.indirect_vreg.gather [hbm4b:s6+s3], $0x80, v4, vm0, $0xb8;
	[tilespmem:$0x18400] =	vst v63  }
0x3e0: {  	s17 =	simm.s32 $0x7C00  }
0x3e1: {  	[tilespmem:s17], [sflag:$0x2] =	stream.indirect_vreg.gather [hbm4b:s2+s3], $0x80, v3, vm0, $0xb8;
	[tilespmem:$0x18400] =	vst v63  }
0x3e2: {  	s17 =	simm.s32 $0x8400  }
0x3e3: {  	[tilespmem:s17], [sflag:$0x2] =	stream.indirect_vreg.gather [hbm4b:s5+s3], $0x80, v3, vm0, $0xb8;
	[tilespmem:$0x18400] =	vst v63  }
0x3e4: {  	s17 =	simm.s32 $0x8C00  }
0x3e5: {  	[tilespmem:s17], [sflag:$0x2] =	stream.indirect_vreg.gather [hbm4b:s6+s3], $0x80, v3, vm0, $0xb8;
	[tilespmem:$0x18400] =	vst v63  }
0x3e6: {  	v3 =	vld [tilespmem:$0x2B0];
	_ =	sdelay $0x4  }
0x3e7: {  	v43 =	vshrl.u32 v3, $0x3  }
0x3e8: {  	v4 =	vmul.u32 $0x30, v43  }
0x3e9: {  	v3 =	vand.u32 $0x7, v3  }
0x3ea: {  	v3 =	vor.u32 v3, v4  }
0x3eb: {  	v4 =	vperm.xlane v3, v0;
	_ =	sdelay $0x1  }
0x3ec: {  	v4 =	vadd.s32 v1, v4;
	_ =	sdelay $0x3  }
0x3ed: {  	s17 =	simm.s32 $0x9400;
	v3 =	vperm.xlane v3, v2  }
0x3ee: {  	[tilespmem:s17], [sflag:$0x2] =	stream.indirect_vreg.gather [hbm4b:s2+s3], $0x80, v4, vm0, $0xb8;
	[tilespmem:$0x18400] =	vst v63  }
0x3ef: {  	v3 =	vadd.s32 v1, v3;
	s17 =	simm.s32 $0x9C00  }
0x3f0: {  	[tilespmem:s17], [sflag:$0x2] =	stream.indirect_vreg.gather [hbm4b:s5+s3], $0x80, v4, vm0, $0xb8;
	[tilespmem:$0x18400] =	vst v63  }
0x3f1: {  	s17 =	simm.s32 $0xA400  }
0x3f2: {  	[tilespmem:s17], [sflag:$0x2] =	stream.indirect_vreg.gather [hbm4b:s6+s3], $0x80, v4, vm0, $0xb8;
	[tilespmem:$0x18400] =	vst v63  }
0x3f3: {  	s17 =	simm.s32 $0xAC00  }
0x3f4: {  	[tilespmem:s17], [sflag:$0x2] =	stream.indirect_vreg.gather [hbm4b:s2+s3], $0x80, v3, vm0, $0xb8;
	[tilespmem:$0x18400] =	vst v63  }
0x3f5: {  	s17 =	simm.s32 $0xB400  }
0x3f6: {  	[tilespmem:s17], [sflag:$0x2] =	stream.indirect_vreg.gather [hbm4b:s5+s3], $0x80, v3, vm0, $0xb8;
	[tilespmem:$0x18400] =	vst v63  }
0x3f7: {  	s17 =	simm.s32 $0xBC00  }
0x3f8: {  	[tilespmem:s17], [sflag:$0x2] =	stream.indirect_vreg.gather [hbm4b:s6+s3], $0x80, v3, vm0, $0xb8;
	[tilespmem:$0x18400] =	vst v63  }
0x3f9: {  	_ =	swait.ge [sflag:s13], $0x6000  }
0x3fa: {  	[sflag:s13] =	ssyncset.done $0x0  }
0x3fb: {  	s17 =	rddreg [dreg:$0x16];
	[sflag:s13] =	ssyncadd.s32 $0xFFFFA000  }
0x3fc: {  	[hbm4b:s17+s3] =	stream.linear.scatter [tilespmem:s19], [sflag:$0x7], $0x6000, $0x38;
	[tilespmem:$0x18400] =	vst v63  }
0x3fd: {  	_ =	swait.ge [sflag:s14], $0x6000  }
0x3fe: {  	[sflag:s14] =	ssyncset.done $0x0  }
0x3ff: {  	[sflag:s14] =	ssyncadd.s32 $0xFFFFA000  }
0x400: {  	v3 =	vld [tilespmem:$0x2C0];
	_ =	sdelay $0x4  }
0x401: {  	v44 =	vshrl.u32 v3, $0x3  }
0x402: {  	v4 =	vmul.u32 $0x30, v44  }
0x403: {  	v3 =	vand.u32 $0x7, v3  }
0x404: {  	v3 =	vor.u32 v3, v4  }
0x405: {  	v4 =	vperm.xlane v3, v0;
	_ =	sdelay $0x1  }
0x406: {  	v4 =	vadd.s32 v1, v4;
	_ =	sdelay $0x3  }
0x407: {  	v3 =	vperm.xlane v3, v2  }
0x408: {  	[tilespmem:s19], [sflag:$0x3] =	stream.indirect_vreg.gather [hbm4b:s2+s3], $0x80, v4, vm0, $0xb8;
	[tilespmem:$0x18400] =	vst v63  }
0x409: {  	s17 =	simm.s32 $0xCC00;
	v3 =	vadd.s32 v1, v3  }
0x40a: {  	[tilespmem:s17], [sflag:$0x3] =	stream.indirect_vreg.gather [hbm4b:s5+s3], $0x80, v4, vm0, $0xb8;
	[tilespmem:$0x18400] =	vst v63  }
0x40b: {  	s17 =	simm.s32 $0xD400  }
0x40c: {  	[tilespmem:s17], [sflag:$0x3] =	stream.indirect_vreg.gather [hbm4b:s6+s3], $0x80, v4, vm0, $0xb8;
	[tilespmem:$0x18400] =	vst v63  }
0x40d: {  	s31 =	simm.s32 $0xDC00  }
0x40e: {  	[tilespmem:s31], [sflag:$0x3] =	stream.indirect_vreg.gather [hbm4b:s2+s3], $0x80, v3, vm0, $0xb8;
	[tilespmem:$0x18400] =	vst v63  }
0x40f: {  	s31 =	simm.s32 $0xE400  }
0x410: {  	[tilespmem:s31], [sflag:$0x3] =	stream.indirect_vreg.gather [hbm4b:s5+s3], $0x80, v3, vm0, $0xb8;
	[tilespmem:$0x18400] =	vst v63  }
0x411: {  	s31 =	simm.s32 $0xEC00  }
0x412: {  	[tilespmem:s31], [sflag:$0x3] =	stream.indirect_vreg.gather [hbm4b:s6+s3], $0x80, v3, vm0, $0xb8;
	[tilespmem:$0x18400] =	vst v63  }
0x413: {  	v3 =	vld [tilespmem:$0x2D0];
	_ =	sdelay $0x4  }
0x414: {  	v45 =	vshrl.u32 v3, $0x3  }
0x415: {  	v4 =	vmul.u32 $0x30, v45  }
0x416: {  	v3 =	vand.u32 $0x7, v3  }
0x417: {  	v3 =	vor.u32 v3, v4  }
0x418: {  	v4 =	vperm.xlane v3, v0;
	_ =	sdelay $0x1  }
0x419: {  	v4 =	vadd.s32 v1, v4;
	_ =	sdelay $0x3  }
0x41a: {  	s31 =	simm.s32 $0xF400;
	v3 =	vperm.xlane v3, v2  }
0x41b: {  	[tilespmem:s31], [sflag:$0x3] =	stream.indirect_vreg.gather [hbm4b:s2+s3], $0x80, v4, vm0, $0xb8;
	[tilespmem:$0x18400] =	vst v63  }
0x41c: {  	s23 =	simm.s32 $0xFC00;
	v3 =	vadd.s32 v1, v3  }
0x41d: {  	[tilespmem:s23], [sflag:$0x3] =	stream.indirect_vreg.gather [hbm4b:s5+s3], $0x80, v4, vm0, $0xb8;
	[tilespmem:$0x18400] =	vst v63  }
0x41e: {  	s24 =	simm.s32 $0x10400  }
0x41f: {  	[tilespmem:s24], [sflag:$0x3] =	stream.indirect_vreg.gather [hbm4b:s6+s3], $0x80, v4, vm0, $0xb8;
	[tilespmem:$0x18400] =	vst v63  }
0x420: {  	s25 =	simm.s32 $0x10C00  }
0x421: {  	[tilespmem:s25], [sflag:$0x3] =	stream.indirect_vreg.gather [hbm4b:s2+s3], $0x80, v3, vm0, $0xb8;
	[tilespmem:$0x18400] =	vst v63  }
0x422: {  	s26 =	simm.s32 $0x11400  }
0x423: {  	[tilespmem:s26], [sflag:$0x3] =	stream.indirect_vreg.gather [hbm4b:s5+s3], $0x80, v3, vm0, $0xb8;
	[tilespmem:$0x18400] =	vst v63  }
0x424: {  	s23 =	simm.s32 $0x11C00  }
0x425: {  	[tilespmem:s23], [sflag:$0x3] =	stream.indirect_vreg.gather [hbm4b:s6+s3], $0x80, v3, vm0, $0xb8;
	[tilespmem:$0x18400] =	vst v63  }
0x426: {  	_ =	swait.ge [sflag:s15], $0x6000  }
0x427: {  	[sflag:s15] =	ssyncset.done $0x0  }
0x428: {  	s24 =	rddreg [dreg:$0x17];
	[sflag:s15] =	ssyncadd.s32 $0xFFFFA000  }
0x429: {  	[hbm4b:s24+s3] =	stream.linear.scatter [tilespmem:s1], [sflag:$0x8], $0x6000, $0x38;
	[tilespmem:$0x18400] =	vst v63  }
0x42a: {  	_ =	swait.ge [sflag:s16], $0x6000  }
0x42b: {  	[sflag:s16] =	ssyncset.done $0x0  }
0x42c: {  	[sflag:s16] =	ssyncadd.s32 $0xFFFFA000  }
0x42d: {  	v3 =	vld [tilespmem:$0x2E0];
	_ =	sdelay $0x4  }
0x42e: {  	v46 =	vshrl.u32 v3, $0x3  }
0x42f: {  	v4 =	vmul.u32 $0x30, v46  }
0x430: {  	v3 =	vand.u32 $0x7, v3  }
0x431: {  	v3 =	vor.u32 v3, v4  }
0x432: {  	v4 =	vperm.xlane v3, v0;
	_ =	sdelay $0x1  }
0x433: {  	v4 =	vadd.s32 v1, v4;
	_ =	sdelay $0x3  }
0x434: {  	v3 =	vperm.xlane v3, v2  }
0x435: {  	[tilespmem:s1], [sflag:$0x4] =	stream.indirect_vreg.gather [hbm4b:s2+s3], $0x80, v4, vm0, $0xb8;
	[tilespmem:$0x18400] =	vst v63  }
0x436: {  	s7 =	simm.s32 $0x12C00;
	v3 =	vadd.s32 v1, v3  }
0x437: {  	[tilespmem:s7], [sflag:$0x4] =	stream.indirect_vreg.gather [hbm4b:s5+s3], $0x80, v4, vm0, $0xb8;
	[tilespmem:$0x18400] =	vst v63  }
0x438: {  	s9 =	simm.s32 $0x13400  }
0x439: {  	[tilespmem:s9], [sflag:$0x4] =	stream.indirect_vreg.gather [hbm4b:s6+s3], $0x80, v4, vm0, $0xb8;
	[tilespmem:$0x18400] =	vst v63  }
0x43a: {  	s22 =	simm.s32 $0x13C00  }
0x43b: {  	[tilespmem:s22], [sflag:$0x4] =	stream.indirect_vreg.gather [hbm4b:s2+s3], $0x80, v3, vm0, $0xb8;
	[tilespmem:$0x18400] =	vst v63  }
0x43c: {  	s28 =	simm.s32 $0x14400  }
0x43d: {  	[tilespmem:s28], [sflag:$0x4] =	stream.indirect_vreg.gather [hbm4b:s5+s3], $0x80, v3, vm0, $0xb8;
	[tilespmem:$0x18400] =	vst v63  }
0x43e: {  	s22 =	simm.s32 $0x14C00  }
0x43f: {  	[tilespmem:s22], [sflag:$0x4] =	stream.indirect_vreg.gather [hbm4b:s6+s3], $0x80, v3, vm0, $0xb8;
	[tilespmem:$0x18400] =	vst v63  }
0x440: {  	v3 =	vld [tilespmem:$0x2F0];
	_ =	sdelay $0x4  }
0x441: {  	v47 =	vshrl.u32 v3, $0x3  }
0x442: {  	v4 =	vmul.u32 $0x30, v47  }
0x443: {  	v3 =	vand.u32 $0x7, v3  }
0x444: {  	v3 =	vor.u32 v3, v4  }
0x445: {  	v4 =	vperm.xlane v3, v0;
	_ =	sdelay $0x1  }
0x446: {  	v4 =	vadd.s32 v1, v4;
	_ =	sdelay $0x3  }
0x447: {  	s23 =	simm.s32 $0x15400;
	v3 =	vperm.xlane v3, v2  }
0x448: {  	[tilespmem:s23], [sflag:$0x4] =	stream.indirect_vreg.gather [hbm4b:s2+s3], $0x80, v4, vm0, $0xb8;
	[tilespmem:$0x18400] =	vst v63  }
0x449: {  	s29 =	simm.s32 $0x15C00;
	v3 =	vadd.s32 v1, v3  }
0x44a: {  	[tilespmem:s29], [sflag:$0x4] =	stream.indirect_vreg.gather [hbm4b:s5+s3], $0x80, v4, vm0, $0xb8;
	[tilespmem:$0x18400] =	vst v63  }
0x44b: {  	s30 =	simm.s32 $0x16400  }
0x44c: {  	[tilespmem:s30], [sflag:$0x4] =	stream.indirect_vreg.gather [hbm4b:s6+s3], $0x80, v4, vm0, $0xb8;
	[tilespmem:$0x18400] =	vst v63  }
0x44d: {  	s24 =	simm.s32 $0x16C00  }
0x44e: {  	[tilespmem:s24], [sflag:$0x4] =	stream.indirect_vreg.gather [hbm4b:s2+s3], $0x80, v3, vm0, $0xb8;
	[tilespmem:$0x18400] =	vst v63  }
0x44f: {  	s28 =	simm.s32 $0x17400  }
0x450: {  	[tilespmem:s28], [sflag:$0x4] =	stream.indirect_vreg.gather [hbm4b:s5+s3], $0x80, v3, vm0, $0xb8;
	[tilespmem:$0x18400] =	vst v63  }
0x451: {  	s29 =	simm.s32 $0x17C00  }
0x452: {  	[tilespmem:s29], [sflag:$0x4] =	stream.indirect_vreg.gather [hbm4b:s6+s3], $0x80, v3, vm0, $0xb8;
	[tilespmem:$0x18400] =	vst v63  }
0x453: {  	_ =	swait.ge [sflag:s4], $0x6000  }
0x454: {  	[sflag:s4] =	ssyncset.done $0x0  }
0x455: {  	s30 =	rddreg [dreg:$0x18];
	[sflag:s4] =	ssyncadd.s32 $0xFFFFA000  }
0x456: {  	[hbm4b:s30+s3] =	stream.linear.scatter [tilespmem:s0], [sflag:$0x5], $0x6000, $0x38;
	[tilespmem:$0x18400] =	vst v63  }
0x457: {  	_ =	swait.ge [sflag:s10], $0x6000  }
0x458: {  	[sflag:s10] =	ssyncset.done $0x0  }
0x459: {  	[sflag:s10] =	ssyncadd.s32 $0xFFFFA000  }
0x45a: {  	v3 =	vld [tilespmem:$0x300];
	_ =	sdelay $0x4  }
0x45b: {  	v48 =	vshrl.u32 v3, $0x3  }
0x45c: {  	v4 =	vmul.u32 $0x30, v48  }
0x45d: {  	v3 =	vand.u32 $0x7, v3  }
0x45e: {  	v3 =	vor.u32 v3, v4  }
0x45f: {  	v4 =	vperm.xlane v3, v0;
	_ =	sdelay $0x1  }
0x460: {  	v4 =	vadd.s32 v1, v4;
	_ =	sdelay $0x3  }
0x461: {  	v3 =	vperm.xlane v3, v2  }
0x462: {  	[tilespmem:s0], [sflag:$0x1] =	stream.indirect_vreg.gather [hbm4b:s2+s3], $0x80, v4, vm0, $0xb8;
	[tilespmem:$0x18400] =	vst v63  }
0x463: {  	s20 =	simm.s32 $0xC00;
	v3 =	vadd.s32 v1, v3  }
0x464: {  	[tilespmem:s20], [sflag:$0x1] =	stream.indirect_vreg.gather [hbm4b:s5+s3], $0x80, v4, vm0, $0xb8;
	[tilespmem:$0x18400] =	vst v63  }
0x465: {  	s21 =	simm.s32 $0x1400  }
0x466: {  	[tilespmem:s21], [sflag:$0x1] =	stream.indirect_vreg.gather [hbm4b:s6+s3], $0x80, v4, vm0, $0xb8;
	[tilespmem:$0x18400] =	vst v63  }
0x467: {  	s7 =	simm.s32 $0x1C00  }
0x468: {  	[tilespmem:s7], [sflag:$0x1] =	stream.indirect_vreg.gather [hbm4b:s2+s3], $0x80, v3, vm0, $0xb8;
	[tilespmem:$0x18400] =	vst v63  }
0x469: {  	s9 =	simm.s32 $0x2400  }
0x46a: {  	[tilespmem:s9], [sflag:$0x1] =	stream.indirect_vreg.gather [hbm4b:s5+s3], $0x80, v3, vm0, $0xb8;
	[tilespmem:$0x18400] =	vst v63  }
0x46b: {  	s17 =	simm.s32 $0x2C00  }
0x46c: {  	[tilespmem:s17], [sflag:$0x1] =	stream.indirect_vreg.gather [hbm4b:s6+s3], $0x80, v3, vm0, $0xb8;
	[tilespmem:$0x18400] =	vst v63  }
0x46d: {  	v3 =	vld [tilespmem:$0x310];
	_ =	sdelay $0x4  }
0x46e: {  	v49 =	vshrl.u32 v3, $0x3  }
0x46f: {  	v4 =	vmul.u32 $0x30, v49  }
0x470: {  	v3 =	vand.u32 $0x7, v3  }
0x471: {  	v3 =	vor.u32 v3, v4  }
0x472: {  	v4 =	vperm.xlane v3, v0;
	_ =	sdelay $0x1  }
0x473: {  	v4 =	vadd.s32 v1, v4;
	_ =	sdelay $0x3  }
0x474: {  	s22 =	simm.s32 $0x3400;
	v3 =	vperm.xlane v3, v2  }
0x475: {  	[tilespmem:s22], [sflag:$0x1] =	stream.indirect_vreg.gather [hbm4b:s2+s3], $0x80, v4, vm0, $0xb8;
	[tilespmem:$0x18400] =	vst v63  }
0x476: {  	s18 =	simm.s32 $0x3C00;
	v3 =	vadd.s32 v1, v3  }
0x477: {  	[tilespmem:s18], [sflag:$0x1] =	stream.indirect_vreg.gather [hbm4b:s5+s3], $0x80, v4, vm0, $0xb8;
	[tilespmem:$0x18400] =	vst v63  }
0x478: {  	s24 =	simm.s32 $0x4400  }
0x479: {  	[tilespmem:s24], [sflag:$0x1] =	stream.indirect_vreg.gather [hbm4b:s6+s3], $0x80, v4, vm0, $0xb8;
	[tilespmem:$0x18400] =	vst v63  }
0x47a: {  	s28 =	simm.s32 $0x4C00  }
0x47b: {  	[tilespmem:s28], [sflag:$0x1] =	stream.indirect_vreg.gather [hbm4b:s2+s3], $0x80, v3, vm0, $0xb8;
	[tilespmem:$0x18400] =	vst v63  }
0x47c: {  	s29 =	simm.s32 $0x5400  }
0x47d: {  	[tilespmem:s29], [sflag:$0x1] =	stream.indirect_vreg.gather [hbm4b:s5+s3], $0x80, v3, vm0, $0xb8;
	[tilespmem:$0x18400] =	vst v63  }
0x47e: {  	s30 =	simm.s32 $0x5C00  }
0x47f: {  	[tilespmem:s30], [sflag:$0x1] =	stream.indirect_vreg.gather [hbm4b:s6+s3], $0x80, v3, vm0, $0xb8;
	[tilespmem:$0x18400] =	vst v63  }
0x480: {  	_ =	swait.ge [sflag:s11], $0x6000  }
0x481: {  	[sflag:s11] =	ssyncset.done $0x0  }
0x482: {  	s18 =	rddreg [dreg:$0x19];
	[sflag:s11] =	ssyncadd.s32 $0xFFFFA000  }
0x483: {  	[hbm4b:s18+s3] =	stream.linear.scatter [tilespmem:s8], [sflag:$0x6], $0x6000, $0x38;
	[tilespmem:$0x18400] =	vst v63  }
0x484: {  	_ =	swait.ge [sflag:s12], $0x6000  }
0x485: {  	[sflag:s12] =	ssyncset.done $0x0  }
0x486: {  	[sflag:s12] =	ssyncadd.s32 $0xFFFFA000  }
0x487: {  	v3 =	vld [tilespmem:$0x320];
	_ =	sdelay $0x4  }
0x488: {  	v50 =	vshrl.u32 v3, $0x3  }
0x489: {  	v4 =	vmul.u32 $0x30, v50  }
0x48a: {  	v3 =	vand.u32 $0x7, v3  }
0x48b: {  	v3 =	vor.u32 v3, v4  }
0x48c: {  	v4 =	vperm.xlane v3, v0;
	_ =	sdelay $0x1  }
0x48d: {  	v4 =	vadd.s32 v1, v4;
	_ =	sdelay $0x3  }
0x48e: {  	v3 =	vperm.xlane v3, v2  }
0x48f: {  	[tilespmem:s8], [sflag:$0x2] =	stream.indirect_vreg.gather [hbm4b:s2+s3], $0x80, v4, vm0, $0xb8;
	[tilespmem:$0x18400] =	vst v63  }
0x490: {  	s24 =	simm.s32 $0x6C00;
	v3 =	vadd.s32 v1, v3  }
0x491: {  	[tilespmem:s24], [sflag:$0x2] =	stream.indirect_vreg.gather [hbm4b:s5+s3], $0x80, v4, vm0, $0xb8;
	[tilespmem:$0x18400] =	vst v63  }
0x492: {  	s28 =	simm.s32 $0x7400  }
0x493: {  	[tilespmem:s28], [sflag:$0x2] =	stream.indirect_vreg.gather [hbm4b:s6+s3], $0x80, v4, vm0, $0xb8;
	[tilespmem:$0x18400] =	vst v63  }
0x494: {  	s29 =	simm.s32 $0x7C00  }
0x495: {  	[tilespmem:s29], [sflag:$0x2] =	stream.indirect_vreg.gather [hbm4b:s2+s3], $0x80, v3, vm0, $0xb8;
	[tilespmem:$0x18400] =	vst v63  }
0x496: {  	s30 =	simm.s32 $0x8400  }
0x497: {  	[tilespmem:s30], [sflag:$0x2] =	stream.indirect_vreg.gather [hbm4b:s5+s3], $0x80, v3, vm0, $0xb8;
	[tilespmem:$0x18400] =	vst v63  }
0x498: {  	s17 =	simm.s32 $0x8C00  }
0x499: {  	[tilespmem:s17], [sflag:$0x2] =	stream.indirect_vreg.gather [hbm4b:s6+s3], $0x80, v3, vm0, $0xb8;
	[tilespmem:$0x18400] =	vst v63  }
0x49a: {  	v3 =	vld [tilespmem:$0x330];
	_ =	sdelay $0x4  }
0x49b: {  	v51 =	vshrl.u32 v3, $0x3  }
0x49c: {  	v4 =	vmul.u32 $0x30, v51  }
0x49d: {  	v3 =	vand.u32 $0x7, v3  }
0x49e: {  	v3 =	vor.u32 v3, v4  }
0x49f: {  	v4 =	vperm.xlane v3, v0;
	_ =	sdelay $0x1  }
0x4a0: {  	v4 =	vadd.s32 v1, v4;
	_ =	sdelay $0x3  }
0x4a1: {  	s18 =	simm.s32 $0x9400;
	v3 =	vperm.xlane v3, v2  }
0x4a2: {  	[tilespmem:s18], [sflag:$0x2] =	stream.indirect_vreg.gather [hbm4b:s2+s3], $0x80, v4, vm0, $0xb8;
	[tilespmem:$0x18400] =	vst v63  }
0x4a3: {  	s24 =	simm.s32 $0x9C00;
	v3 =	vadd.s32 v1, v3  }
0x4a4: {  	[tilespmem:s24], [sflag:$0x2] =	stream.indirect_vreg.gather [hbm4b:s5+s3], $0x80, v4, vm0, $0xb8;
	[tilespmem:$0x18400] =	vst v63  }
0x4a5: {  	s28 =	simm.s32 $0xA400  }
0x4a6: {  	[tilespmem:s28], [sflag:$0x2] =	stream.indirect_vreg.gather [hbm4b:s6+s3], $0x80, v4, vm0, $0xb8;
	[tilespmem:$0x18400] =	vst v63  }
0x4a7: {  	s29 =	simm.s32 $0xAC00  }
0x4a8: {  	[tilespmem:s29], [sflag:$0x2] =	stream.indirect_vreg.gather [hbm4b:s2+s3], $0x80, v3, vm0, $0xb8;
	[tilespmem:$0x18400] =	vst v63  }
0x4a9: {  	s17 =	simm.s32 $0xB400  }
0x4aa: {  	[tilespmem:s17], [sflag:$0x2] =	stream.indirect_vreg.gather [hbm4b:s5+s3], $0x80, v3, vm0, $0xb8;
	[tilespmem:$0x18400] =	vst v63  }
0x4ab: {  	s18 =	simm.s32 $0xBC00  }
0x4ac: {  	[tilespmem:s18], [sflag:$0x2] =	stream.indirect_vreg.gather [hbm4b:s6+s3], $0x80, v3, vm0, $0xb8;
	[tilespmem:$0x18400] =	vst v63  }
0x4ad: {  	_ =	swait.ge [sflag:s13], $0x6000  }
0x4ae: {  	[sflag:s13] =	ssyncset.done $0x0  }
0x4af: {  	s24 =	rddreg [dreg:$0x1a];
	[sflag:s13] =	ssyncadd.s32 $0xFFFFA000  }
0x4b0: {  	[hbm4b:s24+s3] =	stream.linear.scatter [tilespmem:s19], [sflag:$0x7], $0x6000, $0x38;
	[tilespmem:$0x18400] =	vst v63  }
0x4b1: {  	_ =	swait.ge [sflag:s14], $0x6000  }
0x4b2: {  	[sflag:s14] =	ssyncset.done $0x0  }
0x4b3: {  	[sflag:s14] =	ssyncadd.s32 $0xFFFFA000  }
0x4b4: {  	v3 =	vld [tilespmem:$0x340];
	_ =	sdelay $0x4  }
0x4b5: {  	v52 =	vshrl.u32 v3, $0x3  }
0x4b6: {  	v4 =	vmul.u32 $0x30, v52  }
0x4b7: {  	v3 =	vand.u32 $0x7, v3  }
0x4b8: {  	v3 =	vor.u32 v3, v4  }
0x4b9: {  	v4 =	vperm.xlane v3, v0;
	_ =	sdelay $0x1  }
0x4ba: {  	v4 =	vadd.s32 v1, v4;
	_ =	sdelay $0x3  }
0x4bb: {  	v3 =	vperm.xlane v3, v2  }
0x4bc: {  	[tilespmem:s19], [sflag:$0x3] =	stream.indirect_vreg.gather [hbm4b:s2+s3], $0x80, v4, vm0, $0xb8;
	[tilespmem:$0x18400] =	vst v63  }
0x4bd: {  	s28 =	simm.s32 $0xCC00;
	v3 =	vadd.s32 v1, v3  }
0x4be: {  	[tilespmem:s28], [sflag:$0x3] =	stream.indirect_vreg.gather [hbm4b:s5+s3], $0x80, v4, vm0, $0xb8;
	[tilespmem:$0x18400] =	vst v63  }
0x4bf: {  	s29 =	simm.s32 $0xD400  }
0x4c0: {  	[tilespmem:s29], [sflag:$0x3] =	stream.indirect_vreg.gather [hbm4b:s6+s3], $0x80, v4, vm0, $0xb8;
	[tilespmem:$0x18400] =	vst v63  }
0x4c1: {  	s17 =	simm.s32 $0xDC00  }
0x4c2: {  	[tilespmem:s17], [sflag:$0x3] =	stream.indirect_vreg.gather [hbm4b:s2+s3], $0x80, v3, vm0, $0xb8;
	[tilespmem:$0x18400] =	vst v63  }
0x4c3: {  	s18 =	simm.s32 $0xE400  }
0x4c4: {  	[tilespmem:s18], [sflag:$0x3] =	stream.indirect_vreg.gather [hbm4b:s5+s3], $0x80, v3, vm0, $0xb8;
	[tilespmem:$0x18400] =	vst v63  }
0x4c5: {  	s19 =	simm.s32 $0xEC00  }
0x4c6: {  	[tilespmem:s19], [sflag:$0x3] =	stream.indirect_vreg.gather [hbm4b:s6+s3], $0x80, v3, vm0, $0xb8;
	[tilespmem:$0x18400] =	vst v63  }
0x4c7: {  	v3 =	vld [tilespmem:$0x350];
	_ =	sdelay $0x4  }
0x4c8: {  	v53 =	vshrl.u32 v3, $0x3  }
0x4c9: {  	v4 =	vmul.u32 $0x30, v53  }
0x4ca: {  	v3 =	vand.u32 $0x7, v3  }
0x4cb: {  	v3 =	vor.u32 v3, v4  }
0x4cc: {  	v4 =	vperm.xlane v3, v0;
	_ =	sdelay $0x1  }
0x4cd: {  	v4 =	vadd.s32 v1, v4;
	_ =	sdelay $0x3  }
0x4ce: {  	s24 =	simm.s32 $0xF400;
	v3 =	vperm.xlane v3, v2  }
0x4cf: {  	[tilespmem:s24], [sflag:$0x3] =	stream.indirect_vreg.gather [hbm4b:s2+s3], $0x80, v4, vm0, $0xb8;
	[tilespmem:$0x18400] =	vst v63  }
0x4d0: {  	s31 =	simm.s32 $0xFC00;
	v3 =	vadd.s32 v1, v3  }
0x4d1: {  	[tilespmem:s31], [sflag:$0x3] =	stream.indirect_vreg.gather [hbm4b:s5+s3], $0x80, v4, vm0, $0xb8;
	[tilespmem:$0x18400] =	vst v63  }
0x4d2: {  	s31 =	simm.s32 $0x10400  }
0x4d3: {  	[tilespmem:s31], [sflag:$0x3] =	stream.indirect_vreg.gather [hbm4b:s6+s3], $0x80, v4, vm0, $0xb8;
	[tilespmem:$0x18400] =	vst v63  }
0x4d4: {  	s25 =	simm.s32 $0x10C00  }
0x4d5: {  	[tilespmem:s25], [sflag:$0x3] =	stream.indirect_vreg.gather [hbm4b:s2+s3], $0x80, v3, vm0, $0xb8;
	[tilespmem:$0x18400] =	vst v63  }
0x4d6: {  	s26 =	simm.s32 $0x11400  }
0x4d7: {  	[tilespmem:s26], [sflag:$0x3] =	stream.indirect_vreg.gather [hbm4b:s5+s3], $0x80, v3, vm0, $0xb8;
	[tilespmem:$0x18400] =	vst v63  }
0x4d8: {  	s17 =	simm.s32 $0x11C00  }
0x4d9: {  	[tilespmem:s17], [sflag:$0x3] =	stream.indirect_vreg.gather [hbm4b:s6+s3], $0x80, v3, vm0, $0xb8;
	[tilespmem:$0x18400] =	vst v63  }
0x4da: {  	_ =	swait.ge [sflag:s15], $0x6000  }
0x4db: {  	[sflag:s15] =	ssyncset.done $0x0  }
0x4dc: {  	s18 =	rddreg [dreg:$0x1b];
	[sflag:s15] =	ssyncadd.s32 $0xFFFFA000  }
0x4dd: {  	[hbm4b:s18+s3] =	stream.linear.scatter [tilespmem:s1], [sflag:$0x8], $0x6000, $0x38;
	[tilespmem:$0x18400] =	vst v63  }
0x4de: {  	_ =	swait.ge [sflag:s16], $0x6000  }
0x4df: {  	[sflag:s16] =	ssyncset.done $0x0  }
0x4e0: {  	[sflag:s16] =	ssyncadd.s32 $0xFFFFA000  }
0x4e1: {  	v3 =	vld [tilespmem:$0x360];
	_ =	sdelay $0x4  }
0x4e2: {  	v54 =	vshrl.u32 v3, $0x3  }
0x4e3: {  	v4 =	vmul.u32 $0x30, v54  }
0x4e4: {  	v3 =	vand.u32 $0x7, v3  }
0x4e5: {  	v3 =	vor.u32 v3, v4  }
0x4e6: {  	v4 =	vperm.xlane v3, v0;
	_ =	sdelay $0x1  }
0x4e7: {  	v4 =	vadd.s32 v1, v4;
	_ =	sdelay $0x3  }
0x4e8: {  	v3 =	vperm.xlane v3, v2  }
0x4e9: {  	[tilespmem:s1], [sflag:$0x4] =	stream.indirect_vreg.gather [hbm4b:s2+s3], $0x80, v4, vm0, $0xb8;
	[tilespmem:$0x18400] =	vst v63  }
0x4ea: {  	s19 =	simm.s32 $0x12C00;
	v3 =	vadd.s32 v1, v3  }
0x4eb: {  	[tilespmem:s19], [sflag:$0x4] =	stream.indirect_vreg.gather [hbm4b:s5+s3], $0x80, v4, vm0, $0xb8;
	[tilespmem:$0x18400] =	vst v63  }
0x4ec: {  	s8 =	simm.s32 $0x13400  }
0x4ed: {  	[tilespmem:s8], [sflag:$0x4] =	stream.indirect_vreg.gather [hbm4b:s6+s3], $0x80, v4, vm0, $0xb8;
	[tilespmem:$0x18400] =	vst v63  }
0x4ee: {  	s17 =	simm.s32 $0x13C00  }
0x4ef: {  	[tilespmem:s17], [sflag:$0x4] =	stream.indirect_vreg.gather [hbm4b:s2+s3], $0x80, v3, vm0, $0xb8;
	[tilespmem:$0x18400] =	vst v63  }
0x4f0: {  	s18 =	simm.s32 $0x14400  }
0x4f1: {  	[tilespmem:s18], [sflag:$0x4] =	stream.indirect_vreg.gather [hbm4b:s5+s3], $0x80, v3, vm0, $0xb8;
	[tilespmem:$0x18400] =	vst v63  }
0x4f2: {  	s19 =	simm.s32 $0x14C00  }
0x4f3: {  	[tilespmem:s19], [sflag:$0x4] =	stream.indirect_vreg.gather [hbm4b:s6+s3], $0x80, v3, vm0, $0xb8;
	[tilespmem:$0x18400] =	vst v63  }
0x4f4: {  	v3 =	vld [tilespmem:$0x370];
	_ =	sdelay $0x4  }
0x4f5: {  	v55 =	vshrl.u32 v3, $0x3  }
0x4f6: {  	v4 =	vmul.u32 $0x30, v55  }
0x4f7: {  	v3 =	vand.u32 $0x7, v3  }
0x4f8: {  	v3 =	vor.u32 v3, v4  }
0x4f9: {  	v4 =	vperm.xlane v3, v0;
	_ =	sdelay $0x1  }
0x4fa: {  	v4 =	vadd.s32 v1, v4;
	_ =	sdelay $0x3  }
0x4fb: {  	s8 =	simm.s32 $0x15400;
	v3 =	vperm.xlane v3, v2  }
0x4fc: {  	[tilespmem:s8], [sflag:$0x4] =	stream.indirect_vreg.gather [hbm4b:s2+s3], $0x80, v4, vm0, $0xb8;
	[tilespmem:$0x18400] =	vst v63  }
0x4fd: {  	s17 =	simm.s32 $0x15C00;
	v3 =	vadd.s32 v1, v3  }
0x4fe: {  	[tilespmem:s17], [sflag:$0x4] =	stream.indirect_vreg.gather [hbm4b:s5+s3], $0x80, v4, vm0, $0xb8;
	[tilespmem:$0x18400] =	vst v63  }
0x4ff: {  	s18 =	simm.s32 $0x16400  }
0x500: {  	[tilespmem:s18], [sflag:$0x4] =	stream.indirect_vreg.gather [hbm4b:s6+s3], $0x80, v4, vm0, $0xb8;
	[tilespmem:$0x18400] =	vst v63  }
0x501: {  	s19 =	simm.s32 $0x16C00  }
0x502: {  	[tilespmem:s19], [sflag:$0x4] =	stream.indirect_vreg.gather [hbm4b:s2+s3], $0x80, v3, vm0, $0xb8;
	[tilespmem:$0x18400] =	vst v63  }
0x503: {  	s8 =	simm.s32 $0x17400  }
0x504: {  	[tilespmem:s8], [sflag:$0x4] =	stream.indirect_vreg.gather [hbm4b:s5+s3], $0x80, v3, vm0, $0xb8;
	[tilespmem:$0x18400] =	vst v63  }
0x505: {  	s17 =	simm.s32 $0x17C00  }
0x506: {  	[tilespmem:s17], [sflag:$0x4] =	stream.indirect_vreg.gather [hbm4b:s6+s3], $0x80, v3, vm0, $0xb8;
	[tilespmem:$0x18400] =	vst v63  }
0x507: {  	_ =	swait.ge [sflag:s4], $0x6000  }
0x508: {  	[sflag:s4] =	ssyncset.done $0x0  }
0x509: {  	s19 =	simm.s32 $0x400;
	s18 =	rddreg [dreg:$0x1c];
	[sflag:s4] =	ssyncadd.s32 $0xFFFFA000  }
0x50a: {  	[hbm4b:s18+s3] =	stream.linear.scatter [tilespmem:s19], [sflag:$0x5], $0x6000, $0x38;
	[tilespmem:$0x18400] =	vst v63  }
0x50b: {  	_ =	swait.ge [sflag:s10], $0x6000  }
0x50c: {  	[sflag:s10] =	ssyncset.done $0x0  }
0x50d: {  	[sflag:s10] =	ssyncadd.s32 $0xFFFFA000  }
0x50e: {  	v3 =	vld [tilespmem:$0x380];
	_ =	sdelay $0x4  }
0x50f: {  	v56 =	vshrl.u32 v3, $0x3  }
0x510: {  	v4 =	vmul.u32 $0x30, v56  }
0x511: {  	v3 =	vand.u32 $0x7, v3  }
0x512: {  	v3 =	vor.u32 v3, v4  }
0x513: {  	v4 =	vperm.xlane v3, v0;
	_ =	sdelay $0x1  }
0x514: {  	v4 =	vadd.s32 v1, v4;
	_ =	sdelay $0x3  }
0x515: {  	v3 =	vperm.xlane v3, v2  }
0x516: {  	[tilespmem:s19], [sflag:$0x1] =	stream.indirect_vreg.gather [hbm4b:s2+s3], $0x80, v4, vm0, $0xb8;
	[tilespmem:$0x18400] =	vst v63  }
0x517: {  	s0 =	simm.s32 $0xC00;
	v3 =	vadd.s32 v1, v3  }
0x518: {  	[tilespmem:s0], [sflag:$0x1] =	stream.indirect_vreg.gather [hbm4b:s5+s3], $0x80, v4, vm0, $0xb8;
	[tilespmem:$0x18400] =	vst v63  }
0x519: {  	s20 =	simm.s32 $0x1400  }
0x51a: {  	[tilespmem:s20], [sflag:$0x1] =	stream.indirect_vreg.gather [hbm4b:s6+s3], $0x80, v4, vm0, $0xb8;
	[tilespmem:$0x18400] =	vst v63  }
0x51b: {  	s21 =	simm.s32 $0x1C00  }
0x51c: {  	[tilespmem:s21], [sflag:$0x1] =	stream.indirect_vreg.gather [hbm4b:s2+s3], $0x80, v3, vm0, $0xb8;
	[tilespmem:$0x18400] =	vst v63  }
0x51d: {  	s7 =	simm.s32 $0x2400  }
0x51e: {  	[tilespmem:s7], [sflag:$0x1] =	stream.indirect_vreg.gather [hbm4b:s5+s3], $0x80, v3, vm0, $0xb8;
	[tilespmem:$0x18400] =	vst v63  }
0x51f: {  	s23 =	simm.s32 $0x2C00  }
0x520: {  	[tilespmem:s23], [sflag:$0x1] =	stream.indirect_vreg.gather [hbm4b:s6+s3], $0x80, v3, vm0, $0xb8;
	[tilespmem:$0x18400] =	vst v63  }
0x521: {  	v3 =	vld [tilespmem:$0x390];
	_ =	sdelay $0x4  }
0x522: {  	v57 =	vshrl.u32 v3, $0x3  }
0x523: {  	v4 =	vmul.u32 $0x30, v57  }
0x524: {  	v3 =	vand.u32 $0x7, v3  }
0x525: {  	v3 =	vor.u32 v3, v4  }
0x526: {  	v4 =	vperm.xlane v3, v0;
	_ =	sdelay $0x1  }
0x527: {  	v4 =	vadd.s32 v1, v4;
	_ =	sdelay $0x3  }
0x528: {  	s20 =	simm.s32 $0x3400;
	v3 =	vperm.xlane v3, v2  }
0x529: {  	[tilespmem:s20], [sflag:$0x1] =	stream.indirect_vreg.gather [hbm4b:s2+s3], $0x80, v4, vm0, $0xb8;
	[tilespmem:$0x18400] =	vst v63  }
0x52a: {  	s9 =	simm.s32 $0x3C00;
	v3 =	vadd.s32 v1, v3  }
0x52b: {  	[tilespmem:s9], [sflag:$0x1] =	stream.indirect_vreg.gather [hbm4b:s5+s3], $0x80, v4, vm0, $0xb8;
	[tilespmem:$0x18400] =	vst v63  }
0x52c: {  	s22 =	simm.s32 $0x4400  }
0x52d: {  	[tilespmem:s22], [sflag:$0x1] =	stream.indirect_vreg.gather [hbm4b:s6+s3], $0x80, v4, vm0, $0xb8;
	[tilespmem:$0x18400] =	vst v63  }
0x52e: {  	s21 =	simm.s32 $0x4C00  }
0x52f: {  	[tilespmem:s21], [sflag:$0x1] =	stream.indirect_vreg.gather [hbm4b:s2+s3], $0x80, v3, vm0, $0xb8;
	[tilespmem:$0x18400] =	vst v63  }
0x530: {  	s22 =	simm.s32 $0x5400  }
0x531: {  	[tilespmem:s22], [sflag:$0x1] =	stream.indirect_vreg.gather [hbm4b:s5+s3], $0x80, v3, vm0, $0xb8;
	[tilespmem:$0x18400] =	vst v63  }
0x532: {  	s23 =	simm.s32 $0x5C00  }
0x533: {  	[tilespmem:s23], [sflag:$0x1] =	stream.indirect_vreg.gather [hbm4b:s6+s3], $0x80, v3, vm0, $0xb8;
	[tilespmem:$0x18400] =	vst v63  }
0x534: {  	_ =	swait.ge [sflag:s11], $0x6000  }
0x535: {  	[sflag:s11] =	ssyncset.done $0x0  }
0x536: {  	s7 =	simm.s32 $0x6400;
	s1 =	rddreg [dreg:$0x1d];
	[sflag:s11] =	ssyncadd.s32 $0xFFFFA000  }
0x537: {  	[hbm4b:s1+s3] =	stream.linear.scatter [tilespmem:s7], [sflag:$0x6], $0x6000, $0x38;
	[tilespmem:$0x18400] =	vst v63  }
0x538: {  	_ =	swait.ge [sflag:s12], $0x6000  }
0x539: {  	[sflag:s12] =	ssyncset.done $0x0  }
0x53a: {  	[sflag:s12] =	ssyncadd.s32 $0xFFFFA000  }
0x53b: {  	v3 =	vld [tilespmem:$0x3A0];
	_ =	sdelay $0x4  }
0x53c: {  	v58 =	vshrl.u32 v3, $0x3  }
0x53d: {  	v4 =	vmul.u32 $0x30, v58  }
0x53e: {  	v3 =	vand.u32 $0x7, v3  }
0x53f: {  	v3 =	vor.u32 v3, v4  }
0x540: {  	v4 =	vperm.xlane v3, v0;
	_ =	sdelay $0x1  }
0x541: {  	v4 =	vadd.s32 v1, v4;
	_ =	sdelay $0x3  }
0x542: {  	v3 =	vperm.xlane v3, v2  }
0x543: {  	[tilespmem:s7], [sflag:$0x2] =	stream.indirect_vreg.gather [hbm4b:s2+s3], $0x80, v4, vm0, $0xb8;
	[tilespmem:$0x18400] =	vst v63  }
0x544: {  	s8 =	simm.s32 $0x6C00;
	v3 =	vadd.s32 v1, v3  }
0x545: {  	[tilespmem:s8], [sflag:$0x2] =	stream.indirect_vreg.gather [hbm4b:s5+s3], $0x80, v4, vm0, $0xb8;
	[tilespmem:$0x18400] =	vst v63  }
0x546: {  	s9 =	simm.s32 $0x7400  }
0x547: {  	[tilespmem:s9], [sflag:$0x2] =	stream.indirect_vreg.gather [hbm4b:s6+s3], $0x80, v4, vm0, $0xb8;
	[tilespmem:$0x18400] =	vst v63  }
0x548: {  	s17 =	simm.s32 $0x7C00  }
0x549: {  	[tilespmem:s17], [sflag:$0x2] =	stream.indirect_vreg.gather [hbm4b:s2+s3], $0x80, v3, vm0, $0xb8;
	[tilespmem:$0x18400] =	vst v63  }
0x54a: {  	s20 =	simm.s32 $0x8400  }
0x54b: {  	[tilespmem:s20], [sflag:$0x2] =	stream.indirect_vreg.gather [hbm4b:s5+s3], $0x80, v3, vm0, $0xb8;
	[tilespmem:$0x18400] =	vst v63  }
0x54c: {  	s21 =	simm.s32 $0x8C00  }
0x54d: {  	[tilespmem:s21], [sflag:$0x2] =	stream.indirect_vreg.gather [hbm4b:s6+s3], $0x80, v3, vm0, $0xb8;
	[tilespmem:$0x18400] =	vst v63  }
0x54e: {  	v3 =	vld [tilespmem:$0x3B0];
	_ =	sdelay $0x4  }
0x54f: {  	v59 =	vshrl.u32 v3, $0x3  }
0x550: {  	v4 =	vmul.u32 $0x30, v59  }
0x551: {  	v3 =	vand.u32 $0x7, v3  }
0x552: {  	v3 =	vor.u32 v3, v4  }
0x553: {  	v4 =	vperm.xlane v3, v0;
	_ =	sdelay $0x1  }
0x554: {  	v4 =	vadd.s32 v1, v4;
	_ =	sdelay $0x3  }
0x555: {  	s22 =	simm.s32 $0x9400;
	v3 =	vperm.xlane v3, v2  }
0x556: {  	[tilespmem:s22], [sflag:$0x2] =	stream.indirect_vreg.gather [hbm4b:s2+s3], $0x80, v4, vm0, $0xb8;
	[tilespmem:$0x18400] =	vst v63  }
0x557: {  	s23 =	simm.s32 $0x9C00;
	v3 =	vadd.s32 v1, v3  }
0x558: {  	[tilespmem:s23], [sflag:$0x2] =	stream.indirect_vreg.gather [hbm4b:s5+s3], $0x80, v4, vm0, $0xb8;
	[tilespmem:$0x18400] =	vst v63  }
0x559: {  	s30 =	simm.s32 $0xA400  }
0x55a: {  	[tilespmem:s30], [sflag:$0x2] =	stream.indirect_vreg.gather [hbm4b:s6+s3], $0x80, v4, vm0, $0xb8;
	[tilespmem:$0x18400] =	vst v63  }
0x55b: {  	s30 =	simm.s32 $0xAC00  }
0x55c: {  	[tilespmem:s30], [sflag:$0x2] =	stream.indirect_vreg.gather [hbm4b:s2+s3], $0x80, v3, vm0, $0xb8;
	[tilespmem:$0x18400] =	vst v63  }
0x55d: {  	s1 =	simm.s32 $0xB400  }
0x55e: {  	[tilespmem:s1], [sflag:$0x2] =	stream.indirect_vreg.gather [hbm4b:s5+s3], $0x80, v3, vm0, $0xb8;
	[tilespmem:$0x18400] =	vst v63  }
0x55f: {  	s7 =	simm.s32 $0xBC00  }
0x560: {  	[tilespmem:s7], [sflag:$0x2] =	stream.indirect_vreg.gather [hbm4b:s6+s3], $0x80, v3, vm0, $0xb8;
	[tilespmem:$0x18400] =	vst v63  }
0x561: {  	_ =	swait.ge [sflag:s13], $0x6000  }
0x562: {  	[sflag:s13] =	ssyncset.done $0x0  }
0x563: {  	s9 =	simm.s32 $0xC400;
	s8 =	rddreg [dreg:$0x1e];
	[sflag:s13] =	ssyncadd.s32 $0xFFFFA000  }
0x564: {  	[hbm4b:s8+s3] =	stream.linear.scatter [tilespmem:s9], [sflag:$0x7], $0x6000, $0x38;
	[tilespmem:$0x18400] =	vst v63  }
0x565: {  	_ =	swait.ge [sflag:s14], $0x6000  }
0x566: {  	[sflag:s14] =	ssyncset.done $0x0  }
0x567: {  	[sflag:s14] =	ssyncadd.s32 $0xFFFFA000  }
0x568: {  	v3 =	vld [tilespmem:$0x3C0];
	_ =	sdelay $0x4  }
0x569: {  	v60 =	vshrl.u32 v3, $0x3  }
0x56a: {  	v4 =	vmul.u32 $0x30, v60  }
0x56b: {  	v3 =	vand.u32 $0x7, v3  }
0x56c: {  	v3 =	vor.u32 v3, v4  }
0x56d: {  	v4 =	vperm.xlane v3, v0;
	_ =	sdelay $0x1  }
0x56e: {  	v4 =	vadd.s32 v1, v4;
	_ =	sdelay $0x3  }
0x56f: {  	v3 =	vperm.xlane v3, v2  }
0x570: {  	[tilespmem:s9], [sflag:$0x3] =	stream.indirect_vreg.gather [hbm4b:s2+s3], $0x80, v4, vm0, $0xb8;
	[tilespmem:$0x18400] =	vst v63  }
0x571: {  	s28 =	simm.s32 $0xCC00;
	v3 =	vadd.s32 v1, v3  }
0x572: {  	[tilespmem:s28], [sflag:$0x3] =	stream.indirect_vreg.gather [hbm4b:s5+s3], $0x80, v4, vm0, $0xb8;
	[tilespmem:$0x18400] =	vst v63  }
0x573: {  	s29 =	simm.s32 $0xD400  }
0x574: {  	[tilespmem:s29], [sflag:$0x3] =	stream.indirect_vreg.gather [hbm4b:s6+s3], $0x80, v4, vm0, $0xb8;
	[tilespmem:$0x18400] =	vst v63  }
0x575: {  	s20 =	simm.s32 $0xDC00  }
0x576: {  	[tilespmem:s20], [sflag:$0x3] =	stream.indirect_vreg.gather [hbm4b:s2+s3], $0x80, v3, vm0, $0xb8;
	[tilespmem:$0x18400] =	vst v63  }
0x577: {  	s21 =	simm.s32 $0xE400  }
0x578: {  	[tilespmem:s21], [sflag:$0x3] =	stream.indirect_vreg.gather [hbm4b:s5+s3], $0x80, v3, vm0, $0xb8;
	[tilespmem:$0x18400] =	vst v63  }
0x579: {  	s22 =	simm.s32 $0xEC00  }
0x57a: {  	[tilespmem:s22], [sflag:$0x3] =	stream.indirect_vreg.gather [hbm4b:s6+s3], $0x80, v3, vm0, $0xb8;
	[tilespmem:$0x18400] =	vst v63  }
0x57b: {  	v3 =	vld [tilespmem:$0x3D0];
	_ =	sdelay $0x4  }
0x57c: {  	v61 =	vshrl.u32 v3, $0x3  }
0x57d: {  	v4 =	vmul.u32 $0x30, v61  }
0x57e: {  	v3 =	vand.u32 $0x7, v3  }
0x57f: {  	v3 =	vor.u32 v3, v4  }
0x580: {  	v4 =	vperm.xlane v3, v0;
	_ =	sdelay $0x1  }
0x581: {  	v4 =	vadd.s32 v1, v4;
	_ =	sdelay $0x3  }
0x582: {  	s23 =	simm.s32 $0xF400;
	v3 =	vperm.xlane v3, v2  }
0x583: {  	[tilespmem:s23], [sflag:$0x3] =	stream.indirect_vreg.gather [hbm4b:s2+s3], $0x80, v4, vm0, $0xb8;
	[tilespmem:$0x18400] =	vst v63  }
0x584: {  	s24 =	simm.s32 $0xFC00;
	v3 =	vadd.s32 v1, v3  }
0x585: {  	[tilespmem:s24], [sflag:$0x3] =	stream.indirect_vreg.gather [hbm4b:s5+s3], $0x80, v4, vm0, $0xb8;
	[tilespmem:$0x18400] =	vst v63  }
0x586: {  	s31 =	simm.s32 $0x10400  }
0x587: {  	[tilespmem:s31], [sflag:$0x3] =	stream.indirect_vreg.gather [hbm4b:s6+s3], $0x80, v4, vm0, $0xb8;
	[tilespmem:$0x18400] =	vst v63  }
0x588: {  	s25 =	simm.s32 $0x10C00  }
0x589: {  	[tilespmem:s25], [sflag:$0x3] =	stream.indirect_vreg.gather [hbm4b:s2+s3], $0x80, v3, vm0, $0xb8;
	[tilespmem:$0x18400] =	vst v63  }
0x58a: {  	s26 =	simm.s32 $0x11400  }
0x58b: {  	[tilespmem:s26], [sflag:$0x3] =	stream.indirect_vreg.gather [hbm4b:s5+s3], $0x80, v3, vm0, $0xb8;
	[tilespmem:$0x18400] =	vst v63  }
0x58c: {  	s28 =	simm.s32 $0x11C00  }
0x58d: {  	[tilespmem:s28], [sflag:$0x3] =	stream.indirect_vreg.gather [hbm4b:s6+s3], $0x80, v3, vm0, $0xb8;
	[tilespmem:$0x18400] =	vst v63  }
0x58e: {  	_ =	swait.ge [sflag:s15], $0x6000  }
0x58f: {  	[sflag:s15] =	ssyncset.done $0x0  }
0x590: {  	s30 =	simm.s32 $0x12400;
	s29 =	rddreg [dreg:$0x1f];
	[sflag:s15] =	ssyncadd.s32 $0xFFFFA000  }
0x591: {  	[hbm4b:s29+s3] =	stream.linear.scatter [tilespmem:s30], [sflag:$0x8], $0x6000, $0x38;
	[tilespmem:$0x18400] =	vst v63  }
0x592: {  	_ =	swait.ge [sflag:s16], $0x6000  }
0x593: {  	[sflag:s16] =	ssyncset.done $0x0  }
0x594: {  	[sflag:s16] =	ssyncadd.s32 $0xFFFFA000  }
0x595: {  	v3 =	vld [tilespmem:$0x3E0];
	_ =	sdelay $0x4  }
0x596: {  	v62 =	vshrl.u32 v3, $0x3  }
0x597: {  	v4 =	vmul.u32 $0x30, v62  }
0x598: {  	v3 =	vand.u32 $0x7, v3  }
0x599: {  	v3 =	vor.u32 v3, v4  }
0x59a: {  	v4 =	vperm.xlane v3, v0;
	_ =	sdelay $0x1  }
0x59b: {  	v4 =	vadd.s32 v1, v4;
	_ =	sdelay $0x3  }
0x59c: {  	v3 =	vperm.xlane v3, v2  }
0x59d: {  	[tilespmem:s30], [sflag:$0x4] =	stream.indirect_vreg.gather [hbm4b:s2+s3], $0x80, v4, vm0, $0xb8;
	[tilespmem:$0x18400] =	vst v63  }
0x59e: {  	s31 =	simm.s32 $0x12C00;
	v3 =	vadd.s32 v1, v3  }
0x59f: {  	[tilespmem:s31], [sflag:$0x4] =	stream.indirect_vreg.gather [hbm4b:s5+s3], $0x80, v4, vm0, $0xb8;
	[tilespmem:$0x18400] =	vst v63  }
0x5a0: {  	s7 =	simm.s32 $0x13400  }
0x5a1: {  	[tilespmem:s7], [sflag:$0x4] =	stream.indirect_vreg.gather [hbm4b:s6+s3], $0x80, v4, vm0, $0xb8;
	[tilespmem:$0x18400] =	vst v63  }
0x5a2: {  	s9 =	simm.s32 $0x13C00  }
0x5a3: {  	[tilespmem:s9], [sflag:$0x4] =	stream.indirect_vreg.gather [hbm4b:s2+s3], $0x80, v3, vm0, $0xb8;
	[tilespmem:$0x18400] =	vst v63  }
0x5a4: {  	s17 =	simm.s32 $0x14400  }
0x5a5: {  	[tilespmem:s17], [sflag:$0x4] =	stream.indirect_vreg.gather [hbm4b:s5+s3], $0x80, v3, vm0, $0xb8;
	[tilespmem:$0x18400] =	vst v63  }
0x5a6: {  	s20 =	simm.s32 $0x14C00  }
0x5a7: {  	[tilespmem:s20], [sflag:$0x4] =	stream.indirect_vreg.gather [hbm4b:s6+s3], $0x80, v3, vm0, $0xb8;
	[tilespmem:$0x18400] =	vst v63  }
0x5a8: {  	v3 =	vld [tilespmem:$0x3F0];
	_ =	sdelay $0x4  }
0x5a9: {  	v63 =	vshrl.u32 v3, $0x3  }
0x5aa: {  	v4 =	vmul.u32 $0x30, v63  }
0x5ab: {  	v3 =	vand.u32 $0x7, v3  }
0x5ac: {  	v3 =	vor.u32 v3, v4  }
0x5ad: {  	v4 =	vperm.xlane v3, v0;
	_ =	sdelay $0x1  }
0x5ae: {  	v4 =	vadd.s32 v1, v4;
	_ =	sdelay $0x3  }
0x5af: {  	s21 =	simm.s32 $0x15400;
	v3 =	vperm.xlane v3, v2  }
0x5b0: {  	[tilespmem:s21], [sflag:$0x4] =	stream.indirect_vreg.gather [hbm4b:s2+s3], $0x80, v4, vm0, $0xb8;
	[tilespmem:$0x18400] =	vst v63  }
0x5b1: {  	s22 =	simm.s32 $0x15C00;
	v3 =	vadd.s32 v1, v3  }
0x5b2: {  	[tilespmem:s22], [sflag:$0x4] =	stream.indirect_vreg.gather [hbm4b:s5+s3], $0x80, v4, vm0, $0xb8;
	[tilespmem:$0x18400] =	vst v63  }
0x5b3: {  	s23 =	simm.s32 $0x16400  }
0x5b4: {  	[tilespmem:s23], [sflag:$0x4] =	stream.indirect_vreg.gather [hbm4b:s6+s3], $0x80, v4, vm0, $0xb8;
	[tilespmem:$0x18400] =	vst v63  }
0x5b5: {  	s24 =	simm.s32 $0x16C00  }
0x5b6: {  	[tilespmem:s24], [sflag:$0x4] =	stream.indirect_vreg.gather [hbm4b:s2+s3], $0x80, v3, vm0, $0xb8;
	[tilespmem:$0x18400] =	vst v63  }
0x5b7: {  	s25 =	simm.s32 $0x17400  }
0x5b8: {  	[tilespmem:s25], [sflag:$0x4] =	stream.indirect_vreg.gather [hbm4b:s5+s3], $0x80, v3, vm0, $0xb8;
	[tilespmem:$0x18400] =	vst v63  }
0x5b9: {  	s26 =	simm.s32 $0x17C00  }
0x5ba: {  	[tilespmem:s26], [sflag:$0x4] =	stream.indirect_vreg.gather [hbm4b:s6+s3], $0x80, v3, vm0, $0xb8;
	[tilespmem:$0x18400] =	vst v63  }
0x5bb: {  	s0 =	sld [smem:$0x7F6];
	_ =	swait.ge [sflag:s4], $0x6000  }
0x5bc: {  	s28 =	sld [smem:$0x7F7]  }
0x5bd: {  	[sflag:s4] =	ssyncset.done $0x0  }
0x5be: {  	s18 =	simm.s32 $0x400;
	[sflag:s4] =	ssyncadd.s32 $0xFFFFA000  }
0x5bf: {  	[hbm4b:s28+s3] =	stream.linear.scatter [tilespmem:s18], [sflag:$0x5], $0x6000, $0x38;
	[tilespmem:$0x18400] =	vst v63  }
0x5c0: {  	_ =	swait.ge [sflag:s11], $0x6000  }
0x5c1: {  	s29 =	sld [smem:$0x7F8]  }
0x5c2: {  	[sflag:s11] =	ssyncset.done $0x0  }
0x5c3: {  	s19 =	simm.s32 $0x6400;
	[sflag:s11] =	ssyncadd.s32 $0xFFFFA000  }
0x5c4: {  	[hbm4b:s29+s3] =	stream.linear.scatter [tilespmem:s19], [sflag:$0x6], $0x6000, $0x38;
	[tilespmem:$0x18400] =	vst v63  }
0x5c5: {  	_ =	swait.ge [sflag:s13], $0x6000  }
0x5c6: {  	s30 =	sld [smem:$0x7F9]  }
0x5c7: {  	[sflag:s13] =	ssyncset.done $0x0  }
0x5c8: {  	s8 =	simm.s32 $0xC400;
	[sflag:s13] =	ssyncadd.s32 $0xFFFFA000  }
0x5c9: {  	[hbm4b:s30+s3] =	stream.linear.scatter [tilespmem:s8], [sflag:$0x7], $0x6000, $0x38;
	[tilespmem:$0x18400] =	vst v63  }
0x5ca: {  	_ =	swait.ge [sflag:s15], $0x6000  }
0x5cb: {  	s31 =	sld [smem:$0x7FB]  }
0x5cc: {  	[sflag:s15] =	ssyncset.done $0x0  }
0x5cd: {  	s1 =	simm.s32 $0x12400;
	[sflag:s15] =	ssyncadd.s32 $0xFFFFA000  }
0x5ce: {  	[hbm4b:s31+s3] =	stream.linear.scatter [tilespmem:s1], [sflag:$0x8], $0x6000, $0x38;
	[tilespmem:$0x18400] =	vst v63  }
0x5cf: {  	_ =	swait.ge [sflag:s10], $0x6000  }
0x5d0: {  	[sflag:s10] =	ssyncset.done $0x0  }
0x5d1: {  	[sflag:s10] =	ssyncadd.s32 $0xFFFFA000  }
0x5d2: {  	_ =	swait.ge [sflag:s12], $0x6000  }
0x5d3: {  	[sflag:s12] =	ssyncset.done $0x0  }
0x5d4: {  	[sflag:s12] =	ssyncadd.s32 $0xFFFFA000  }
0x5d5: {  	p0 =	sne.s32 s0, $0x1;
	_ =	swait.ge [sflag:s14], $0x6000  }
.Ltmp0:
0x5d6: {  	[sflag:s14] =	ssyncset.done $0x0;
	(pc) =	sbr.rel @p0 .LBB2_1-.Ltmp0, $4  }
0x5d7: {  	[sflag:s14] =	ssyncadd.s32 $0xFFFFA000  }
0x5d8: {  	_ =	swait.ge [sflag:s16], $0x6000  }
0x5d9: {  	[sflag:s16] =	ssyncset.done $0x0  }
0x5da: {  	s0 =	sadd.s32 $0xFFFFFFFF, s0;
	[sflag:s16] =	ssyncadd.s32 $0xFFFFA000  }
0x5db: {  	_ =	sfence.sel $0x180000  }
0x5dc: {  	[bflag:$0x0] =	sbarrier.arrive $0xFFFF  }
0x5dd: {  	_ =	strace $0x90000047  }
0x5de: {  	s0 =	stileid.u32;
	[bflag:$0x2] =	sbarrier.arrive $0xFFFF  }
0x5df: {  	p0 =	sne.s32 s0, $0x0;
	s0 =	rddreg [dreg:$0x3]  }
0x5e0: {  	s0 =	sadd.s32 @!p0 $0x100000, s0  }
0x5e1: {  	[sflag:s0] =	ssyncadd.tile.s32 @!p0 $0x1;
	_ =	shalt  }
.Lfunc_end2:
_tile_overlayer_lowered:
.L_overlay_start_2:
0x5e2: {  	(tag) =	ssettag $0x2  }
0x5e3: {  	s0 =	rddreg [dreg:$0x0];
	s2 =	stileid.u32  }
0x5e4: {  	s1 =	rddreg [dreg:$0x1];
	p0 =	sne.s32 s2, $0x0  }
0x5e5: {  	s3 =	rddreg [dreg:$0x2];
	[bflag:$0x3] =	sbarrier.arrive $0xFFFF;
	s2 =	simm.s32 @!p0 $0x1C09  }
0x5e6: {  	[timem:s3], [sflag:s2] =	dma.local @!p0 [hbm:s0], s1  }
0x5e7: {  	s0 =	simm.s32 @!p0 $0x9  }
0x5e8: {  	_ =	swait.ge @!p0 [sflag:s0], s1  }
0x5e9: {  	s1 =	ssub.s32 @!p0 $0x0, s1;
	[sflag:s0] =	ssyncset.done @!p0 $0x0  }
0x5ea: {  	[sflag:s0] =	ssyncadd.s32 @!p0 s1  }
0x5eb: {  	[bflag:$0x3] =	sbarrier.arrive $0xFFFF  }
0x5ec: {  	_ =	shalt  }

</sc_bundles>
